<compile_context>
chip_gen: v7x
topology: tpu7x:2x2x1
jax: 0.10.2.dev20260603
libtpu: 0.0.44.dev20260713+nightly
codegen_flags: <defaults>
</compile_context>

<pallas_src>
import functools

import jax
import jax.numpy as jnp
import numpy as np
from jax import lax
from jax.experimental import pallas as pl
from jax.experimental.pallas import tpu as pltpu
from jax.experimental.pallas import tpu_sc as plsc

_N = 10000
_E = 320000
_D = 128
_HC = 64
_SW = 96

_NC = 2
_NS = 16
_NW = _NC * _NS
_CHUNK = 128
_CPT = 80
_EPAD = _NW * _CPT * _CHUNK
_ACC_ROWS = 10112
_RPT = _ACC_ROWS // _NS


def _stage_chan(p):
    v, l = divmod(p, 16)
    return 8 * (4 * (v // 2) + l // 4) + 4 * (v % 2) + l % 4


_CPT0 = 64
_CPT1 = 96


def _shuf(v, idx):
    dnums = lax.GatherDimensionNumbers(
        offset_dims=(), collapsed_slice_dims=(0,), start_index_map=(0,))
    return lax.gather(v, idx[:, None], dnums, (1,),
                      mode=lax.GatherScatterMode.PROMISE_IN_BOUNDS)


def _project(x, w1, w2):

    def body(x_ref, w1_ref, w2_ref, o1_ref, o2_ref):
        xb = x_ref[...]
        o1_ref[...] = jnp.dot(xb, w1_ref[...],
                              preferred_element_type=jnp.float32)
        o2_ref[...] = jnp.dot(xb, w2_ref[...],
                              preferred_element_type=jnp.float32)

    return pl.pallas_call(
        body,
        grid=(5,),
        in_specs=[
            pl.BlockSpec((2000, _D), lambda i: (i, 0)),
            pl.BlockSpec((_D, _HC), lambda i: (0, 0)),
            pl.BlockSpec((_D, _HC), lambda i: (0, 0)),
        ],
        out_specs=[
            pl.BlockSpec((2000, _HC), lambda i: (i, 0)),
            pl.BlockSpec((2000, _HC), lambda i: (i, 0)),
        ],
        out_shape=[
            jax.ShapeDtypeStruct((_N, _HC), jnp.float32),
            jax.ShapeDtypeStruct((_N, _HC), jnp.float32),
        ],
    )(x, w1, w2)


def _sc_edge_pass(p1, p2, src, dst, a_perm, zeros):
    mesh = plsc.VectorSubcoreMesh(core_axis_name="c", subcore_axis_name="s")

    @functools.partial(
        pl.kernel,
        mesh=mesh,
        compiler_params=pltpu.CompilerParams(use_tc_tiling_on_sc=False),
        out_type=jax.ShapeDtypeStruct((_NC, _ACC_ROWS, _SW), jnp.float32),
        scratch_types=[
            pltpu.VMEM((2, _CHUNK), jnp.int32),
            pltpu.VMEM((2, _CHUNK), jnp.int32),
            pltpu.VMEM((2, _CHUNK, _HC), jnp.float32),
            pltpu.VMEM((2, _CHUNK, _HC), jnp.float32),
            pltpu.VMEM((_CHUNK, _SW), jnp.float32),
            pltpu.VMEM((_CHUNK,), jnp.int32),
            pltpu.VMEM((_HC,), jnp.float32),
            pltpu.VMEM_SHARED((_ACC_ROWS, _SW), jnp.float32),
            pltpu.SemaphoreType.DMA,
            pltpu.SemaphoreType.DMA,
            pltpu.SemaphoreType.DMA,
            pltpu.SemaphoreType.DMA,
        ],
    )
    def k(p1_hbm, p2_hbm, src_hbm, dst_hbm, a_hbm, z_hbm, out_hbm,
          sidx, didx, g1, g2, stage, dscat, a_v, acc,
          isem0, isem1, gsem0, gsem1):
        cid = lax.axis_index("c")
        sid = lax.axis_index("s")
        wid = cid * _NS + sid
        isem = [isem0, isem1]
        gsem = [gsem0, gsem1]

        def chunk_base(c):
            cc = jnp.minimum(c, _CPT - 1)
            return (wid * _CPT + cc) * _CHUNK

        def issue_idx(c, b):
            base = chunk_base(c)
            pltpu.async_copy(src_hbm.at[pl.ds(base, _CHUNK)], sidx.at[b],
                             isem[b])
            pltpu.async_copy(dst_hbm.at[pl.ds(base, _CHUNK)], didx.at[b],
                             isem[b])

        def wait_idx(b):
            pltpu.make_async_copy(src_hbm.at[pl.ds(0, _CHUNK)], sidx.at[b],
                                  isem[b]).wait()
            pltpu.make_async_copy(dst_hbm.at[pl.ds(0, _CHUNK)], didx.at[b],
                                  isem[b]).wait()

        def issue_gathers(b):
            pltpu.async_copy(p1_hbm.at[sidx.at[b]], g1.at[b], gsem[b])
            pltpu.async_copy(p2_hbm.at[didx.at[b]], g2.at[b], gsem[b])

        def wait_gathers(b):
            pltpu.make_async_copy(p1_hbm.at[sidx.at[b]], g1.at[b],
                                  gsem[b]).wait()
            pltpu.make_async_copy(p2_hbm.at[didx.at[b]], g2.at[b],
                                  gsem[b]).wait()

        pltpu.sync_copy(z_hbm.at[pl.ds(sid * _RPT, _RPT)],
                        acc.at[pl.ds(sid * _RPT, _RPT)])
        pltpu.sync_copy(a_hbm, a_v)
        plsc.subcore_barrier()

        iot = lax.iota(jnp.int32, 16)
        x2 = jnp.bitwise_xor(iot, 2)
        x1 = jnp.bitwise_xor(iot, 1)
        a_g = [a_v[pl.ds(16 * g, 16)] for g in range(4)]

        issue_idx(0, 0)
        issue_idx(1, 1)
        wait_idx(0)
        issue_gathers(0)

        def pair_body(tp, carry):
            for b in range(2):
                c = 2 * tp + b
                wait_idx(1 - b)
                issue_gathers(1 - b)
                wait_gathers(b)
                for tcopy in range(_CHUNK // 16):
                    dscat[pl.ds(16 * tcopy, 16)] = didx[b, pl.ds(16 * tcopy, 16)]
                issue_idx(c + 2, b)

                @plsc.parallel_loop(0, _CHUNK, unroll=8)
                def edge(j):
                    for pair in range(2):
                        ra1 = g1[b, j, pl.ds(32 * pair, 16)]
                        rb1 = g1[b, j, pl.ds(32 * pair + 16, 16)]
                        ua = ra1 + g2[b, j, pl.ds(32 * pair, 16)]
                        ub = rb1 + g2[b, j, pl.ds(32 * pair + 16, 16)]
                        ta = jnp.maximum(ua, 0.3 * ua) * a_g[2 * pair]
                        tb = jnp.maximum(ub, 0.3 * ub) * a_g[2 * pair + 1]
                        t = ta + tb
                        t = t + _shuf(t, x2)
                        t = t + _shuf(t, x1)
                        w = jnp.exp(t)
                        stage[j, pl.ds(32 * pair, 16)] = ra1 * w
                        stage[j, pl.ds(32 * pair + 16, 16)] = rb1 * w
                        stage[j, pl.ds(_HC + 16 * pair, 16)] = w
                pltpu.sync_copy(stage, acc.at[dscat], add=True)
            return carry

        lax.fori_loop(0, _CPT // 2, pair_body, 0)
        wait_idx(1)
        wait_gathers(0)
        plsc.subcore_barrier()
        pltpu.sync_copy(acc.at[pl.ds(sid * _RPT, _RPT)],
                        out_hbm.at[cid, pl.ds(sid * _RPT, _RPT)])

    return k(p1, p2, src, dst, a_perm, zeros)


def _perm_mats():
    m = np.zeros((_HC, _HC), np.float32)
    for p in range(_HC):
        m[p, _stage_chan(p)] = 1.0
    md = np.zeros((32, _HC), np.float32)
    for c in range(_HC):
        h = c // 8
        md[16 * (h // 4) + 4 * (h % 4), c] = 1.0
    return jnp.asarray(m), jnp.asarray(md)


def _combine(parts, m_num, m_den):

    def body(p_ref, mn_ref, md_ref, o_ref):
        s = p_ref[0] + p_ref[1]
        num = jnp.dot(s[:, :_HC], mn_ref[...],
                      preferred_element_type=jnp.float32,
                      precision=lax.Precision.HIGHEST)
        den = jnp.dot(s[:, _HC:], md_ref[...],
                      preferred_element_type=jnp.float32,
                      precision=lax.Precision.HIGHEST)
        o_ref[...] = jnp.where(den > 0.0, num / den, 0.0)

    return pl.pallas_call(
        body,
        grid=(8,),
        in_specs=[
            pl.BlockSpec((2, _ACC_ROWS // 8, _SW), lambda i: (0, i, 0)),
            pl.BlockSpec((_HC, _HC), lambda i: (0, 0)),
            pl.BlockSpec((32, _HC), lambda i: (0, 0)),
        ],
        out_specs=pl.BlockSpec((_ACC_ROWS // 8, _HC), lambda i: (i, 0)),
        out_shape=jax.ShapeDtypeStruct((_ACC_ROWS, _HC), jnp.float32),
    )(parts, m_num, m_den)


def kernel(x, edge_index, w1, w2, a):
    src = edge_index[0].astype(jnp.int32)
    dst = edge_index[1].astype(jnp.int32)
    npad = _EPAD - _E
    src = jnp.concatenate([src, jnp.zeros((npad,), jnp.int32)])
    junk = _N + jnp.arange(npad, dtype=jnp.int32) % (_ACC_ROWS - _N)
    dst = jnp.concatenate([dst, junk])
    jcols = jnp.asarray(np.array([_stage_chan(p) for p in range(_HC)],
                                 np.int32))
    p1, p2 = _project(x, w1[:, jcols], w2[:, jcols])
    zeros = jnp.zeros((_ACC_ROWS, _SW), jnp.float32)
    a_perm = a.reshape(_HC)[jcols]
    parts = _sc_edge_pass(p1, p2, src, dst, a_perm, zeros)
    m_num, m_den = _perm_mats()
    return _combine(parts, m_num, m_den)[:_N]

# --- scband reference (transcript-rebuilt; emitter-appended) ---
"""Pipeline reference for scband-gatv2-convolution-20641612825476 (READ-ONLY COPY).

The authoritative reference and input builder live on the scoring server;
editing this copy changes nothing except your own understanding.
"""

import jax, jax.numpy as jnp
import numpy as np

N = 10000
E = 320000
D = 128
H = 8
C = 8

def _glorot(key, shape):
    fan_in, fan_out = shape[0], shape[1]
    limit = jnp.sqrt(6.0 / (fan_in + fan_out))
    return jax.random.uniform(key, shape, jnp.float32, -limit, limit)

def setup_inputs(seed: int = 0):
    key = jax.random.key(seed)
    k1, k2, k3, k4, k5 = jax.random.split(key, 5)
    x = jax.random.normal(k1, (N, D), jnp.float32)
    edge_index = jax.random.randint(k2, (2, E), 0, N).astype(jnp.int64)
    w1 = _glorot(k3, (D, H * C))
    w2 = _glorot(k4, (D, H * C))
    a = _glorot(k5, (1, H * C))
    return {"x": x, "edge_index": edge_index, "w1": w1, "w2": w2, "a": a}

def reference(x, edge_index, w1, w2, a):
    # dropout layers are identity at inference
    src = edge_index[0]
    dst = edge_index[1]
    hi = jnp.take(x, src, axis=0) @ w1          # broadcast SOURCE -> edges, project
    hj = jnp.take(x, dst, axis=0) @ w2          # broadcast TARGET -> edges, project
    e = jax.nn.leaky_relu(hi + hj, negative_slope=0.3)  # tf.keras LeakyReLU default alpha=0.3
    e = e * a
    e = e.reshape(-1, H, C)
    e = jnp.sum(e, axis=-1, keepdims=True)      # [E, H, 1]
    # softmax over edges incident to each TARGET node (tfgnn.softmax per TARGET)
    e_max = jax.ops.segment_max(e, dst, num_segments=N)
    e_max = jnp.where(jnp.isfinite(e_max), e_max, 0.0)
    e_max = jax.lax.stop_gradient(e_max)
    e_exp = jnp.exp(e - jnp.take(e_max, dst, axis=0))
    denom = jax.ops.segment_sum(e_exp, dst, num_segments=N)
    attention = e_exp / jnp.take(denom, dst, axis=0)
    hi = hi.reshape(-1, H, C) * attention
    hi = hi.reshape(-1, H * C)
    h = jax.ops.segment_sum(hi, dst, num_segments=N)  # pool edges -> TARGET nodes
    return h

if __name__ == "__main__":
    import jax
    _d = setup_inputs()
    print(jax.jit(kernel)(*tuple(_d.values())))

</pallas_src>

<mosaic_0001>
#map = affine_map<(d0, d1) -> (0, 0)>
#map1 = affine_map<(d0, d1) -> (0)>
#map2 = affine_map<(d0, d1) -> (0, 0, 0)>
module attributes {stable_mosaic.version = 14 : i64} {
  func.func @k(%arg0: i32, %arg1: i32, %arg2: memref<10000x64xf32, #tpu.memory_space<hbm>>, %arg3: memref<10000x64xf32, #tpu.memory_space<hbm>>, %arg4: memref<327680xi32, #tpu.memory_space<hbm>>, %arg5: memref<327680xi32, #tpu.memory_space<hbm>>, %arg6: memref<64xf32, #tpu.memory_space<hbm>>, %arg7: memref<10112x96xf32, #tpu.memory_space<hbm>>, %arg8: memref<2x10112x96xf32, #tpu.memory_space<hbm>>, %arg9: memref<2x128xi32, #tpu.memory_space<vmem>>, %arg10: memref<2x128xi32, #tpu.memory_space<vmem>>, %arg11: memref<2x128x64xf32, #tpu.memory_space<vmem>>, %arg12: memref<2x128x64xf32, #tpu.memory_space<vmem>>, %arg13: memref<128x96xf32, #tpu.memory_space<vmem>>, %arg14: memref<128xi32, #tpu.memory_space<vmem>>, %arg15: memref<64xf32, #tpu.memory_space<vmem>>, %arg16: memref<10112x96xf32, #tpu.memory_space<vmem_shared>>, %arg17: memref<!tpu.dma_semaphore, #tpu.memory_space<semaphore_mem>>, %arg18: memref<!tpu.dma_semaphore, #tpu.memory_space<semaphore_mem>>, %arg19: memref<!tpu.dma_semaphore, #tpu.memory_space<semaphore_mem>>, %arg20: memref<!tpu.dma_semaphore, #tpu.memory_space<semaphore_mem>>) attributes {dimension_semantics = [#tpu.dimension_semantics<core_parallel>, #tpu.dimension_semantics<subcore_parallel>], iteration_bounds = array<i64: 2, 16>, scalar_prefetch = 0 : i64, scratch_operands = 12 : i64, tpu.core_type = #tpu.core_type<sc_vector_subcore>, window_params = [{transform_indices = #map}, {transform_indices = #map}, {transform_indices = #map1}, {transform_indices = #map1}, {transform_indices = #map1}, {transform_indices = #map}, {transform_indices = #map2}]} {
    %mul3A = arith.constant 16 : i32
    %mul3A_0 = arith.muli %arg0, %mul3A : i32
    %add3A = arith.addi %mul3A_0, %arg1 : i32
    %mul3A_1 = arith.constant 632 : i32
    %mul3A_2 = arith.muli %arg1, %mul3A_1 : i32
    %mul3A_3 = arith.constant 632 : i32
    %mul3A_4 = arith.muli %arg1, %mul3A_3 : i32
    "tpu.region"() ({
      %run_scoped3A = tpu.sem_alloc : memref<!tpu.dma_semaphore, #tpu.memory_space<semaphore_mem>>
      %dma_start3A_172 = arith.constant 0 : i32
      %dma_start3A_173 = tpu.memref_slice %arg16[%mul3A_4, %dma_start3A_172] : memref<10112x96xf32, #tpu.memory_space<vmem_shared>> -> memref<632x96xf32, #tpu.memory_space<vmem_shared>>
      %dma_start3A_174 = arith.constant 0 : i32
      %dma_start3A_175 = tpu.memref_slice %arg7[%mul3A_2, %dma_start3A_174] : memref<10112x96xf32, #tpu.memory_space<hbm>> -> memref<632x96xf32, #tpu.memory_space<hbm>>
      tpu.enqueue_dma source(%dma_start3A_175 : memref<632x96xf32, #tpu.memory_space<hbm>>) target(%dma_start3A_173 : memref<632x96xf32, #tpu.memory_space<vmem_shared>>) target_semaphore(%run_scoped3A : memref<!tpu.dma_semaphore, #tpu.memory_space<semaphore_mem>>)
      %dma_wait3A_176 = arith.constant 0 : i32
      %dma_wait3A_177 = tpu.memref_slice %arg16[%mul3A_4, %dma_wait3A_176] : memref<10112x96xf32, #tpu.memory_space<vmem_shared>> -> memref<632x96xf32, #tpu.memory_space<vmem_shared>>
      %dma_wait3A_178 = arith.constant 0 : i32
      %dma_wait3A_179 = tpu.memref_slice %arg7[%mul3A_2, %dma_wait3A_178] : memref<10112x96xf32, #tpu.memory_space<hbm>> -> memref<632x96xf32, #tpu.memory_space<hbm>>
      tpu.wait_dma2 semaphore(%run_scoped3A : memref<!tpu.dma_semaphore, #tpu.memory_space<semaphore_mem>>) src(%dma_wait3A_179 : memref<632x96xf32, #tpu.memory_space<hbm>>) dst(%dma_wait3A_177 : memref<632x96xf32, #tpu.memory_space<vmem_shared>>)
      tpu.yield
    }) : () -> ()
    "tpu.region"() ({
      %run_scoped3A = tpu.sem_alloc : memref<!tpu.dma_semaphore, #tpu.memory_space<semaphore_mem>>
      tpu.enqueue_dma source(%arg6 : memref<64xf32, #tpu.memory_space<hbm>>) target(%arg15 : memref<64xf32, #tpu.memory_space<vmem>>) target_semaphore(%run_scoped3A : memref<!tpu.dma_semaphore, #tpu.memory_space<semaphore_mem>>)
      tpu.wait_dma2 semaphore(%run_scoped3A : memref<!tpu.dma_semaphore, #tpu.memory_space<semaphore_mem>>) src(%arg6 : memref<64xf32, #tpu.memory_space<hbm>>) dst(%arg15 : memref<64xf32, #tpu.memory_space<vmem>>)
      tpu.yield
    }) : () -> ()
    %barrier3A = arith.constant 0 : index
    tpu.barrier barrier_id(%barrier3A)
    %iota3A = tpu.iota {dimensions = array<i32: 0>} : vector<16xi32>
    %xor3A = arith.constant 2 : i32
    %xor3A_5 = vector.broadcast %xor3A : i32 to vector<16xi32>
    %xor3A_6 = arith.xori %iota3A, %xor3A_5 : vector<16xi32>
    %xor3A_7 = arith.constant 1 : i32
    %xor3A_8 = vector.broadcast %xor3A_7 : i32 to vector<16xi32>
    %xor3A_9 = arith.xori %iota3A, %xor3A_8 : vector<16xi32>
    %get3A = arith.constant 0 : index
    %get3A_10 = tpu.vector_load %arg15[%get3A] {strides = array<i32>} : memref<64xf32, #tpu.memory_space<vmem>>, vector<16xf32>,
    %get3A_11 = vector.shape_cast %get3A_10 : vector<16xf32> to vector<16xf32>
    %get3A_12 = arith.constant 16 : index
    %get3A_13 = tpu.vector_load %arg15[%get3A_12] {strides = array<i32>} : memref<64xf32, #tpu.memory_space<vmem>>, vector<16xf32>,
    %get3A_14 = vector.shape_cast %get3A_13 : vector<16xf32> to vector<16xf32>
    %get3A_15 = arith.constant 32 : index
    %get3A_16 = tpu.vector_load %arg15[%get3A_15] {strides = array<i32>} : memref<64xf32, #tpu.memory_space<vmem>>, vector<16xf32>,
    %get3A_17 = vector.shape_cast %get3A_16 : vector<16xf32> to vector<16xf32>
    %get3A_18 = arith.constant 48 : index
    %get3A_19 = tpu.vector_load %arg15[%get3A_18] {strides = array<i32>} : memref<64xf32, #tpu.memory_space<vmem>>, vector<16xf32>,
    %get3A_20 = vector.shape_cast %get3A_19 : vector<16xf32> to vector<16xf32>
    %min3A = arith.constant 0 : i32
    %min3A_21 = arith.constant 79 : i32
    %min3A_22 = arith.minsi %min3A, %min3A_21 : i32
    %mul3A_23 = arith.constant 80 : i32
    %mul3A_24 = arith.muli %add3A, %mul3A_23 : i32
    %add3A_25 = arith.addi %mul3A_24, %min3A_22 : i32
    %mul3A_26 = arith.constant 128 : i32
    %mul3A_27 = arith.muli %add3A_25, %mul3A_26 : i32
    %dma_start3A = arith.constant 0 : i32
    %dma_start3A_28 = arith.constant 0 : i32
    %dma_start3A_29 = tpu.memref_slice %arg9[%dma_start3A, %dma_start3A_28] : memref<2x128xi32, #tpu.memory_space<vmem>> -> memref<1x128xi32, #tpu.memory_space<vmem>>
    %dma_start3A_30 = tpu.memref_squeeze %dma_start3A_29 : memref<1x128xi32, #tpu.memory_space<vmem>> -> memref<128xi32, #tpu.memory_space<vmem>>
    %dma_start3A_31 = tpu.memref_slice %arg4[%mul3A_27] : memref<327680xi32, #tpu.memory_space<hbm>> -> memref<128xi32, #tpu.memory_space<hbm>>
    %dma_start3A_32 = arith.constant 0 : i32
    %dma_start3A_33 = tpu.memref_slice %arg9[%dma_start3A, %dma_start3A_32] : memref<2x128xi32, #tpu.memory_space<vmem>> -> memref<1x128xi32, #tpu.memory_space<vmem>>
    %dma_start3A_34 = tpu.memref_squeeze %dma_start3A_33 : memref<1x128xi32, #tpu.memory_space<vmem>> -> memref<128xi32, #tpu.memory_space<vmem>>
    %dma_start3A_35 = tpu.memref_slice %arg4[%mul3A_27] : memref<327680xi32, #tpu.memory_space<hbm>> -> memref<128xi32, #tpu.memory_space<hbm>>
    tpu.enqueue_dma source(%dma_start3A_35 : memref<128xi32, #tpu.memory_space<hbm>>) target(%dma_start3A_34 : memref<128xi32, #tpu.memory_space<vmem>>) target_semaphore(%arg17 : memref<!tpu.dma_semaphore, #tpu.memory_space<semaphore_mem>>)
    %dma_start3A_36 = arith.constant 0 : i32
    %dma_start3A_37 = arith.constant 0 : i32
    %dma_start3A_38 = tpu.memref_slice %arg10[%dma_start3A_36, %dma_start3A_37] : memref<2x128xi32, #tpu.memory_space<vmem>> -> memref<1x128xi32, #tpu.memory_space<vmem>>
    %dma_start3A_39 = tpu.memref_squeeze %dma_start3A_38 : memref<1x128xi32, #tpu.memory_space<vmem>> -> memref<128xi32, #tpu.memory_space<vmem>>
    %dma_start3A_40 = tpu.memref_slice %arg5[%mul3A_27] : memref<327680xi32, #tpu.memory_space<hbm>> -> memref<128xi32, #tpu.memory_space<hbm>>
    %dma_start3A_41 = arith.constant 0 : i32
    %dma_start3A_42 = tpu.memref_slice %arg10[%dma_start3A_36, %dma_start3A_41] : memref<2x128xi32, #tpu.memory_space<vmem>> -> memref<1x128xi32, #tpu.memory_space<vmem>>
    %dma_start3A_43 = tpu.memref_squeeze %dma_start3A_42 : memref<1x128xi32, #tpu.memory_space<vmem>> -> memref<128xi32, #tpu.memory_space<vmem>>
    %dma_start3A_44 = tpu.memref_slice %arg5[%mul3A_27] : memref<327680xi32, #tpu.memory_space<hbm>> -> memref<128xi32, #tpu.memory_space<hbm>>
    tpu.enqueue_dma source(%dma_start3A_44 : memref<128xi32, #tpu.memory_space<hbm>>) target(%dma_start3A_43 : memref<128xi32, #tpu.memory_space<vmem>>) target_semaphore(%arg17 : memref<!tpu.dma_semaphore, #tpu.memory_space<semaphore_mem>>)
    %min3A_45 = arith.constant 1 : i32
    %min3A_46 = arith.constant 79 : i32
    %min3A_47 = arith.minsi %min3A_45, %min3A_46 : i32
    %mul3A_48 = arith.constant 80 : i32
    %mul3A_49 = arith.muli %add3A, %mul3A_48 : i32
    %add3A_50 = arith.addi %mul3A_49, %min3A_47 : i32
    %mul3A_51 = arith.constant 128 : i32
    %mul3A_52 = arith.muli %add3A_50, %mul3A_51 : i32
    %dma_start3A_53 = arith.constant 1 : i32
    %dma_start3A_54 = arith.constant 0 : i32
    %dma_start3A_55 = tpu.memref_slice %arg9[%dma_start3A_53, %dma_start3A_54] : memref<2x128xi32, #tpu.memory_space<vmem>> -> memref<1x128xi32, #tpu.memory_space<vmem>>
    %dma_start3A_56 = tpu.memref_squeeze %dma_start3A_55 : memref<1x128xi32, #tpu.memory_space<vmem>> -> memref<128xi32, #tpu.memory_space<vmem>>
    %dma_start3A_57 = tpu.memref_slice %arg4[%mul3A_52] : memref<327680xi32, #tpu.memory_space<hbm>> -> memref<128xi32, #tpu.memory_space<hbm>>
    %dma_start3A_58 = arith.constant 0 : i32
    %dma_start3A_59 = tpu.memref_slice %arg9[%dma_start3A_53, %dma_start3A_58] : memref<2x128xi32, #tpu.memory_space<vmem>> -> memref<1x128xi32, #tpu.memory_space<vmem>>
    %dma_start3A_60 = tpu.memref_squeeze %dma_start3A_59 : memref<1x128xi32, #tpu.memory_space<vmem>> -> memref<128xi32, #tpu.memory_space<vmem>>
    %dma_start3A_61 = tpu.memref_slice %arg4[%mul3A_52] : memref<327680xi32, #tpu.memory_space<hbm>> -> memref<128xi32, #tpu.memory_space<hbm>>
    tpu.enqueue_dma source(%dma_start3A_61 : memref<128xi32, #tpu.memory_space<hbm>>) target(%dma_start3A_60 : memref<128xi32, #tpu.memory_space<vmem>>) target_semaphore(%arg18 : memref<!tpu.dma_semaphore, #tpu.memory_space<semaphore_mem>>)
    %dma_start3A_62 = arith.constant 1 : i32
    %dma_start3A_63 = arith.constant 0 : i32
    %dma_start3A_64 = tpu.memref_slice %arg10[%dma_start3A_62, %dma_start3A_63] : memref<2x128xi32, #tpu.memory_space<vmem>> -> memref<1x128xi32, #tpu.memory_space<vmem>>
    %dma_start3A_65 = tpu.memref_squeeze %dma_start3A_64 : memref<1x128xi32, #tpu.memory_space<vmem>> -> memref<128xi32, #tpu.memory_space<vmem>>
    %dma_start3A_66 = tpu.memref_slice %arg5[%mul3A_52] : memref<327680xi32, #tpu.memory_space<hbm>> -> memref<128xi32, #tpu.memory_space<hbm>>
    %dma_start3A_67 = arith.constant 0 : i32
    %dma_start3A_68 = tpu.memref_slice %arg10[%dma_start3A_62, %dma_start3A_67] : memref<2x128xi32, #tpu.memory_space<vmem>> -> memref<1x128xi32, #tpu.memory_space<vmem>>
    %dma_start3A_69 = tpu.memref_squeeze %dma_start3A_68 : memref<1x128xi32, #tpu.memory_space<vmem>> -> memref<128xi32, #tpu.memory_space<vmem>>
    %dma_start3A_70 = tpu.memref_slice %arg5[%mul3A_52] : memref<327680xi32, #tpu.memory_space<hbm>> -> memref<128xi32, #tpu.memory_space<hbm>>
    tpu.enqueue_dma source(%dma_start3A_70 : memref<128xi32, #tpu.memory_space<hbm>>) target(%dma_start3A_69 : memref<128xi32, #tpu.memory_space<vmem>>) target_semaphore(%arg18 : memref<!tpu.dma_semaphore, #tpu.memory_space<semaphore_mem>>)
    %dma_wait3A = arith.constant 0 : i32
    %dma_wait3A_71 = arith.constant 0 : i32
    %dma_wait3A_72 = tpu.memref_slice %arg9[%dma_wait3A, %dma_wait3A_71] : memref<2x128xi32, #tpu.memory_space<vmem>> -> memref<1x128xi32, #tpu.memory_space<vmem>>
    %dma_wait3A_73 = tpu.memref_squeeze %dma_wait3A_72 : memref<1x128xi32, #tpu.memory_space<vmem>> -> memref<128xi32, #tpu.memory_space<vmem>>
    %dma_wait3A_74 = arith.constant 0 : i32
    %dma_wait3A_75 = tpu.memref_slice %arg4[%dma_wait3A_74] : memref<327680xi32, #tpu.memory_space<hbm>> -> memref<128xi32, #tpu.memory_space<hbm>>
    %dma_wait3A_76 = arith.constant 0 : i32
    %dma_wait3A_77 = tpu.memref_slice %arg9[%dma_wait3A, %dma_wait3A_76] : memref<2x128xi32, #tpu.memory_space<vmem>> -> memref<1x128xi32, #tpu.memory_space<vmem>>
    %dma_wait3A_78 = tpu.memref_squeeze %dma_wait3A_77 : memref<1x128xi32, #tpu.memory_space<vmem>> -> memref<128xi32, #tpu.memory_space<vmem>>
    %dma_wait3A_79 = arith.constant 0 : i32
    %dma_wait3A_80 = tpu.memref_slice %arg4[%dma_wait3A_79] : memref<327680xi32, #tpu.memory_space<hbm>> -> memref<128xi32, #tpu.memory_space<hbm>>
    tpu.wait_dma2 semaphore(%arg17 : memref<!tpu.dma_semaphore, #tpu.memory_space<semaphore_mem>>) src(%dma_wait3A_80 : memref<128xi32, #tpu.memory_space<hbm>>) dst(%dma_wait3A_78 : memref<128xi32, #tpu.memory_space<vmem>>)
    %dma_wait3A_81 = arith.constant 0 : i32
    %dma_wait3A_82 = arith.constant 0 : i32
    %dma_wait3A_83 = tpu.memref_slice %arg10[%dma_wait3A_81, %dma_wait3A_82] : memref<2x128xi32, #tpu.memory_space<vmem>> -> memref<1x128xi32, #tpu.memory_space<vmem>>
    %dma_wait3A_84 = tpu.memref_squeeze %dma_wait3A_83 : memref<1x128xi32, #tpu.memory_space<vmem>> -> memref<128xi32, #tpu.memory_space<vmem>>
    %dma_wait3A_85 = arith.constant 0 : i32
    %dma_wait3A_86 = tpu.memref_slice %arg5[%dma_wait3A_85] : memref<327680xi32, #tpu.memory_space<hbm>> -> memref<128xi32, #tpu.memory_space<hbm>>
    %dma_wait3A_87 = arith.constant 0 : i32
    %dma_wait3A_88 = tpu.memref_slice %arg10[%dma_wait3A_81, %dma_wait3A_87] : memref<2x128xi32, #tpu.memory_space<vmem>> -> memref<1x128xi32, #tpu.memory_space<vmem>>
    %dma_wait3A_89 = tpu.memref_squeeze %dma_wait3A_88 : memref<1x128xi32, #tpu.memory_space<vmem>> -> memref<128xi32, #tpu.memory_space<vmem>>
    %dma_wait3A_90 = arith.constant 0 : i32
    %dma_wait3A_91 = tpu.memref_slice %arg5[%dma_wait3A_90] : memref<327680xi32, #tpu.memory_space<hbm>> -> memref<128xi32, #tpu.memory_space<hbm>>
    tpu.wait_dma2 semaphore(%arg17 : memref<!tpu.dma_semaphore, #tpu.memory_space<semaphore_mem>>) src(%dma_wait3A_91 : memref<128xi32, #tpu.memory_space<hbm>>) dst(%dma_wait3A_89 : memref<128xi32, #tpu.memory_space<vmem>>)
    %dma_start3A_92 = arith.constant 0 : i32
    %dma_start3A_93 = arith.constant 0 : i32
    %dma_start3A_94 = arith.constant 0 : i32
    %dma_start3A_95 = arith.constant 0 : i32
    %dma_start3A_96 = tpu.memref_slice %arg11[%dma_start3A_93, %dma_start3A_94, %dma_start3A_95] : memref<2x128x64xf32, #tpu.memory_space<vmem>> -> memref<1x128x64xf32, #tpu.memory_space<vmem>>
    %dma_start3A_97 = tpu.memref_squeeze %dma_start3A_96 : memref<1x128x64xf32, #tpu.memory_space<vmem>> -> memref<128x64xf32, #tpu.memory_space<vmem>>
    %dma_start3A_98 = arith.constant 0 : i32
    %dma_start3A_99 = tpu.memref_slice %arg9[%dma_start3A_92, %dma_start3A_98] : memref<2x128xi32, #tpu.memory_space<vmem>> -> memref<1x128xi32, #tpu.memory_space<vmem>>
    %dma_start3A_100 = tpu.memref_squeeze %dma_start3A_99 : memref<1x128xi32, #tpu.memory_space<vmem>> -> memref<128xi32, #tpu.memory_space<vmem>>
    %dma_start3A_101 = arith.constant 0 : i32
    %dma_start3A_102 = arith.constant 0 : i32
    %dma_start3A_103 = tpu.memref_slice %arg2[%dma_start3A_101, %dma_start3A_102] : memref<10000x64xf32, #tpu.memory_space<hbm>> -> memref<10000x64xf32, #tpu.memory_space<hbm>>
    tpu.enqueue_indirect_dma source(%dma_start3A_103 : memref<10000x64xf32, #tpu.memory_space<hbm>>) target(%dma_start3A_97 : memref<128x64xf32, #tpu.memory_space<vmem>>) offsets(%dma_start3A_100 : memref<128xi32, #tpu.memory_space<vmem>>) semaphore(%arg19 : memref<!tpu.dma_semaphore, #tpu.memory_space<semaphore_mem>>)
    %dma_start3A_104 = arith.constant 0 : i32
    %dma_start3A_105 = arith.constant 0 : i32
    %dma_start3A_106 = arith.constant 0 : i32
    %dma_start3A_107 = arith.constant 0 : i32
    %dma_start3A_108 = tpu.memref_slice %arg12[%dma_start3A_105, %dma_start3A_106, %dma_start3A_107] : memref<2x128x64xf32, #tpu.memory_space<vmem>> -> memref<1x128x64xf32, #tpu.memory_space<vmem>>
    %dma_start3A_109 = tpu.memref_squeeze %dma_start3A_108 : memref<1x128x64xf32, #tpu.memory_space<vmem>> -> memref<128x64xf32, #tpu.memory_space<vmem>>
    %dma_start3A_110 = arith.constant 0 : i32
    %dma_start3A_111 = tpu.memref_slice %arg10[%dma_start3A_104, %dma_start3A_110] : memref<2x128xi32, #tpu.memory_space<vmem>> -> memref<1x128xi32, #tpu.memory_space<vmem>>
    %dma_start3A_112 = tpu.memref_squeeze %dma_start3A_111 : memref<1x128xi32, #tpu.memory_space<vmem>> -> memref<128xi32, #tpu.memory_space<vmem>>
    %dma_start3A_113 = arith.constant 0 : i32
    %dma_start3A_114 = arith.constant 0 : i32
    %dma_start3A_115 = tpu.memref_slice %arg3[%dma_start3A_113, %dma_start3A_114] : memref<10000x64xf32, #tpu.memory_space<hbm>> -> memref<10000x64xf32, #tpu.memory_space<hbm>>
    tpu.enqueue_indirect_dma source(%dma_start3A_115 : memref<10000x64xf32, #tpu.memory_space<hbm>>) target(%dma_start3A_109 : memref<128x64xf32, #tpu.memory_space<vmem>>) offsets(%dma_start3A_112 : memref<128xi32, #tpu.memory_space<vmem>>) semaphore(%arg19 : memref<!tpu.dma_semaphore, #tpu.memory_space<semaphore_mem>>)
    %scan3A = arith.constant 0 : i32
    %scan3A_116 = arith.constant 0 : i32
    %scan3A_117 = arith.constant 40 : i32
    %scan3A_118 = arith.addi %scan3A_116, %scan3A_117 : i32
    %scan3A_119 = arith.constant 1 : i32
    scf.for %scan3A_172 = %scan3A_116 to %scan3A_118 step %scan3A_119  : i32 {
      %mul3A_173 = arith.constant 2 : i32
      %mul3A_174 = arith.muli %mul3A_173, %scan3A_172 : i32
      %add3A_175 = arith.constant 0 : i32
      %add3A_176 = arith.addi %mul3A_174, %add3A_175 : i32
      %dma_wait3A_177 = arith.constant 1 : i32
      %dma_wait3A_178 = arith.constant 0 : i32
      %dma_wait3A_179 = tpu.memref_slice %arg9[%dma_wait3A_177, %dma_wait3A_178] : memref<2x128xi32, #tpu.memory_space<vmem>> -> memref<1x128xi32, #tpu.memory_space<vmem>>
      %dma_wait3A_180 = tpu.memref_squeeze %dma_wait3A_179 : memref<1x128xi32, #tpu.memory_space<vmem>> -> memref<128xi32, #tpu.memory_space<vmem>>
      %dma_wait3A_181 = arith.constant 0 : i32
      %dma_wait3A_182 = tpu.memref_slice %arg4[%dma_wait3A_181] : memref<327680xi32, #tpu.memory_space<hbm>> -> memref<128xi32, #tpu.memory_space<hbm>>
      %dma_wait3A_183 = arith.constant 0 : i32
      %dma_wait3A_184 = tpu.memref_slice %arg9[%dma_wait3A_177, %dma_wait3A_183] : memref<2x128xi32, #tpu.memory_space<vmem>> -> memref<1x128xi32, #tpu.memory_space<vmem>>
      %dma_wait3A_185 = tpu.memref_squeeze %dma_wait3A_184 : memref<1x128xi32, #tpu.memory_space<vmem>> -> memref<128xi32, #tpu.memory_space<vmem>>
      %dma_wait3A_186 = arith.constant 0 : i32
      %dma_wait3A_187 = tpu.memref_slice %arg4[%dma_wait3A_186] : memref<327680xi32, #tpu.memory_space<hbm>> -> memref<128xi32, #tpu.memory_space<hbm>>
      tpu.wait_dma2 semaphore(%arg18 : memref<!tpu.dma_semaphore, #tpu.memory_space<semaphore_mem>>) src(%dma_wait3A_187 : memref<128xi32, #tpu.memory_space<hbm>>) dst(%dma_wait3A_185 : memref<128xi32, #tpu.memory_space<vmem>>)
      %dma_wait3A_188 = arith.constant 1 : i32
      %dma_wait3A_189 = arith.constant 0 : i32
      %dma_wait3A_190 = tpu.memref_slice %arg10[%dma_wait3A_188, %dma_wait3A_189] : memref<2x128xi32, #tpu.memory_space<vmem>> -> memref<1x128xi32, #tpu.memory_space<vmem>>
      %dma_wait3A_191 = tpu.memref_squeeze %dma_wait3A_190 : memref<1x128xi32, #tpu.memory_space<vmem>> -> memref<128xi32, #tpu.memory_space<vmem>>
      %dma_wait3A_192 = arith.constant 0 : i32
      %dma_wait3A_193 = tpu.memref_slice %arg5[%dma_wait3A_192] : memref<327680xi32, #tpu.memory_space<hbm>> -> memref<128xi32, #tpu.memory_space<hbm>>
      %dma_wait3A_194 = arith.constant 0 : i32
      %dma_wait3A_195 = tpu.memref_slice %arg10[%dma_wait3A_188, %dma_wait3A_194] : memref<2x128xi32, #tpu.memory_space<vmem>> -> memref<1x128xi32, #tpu.memory_space<vmem>>
      %dma_wait3A_196 = tpu.memref_squeeze %dma_wait3A_195 : memref<1x128xi32, #tpu.memory_space<vmem>> -> memref<128xi32, #tpu.memory_space<vmem>>
      %dma_wait3A_197 = arith.constant 0 : i32
      %dma_wait3A_198 = tpu.memref_slice %arg5[%dma_wait3A_197] : memref<327680xi32, #tpu.memory_space<hbm>> -> memref<128xi32, #tpu.memory_space<hbm>>
      tpu.wait_dma2 semaphore(%arg18 : memref<!tpu.dma_semaphore, #tpu.memory_space<semaphore_mem>>) src(%dma_wait3A_198 : memref<128xi32, #tpu.memory_space<hbm>>) dst(%dma_wait3A_196 : memref<128xi32, #tpu.memory_space<vmem>>)
      %dma_start3A_199 = arith.constant 1 : i32
      %dma_start3A_200 = arith.constant 1 : i32
      %dma_start3A_201 = arith.constant 0 : i32
      %dma_start3A_202 = arith.constant 0 : i32
      %dma_start3A_203 = tpu.memref_slice %arg11[%dma_start3A_200, %dma_start3A_201, %dma_start3A_202] : memref<2x128x64xf32, #tpu.memory_space<vmem>> -> memref<1x128x64xf32, #tpu.memory_space<vmem>>
      %dma_start3A_204 = tpu.memref_squeeze %dma_start3A_203 : memref<1x128x64xf32, #tpu.memory_space<vmem>> -> memref<128x64xf32, #tpu.memory_space<vmem>>
      %dma_start3A_205 = arith.constant 0 : i32
      %dma_start3A_206 = tpu.memref_slice %arg9[%dma_start3A_199, %dma_start3A_205] : memref<2x128xi32, #tpu.memory_space<vmem>> -> memref<1x128xi32, #tpu.memory_space<vmem>>
      %dma_start3A_207 = tpu.memref_squeeze %dma_start3A_206 : memref<1x128xi32, #tpu.memory_space<vmem>> -> memref<128xi32, #tpu.memory_space<vmem>>
      %dma_start3A_208 = arith.constant 0 : i32
      %dma_start3A_209 = arith.constant 0 : i32
      %dma_start3A_210 = tpu.memref_slice %arg2[%dma_start3A_208, %dma_start3A_209] : memref<10000x64xf32, #tpu.memory_space<hbm>> -> memref<10000x64xf32, #tpu.memory_space<hbm>>
      tpu.enqueue_indirect_dma source(%dma_start3A_210 : memref<10000x64xf32, #tpu.memory_space<hbm>>) target(%dma_start3A_204 : memref<128x64xf32, #tpu.memory_space<vmem>>) offsets(%dma_start3A_207 : memref<128xi32, #tpu.memory_space<vmem>>) semaphore(%arg20 : memref<!tpu.dma_semaphore, #tpu.memory_space<semaphore_mem>>)
      %dma_start3A_211 = arith.constant 1 : i32
      %dma_start3A_212 = arith.constant 1 : i32
      %dma_start3A_213 = arith.constant 0 : i32
      %dma_start3A_214 = arith.constant 0 : i32
      %dma_start3A_215 = tpu.memref_slice %arg12[%dma_start3A_212, %dma_start3A_213, %dma_start3A_214] : memref<2x128x64xf32, #tpu.memory_space<vmem>> -> memref<1x128x64xf32, #tpu.memory_space<vmem>>
      %dma_start3A_216 = tpu.memref_squeeze %dma_start3A_215 : memref<1x128x64xf32, #tpu.memory_space<vmem>> -> memref<128x64xf32, #tpu.memory_space<vmem>>
      %dma_start3A_217 = arith.constant 0 : i32
      %dma_start3A_218 = tpu.memref_slice %arg10[%dma_start3A_211, %dma_start3A_217] : memref<2x128xi32, #tpu.memory_space<vmem>> -> memref<1x128xi32, #tpu.memory_space<vmem>>
      %dma_start3A_219 = tpu.memref_squeeze %dma_start3A_218 : memref<1x128xi32, #tpu.memory_space<vmem>> -> memref<128xi32, #tpu.memory_space<vmem>>
      %dma_start3A_220 = arith.constant 0 : i32
      %dma_start3A_221 = arith.constant 0 : i32
      %dma_start3A_222 = tpu.memref_slice %arg3[%dma_start3A_220, %dma_start3A_221] : memref<10000x64xf32, #tpu.memory_space<hbm>> -> memref<10000x64xf32, #tpu.memory_space<hbm>>
      tpu.enqueue_indirect_dma source(%dma_start3A_222 : memref<10000x64xf32, #tpu.memory_space<hbm>>) target(%dma_start3A_216 : memref<128x64xf32, #tpu.memory_space<vmem>>) offsets(%dma_start3A_219 : memref<128xi32, #tpu.memory_space<vmem>>) semaphore(%arg20 : memref<!tpu.dma_semaphore, #tpu.memory_space<semaphore_mem>>)
      %dma_wait3A_223 = arith.constant 0 : i32
      %dma_wait3A_224 = arith.constant 0 : i32
      %dma_wait3A_225 = arith.constant 0 : i32
      %dma_wait3A_226 = arith.constant 0 : i32
      %dma_wait3A_227 = tpu.memref_slice %arg11[%dma_wait3A_224, %dma_wait3A_225, %dma_wait3A_226] : memref<2x128x64xf32, #tpu.memory_space<vmem>> -> memref<1x128x64xf32, #tpu.memory_space<vmem>>
      %dma_wait3A_228 = tpu.memref_squeeze %dma_wait3A_227 : memref<1x128x64xf32, #tpu.memory_space<vmem>> -> memref<128x64xf32, #tpu.memory_space<vmem>>
      %dma_wait3A_229 = arith.constant 0 : i32
      %dma_wait3A_230 = tpu.memref_slice %arg9[%dma_wait3A_223, %dma_wait3A_229] : memref<2x128xi32, #tpu.memory_space<vmem>> -> memref<1x128xi32, #tpu.memory_space<vmem>>
      %dma_wait3A_231 = tpu.memref_squeeze %dma_wait3A_230 : memref<1x128xi32, #tpu.memory_space<vmem>> -> memref<128xi32, #tpu.memory_space<vmem>>
      %dma_wait3A_232 = arith.constant 0 : i32
      %dma_wait3A_233 = arith.constant 0 : i32
      %dma_wait3A_234 = tpu.memref_slice %arg2[%dma_wait3A_232, %dma_wait3A_233] : memref<10000x64xf32, #tpu.memory_space<hbm>> -> memref<10000x64xf32, #tpu.memory_space<hbm>>
      tpu.wait_indirect_dma semaphore(%arg19 : memref<!tpu.dma_semaphore, #tpu.memory_space<semaphore_mem>>) src(%dma_wait3A_234 : memref<10000x64xf32, #tpu.memory_space<hbm>>) dst(%dma_wait3A_228 : memref<128x64xf32, #tpu.memory_space<vmem>>)
      %dma_wait3A_235 = arith.constant 0 : i32
      %dma_wait3A_236 = arith.constant 0 : i32
      %dma_wait3A_237 = arith.constant 0 : i32
      %dma_wait3A_238 = arith.constant 0 : i32
      %dma_wait3A_239 = tpu.memref_slice %arg12[%dma_wait3A_236, %dma_wait3A_237, %dma_wait3A_238] : memref<2x128x64xf32, #tpu.memory_space<vmem>> -> memref<1x128x64xf32, #tpu.memory_space<vmem>>
      %dma_wait3A_240 = tpu.memref_squeeze %dma_wait3A_239 : memref<1x128x64xf32, #tpu.memory_space<vmem>> -> memref<128x64xf32, #tpu.memory_space<vmem>>
      %dma_wait3A_241 = arith.constant 0 : i32
      %dma_wait3A_242 = tpu.memref_slice %arg10[%dma_wait3A_235, %dma_wait3A_241] : memref<2x128xi32, #tpu.memory_space<vmem>> -> memref<1x128xi32, #tpu.memory_space<vmem>>
      %dma_wait3A_243 = tpu.memref_squeeze %dma_wait3A_242 : memref<1x128xi32, #tpu.memory_space<vmem>> -> memref<128xi32, #tpu.memory_space<vmem>>
      %dma_wait3A_244 = arith.constant 0 : i32
      %dma_wait3A_245 = arith.constant 0 : i32
      %dma_wait3A_246 = tpu.memref_slice %arg3[%dma_wait3A_244, %dma_wait3A_245] : memref<10000x64xf32, #tpu.memory_space<hbm>> -> memref<10000x64xf32, #tpu.memory_space<hbm>>
      tpu.wait_indirect_dma semaphore(%arg19 : memref<!tpu.dma_semaphore, #tpu.memory_space<semaphore_mem>>) src(%dma_wait3A_246 : memref<10000x64xf32, #tpu.memory_space<hbm>>) dst(%dma_wait3A_240 : memref<128x64xf32, #tpu.memory_space<vmem>>)
      %get3A_247 = arith.constant 0 : i32
      %get3A_248 = arith.index_cast %get3A_247 : i32 to index
      %get3A_249 = arith.constant 0 : index
      %get3A_250 = tpu.vector_load %arg10[%get3A_248, %get3A_249] {strides = array<i32>} : memref<2x128xi32, #tpu.memory_space<vmem>>, vector<1x16xi32>,
      %get3A_251 = vector.shape_cast %get3A_250 : vector<1x16xi32> to vector<16xi32>
      %swap3A = arith.constant 0 : index
      %swap3A_252 = tpu.vector_load %arg14[%swap3A] {strides = array<i32>} : memref<128xi32, #tpu.memory_space<vmem>>, vector<16xi32>,
      %swap3A_253 = vector.shape_cast %swap3A_252 : vector<16xi32> to vector<16xi32>
      %swap3A_254 = vector.shape_cast %get3A_251 : vector<16xi32> to vector<16xi32>
      tpu.vector_store %arg14[%swap3A], %swap3A_254 {strides = array<i32>} : memref<128xi32, #tpu.memory_space<vmem>>, vector<16xi32>,
      %get3A_255 = arith.constant 0 : i32
      %get3A_256 = arith.index_cast %get3A_255 : i32 to index
      %get3A_257 = arith.constant 16 : index
      %get3A_258 = tpu.vector_load %arg10[%get3A_256, %get3A_257] {strides = array<i32>} : memref<2x128xi32, #tpu.memory_space<vmem>>, vector<1x16xi32>,
      %get3A_259 = vector.shape_cast %get3A_258 : vector<1x16xi32> to vector<16xi32>
      %swap3A_260 = arith.constant 16 : index
      %swap3A_261 = tpu.vector_load %arg14[%swap3A_260] {strides = array<i32>} : memref<128xi32, #tpu.memory_space<vmem>>, vector<16xi32>,
      %swap3A_262 = vector.shape_cast %swap3A_261 : vector<16xi32> to vector<16xi32>
      %swap3A_263 = vector.shape_cast %get3A_259 : vector<16xi32> to vector<16xi32>
      tpu.vector_store %arg14[%swap3A_260], %swap3A_263 {strides = array<i32>} : memref<128xi32, #tpu.memory_space<vmem>>, vector<16xi32>,
      %get3A_264 = arith.constant 0 : i32
      %get3A_265 = arith.index_cast %get3A_264 : i32 to index
      %get3A_266 = arith.constant 32 : index
      %get3A_267 = tpu.vector_load %arg10[%get3A_265, %get3A_266] {strides = array<i32>} : memref<2x128xi32, #tpu.memory_space<vmem>>, vector<1x16xi32>,
      %get3A_268 = vector.shape_cast %get3A_267 : vector<1x16xi32> to vector<16xi32>
      %swap3A_269 = arith.constant 32 : index
      %swap3A_270 = tpu.vector_load %arg14[%swap3A_269] {strides = array<i32>} : memref<128xi32, #tpu.memory_space<vmem>>, vector<16xi32>,
      %swap3A_271 = vector.shape_cast %swap3A_270 : vector<16xi32> to vector<16xi32>
      %swap3A_272 = vector.shape_cast %get3A_268 : vector<16xi32> to vector<16xi32>
      tpu.vector_store %arg14[%swap3A_269], %swap3A_272 {strides = array<i32>} : memref<128xi32, #tpu.memory_space<vmem>>, vector<16xi32>,
      %get3A_273 = arith.constant 0 : i32
      %get3A_274 = arith.index_cast %get3A_273 : i32 to index
      %get3A_275 = arith.constant 48 : index
      %get3A_276 = tpu.vector_load %arg10[%get3A_274, %get3A_275] {strides = array<i32>} : memref<2x128xi32, #tpu.memory_space<vmem>>, vector<1x16xi32>,
      %get3A_277 = vector.shape_cast %get3A_276 : vector<1x16xi32> to vector<16xi32>
      %swap3A_278 = arith.constant 48 : index
      %swap3A_279 = tpu.vector_load %arg14[%swap3A_278] {strides = array<i32>} : memref<128xi32, #tpu.memory_space<vmem>>, vector<16xi32>,
      %swap3A_280 = vector.shape_cast %swap3A_279 : vector<16xi32> to vector<16xi32>
      %swap3A_281 = vector.shape_cast %get3A_277 : vector<16xi32> to vector<16xi32>
      tpu.vector_store %arg14[%swap3A_278], %swap3A_281 {strides = array<i32>} : memref<128xi32, #tpu.memory_space<vmem>>, vector<16xi32>,
      %get3A_282 = arith.constant 0 : i32
      %get3A_283 = arith.index_cast %get3A_282 : i32 to index
      %get3A_284 = arith.constant 64 : index
      %get3A_285 = tpu.vector_load %arg10[%get3A_283, %get3A_284] {strides = array<i32>} : memref<2x128xi32, #tpu.memory_space<vmem>>, vector<1x16xi32>,
      %get3A_286 = vector.shape_cast %get3A_285 : vector<1x16xi32> to vector<16xi32>
      %swap3A_287 = arith.constant 64 : index
      %swap3A_288 = tpu.vector_load %arg14[%swap3A_287] {strides = array<i32>} : memref<128xi32, #tpu.memory_space<vmem>>, vector<16xi32>,
      %swap3A_289 = vector.shape_cast %swap3A_288 : vector<16xi32> to vector<16xi32>
      %swap3A_290 = vector.shape_cast %get3A_286 : vector<16xi32> to vector<16xi32>
      tpu.vector_store %arg14[%swap3A_287], %swap3A_290 {strides = array<i32>} : memref<128xi32, #tpu.memory_space<vmem>>, vector<16xi32>,
      %get3A_291 = arith.constant 0 : i32
      %get3A_292 = arith.index_cast %get3A_291 : i32 to index
      %get3A_293 = arith.constant 80 : index
      %get3A_294 = tpu.vector_load %arg10[%get3A_292, %get3A_293] {strides = array<i32>} : memref<2x128xi32, #tpu.memory_space<vmem>>, vector<1x16xi32>,
      %get3A_295 = vector.shape_cast %get3A_294 : vector<1x16xi32> to vector<16xi32>
      %swap3A_296 = arith.constant 80 : index
      %swap3A_297 = tpu.vector_load %arg14[%swap3A_296] {strides = array<i32>} : memref<128xi32, #tpu.memory_space<vmem>>, vector<16xi32>,
      %swap3A_298 = vector.shape_cast %swap3A_297 : vector<16xi32> to vector<16xi32>
      %swap3A_299 = vector.shape_cast %get3A_295 : vector<16xi32> to vector<16xi32>
      tpu.vector_store %arg14[%swap3A_296], %swap3A_299 {strides = array<i32>} : memref<128xi32, #tpu.memory_space<vmem>>, vector<16xi32>,
      %get3A_300 = arith.constant 0 : i32
      %get3A_301 = arith.index_cast %get3A_300 : i32 to index
      %get3A_302 = arith.constant 96 : index
      %get3A_303 = tpu.vector_load %arg10[%get3A_301, %get3A_302] {strides = array<i32>} : memref<2x128xi32, #tpu.memory_space<vmem>>, vector<1x16xi32>,
      %get3A_304 = vector.shape_cast %get3A_303 : vector<1x16xi32> to vector<16xi32>
      %swap3A_305 = arith.constant 96 : index
      %swap3A_306 = tpu.vector_load %arg14[%swap3A_305] {strides = array<i32>} : memref<128xi32, #tpu.memory_space<vmem>>, vector<16xi32>,
      %swap3A_307 = vector.shape_cast %swap3A_306 : vector<16xi32> to vector<16xi32>
      %swap3A_308 = vector.shape_cast %get3A_304 : vector<16xi32> to vector<16xi32>
      tpu.vector_store %arg14[%swap3A_305], %swap3A_308 {strides = array<i32>} : memref<128xi32, #tpu.memory_space<vmem>>, vector<16xi32>,
      %get3A_309 = arith.constant 0 : i32
      %get3A_310 = arith.index_cast %get3A_309 : i32 to index
      %get3A_311 = arith.constant 112 : index
      %get3A_312 = tpu.vector_load %arg10[%get3A_310, %get3A_311] {strides = array<i32>} : memref<2x128xi32, #tpu.memory_space<vmem>>, vector<1x16xi32>,
      %get3A_313 = vector.shape_cast %get3A_312 : vector<1x16xi32> to vector<16xi32>
      %swap3A_314 = arith.constant 112 : index
      %swap3A_315 = tpu.vector_load %arg14[%swap3A_314] {strides = array<i32>} : memref<128xi32, #tpu.memory_space<vmem>>, vector<16xi32>,
      %swap3A_316 = vector.shape_cast %swap3A_315 : vector<16xi32> to vector<16xi32>
      %swap3A_317 = vector.shape_cast %get3A_313 : vector<16xi32> to vector<16xi32>
      tpu.vector_store %arg14[%swap3A_314], %swap3A_317 {strides = array<i32>} : memref<128xi32, #tpu.memory_space<vmem>>, vector<16xi32>,
      %add3A_318 = arith.constant 2 : i32
      %add3A_319 = arith.addi %add3A_176, %add3A_318 : i32
      %min3A_320 = arith.constant 79 : i32
      %min3A_321 = arith.minsi %add3A_319, %min3A_320 : i32
      %mul3A_322 = arith.constant 80 : i32
      %mul3A_323 = arith.muli %add3A, %mul3A_322 : i32
      %add3A_324 = arith.addi %mul3A_323, %min3A_321 : i32
      %mul3A_325 = arith.constant 128 : i32
      %mul3A_326 = arith.muli %add3A_324, %mul3A_325 : i32
      %dma_start3A_327 = arith.constant 0 : i32
      %dma_start3A_328 = arith.constant 0 : i32
      %dma_start3A_329 = tpu.memref_slice %arg9[%dma_start3A_327, %dma_start3A_328] : memref<2x128xi32, #tpu.memory_space<vmem>> -> memref<1x128xi32, #tpu.memory_space<vmem>>
      %dma_start3A_330 = tpu.memref_squeeze %dma_start3A_329 : memref<1x128xi32, #tpu.memory_space<vmem>> -> memref<128xi32, #tpu.memory_space<vmem>>
      %dma_start3A_331 = tpu.memref_slice %arg4[%mul3A_326] : memref<327680xi32, #tpu.memory_space<hbm>> -> memref<128xi32, #tpu.memory_space<hbm>>
      %dma_start3A_332 = arith.constant 0 : i32
      %dma_start3A_333 = tpu.memref_slice %arg9[%dma_start3A_327, %dma_start3A_332] : memref<2x128xi32, #tpu.memory_space<vmem>> -> memref<1x128xi32, #tpu.memory_space<vmem>>
      %dma_start3A_334 = tpu.memref_squeeze %dma_start3A_333 : memref<1x128xi32, #tpu.memory_space<vmem>> -> memref<128xi32, #tpu.memory_space<vmem>>
      %dma_start3A_335 = tpu.memref_slice %arg4[%mul3A_326] : memref<327680xi32, #tpu.memory_space<hbm>> -> memref<128xi32, #tpu.memory_space<hbm>>
      tpu.enqueue_dma source(%dma_start3A_335 : memref<128xi32, #tpu.memory_space<hbm>>) target(%dma_start3A_334 : memref<128xi32, #tpu.memory_space<vmem>>) target_semaphore(%arg17 : memref<!tpu.dma_semaphore, #tpu.memory_space<semaphore_mem>>)
      %dma_start3A_336 = arith.constant 0 : i32
      %dma_start3A_337 = arith.constant 0 : i32
      %dma_start3A_338 = tpu.memref_slice %arg10[%dma_start3A_336, %dma_start3A_337] : memref<2x128xi32, #tpu.memory_space<vmem>> -> memref<1x128xi32, #tpu.memory_space<vmem>>
      %dma_start3A_339 = tpu.memref_squeeze %dma_start3A_338 : memref<1x128xi32, #tpu.memory_space<vmem>> -> memref<128xi32, #tpu.memory_space<vmem>>
      %dma_start3A_340 = tpu.memref_slice %arg5[%mul3A_326] : memref<327680xi32, #tpu.memory_space<hbm>> -> memref<128xi32, #tpu.memory_space<hbm>>
      %dma_start3A_341 = arith.constant 0 : i32
      %dma_start3A_342 = tpu.memref_slice %arg10[%dma_start3A_336, %dma_start3A_341] : memref<2x128xi32, #tpu.memory_space<vmem>> -> memref<1x128xi32, #tpu.memory_space<vmem>>
      %dma_start3A_343 = tpu.memref_squeeze %dma_start3A_342 : memref<1x128xi32, #tpu.memory_space<vmem>> -> memref<128xi32, #tpu.memory_space<vmem>>
      %dma_start3A_344 = tpu.memref_slice %arg5[%mul3A_326] : memref<327680xi32, #tpu.memory_space<hbm>> -> memref<128xi32, #tpu.memory_space<hbm>>
      tpu.enqueue_dma source(%dma_start3A_344 : memref<128xi32, #tpu.memory_space<hbm>>) target(%dma_start3A_343 : memref<128xi32, #tpu.memory_space<vmem>>) target_semaphore(%arg17 : memref<!tpu.dma_semaphore, #tpu.memory_space<semaphore_mem>>)
      %parallel_loop3A = arith.constant 0 : i32
      %parallel_loop3A_345 = arith.constant 128 : i32
      %parallel_loop3A_346 = arith.constant 1 : i32
      scf.for %parallel_loop3A_523 = %parallel_loop3A to %parallel_loop3A_345 step %parallel_loop3A_346  : i32 {
        %parallel_loop3A_524 = arith.constant 0 : i32
        %parallel_loop3A_525 = arith.index_cast %parallel_loop3A_524 : i32 to index
        %parallel_loop3A_526 = arith.index_cast %parallel_loop3A_523 : i32 to index
        %parallel_loop3A_527 = arith.constant 0 : index
        %parallel_loop3A_528 = tpu.vector_load %arg11[%parallel_loop3A_525, %parallel_loop3A_526, %parallel_loop3A_527] {strides = array<i32>} : memref<2x128x64xf32, #tpu.memory_space<vmem>>, vector<1x1x16xf32>,
        %parallel_loop3A_529 = vector.shape_cast %parallel_loop3A_528 : vector<1x1x16xf32> to vector<16xf32>
        %parallel_loop3A_530 = arith.constant 0 : i32
        %parallel_loop3A_531 = arith.index_cast %parallel_loop3A_530 : i32 to index
        %parallel_loop3A_532 = arith.index_cast %parallel_loop3A_523 : i32 to index
        %parallel_loop3A_533 = arith.constant 16 : index
        %parallel_loop3A_534 = tpu.vector_load %arg11[%parallel_loop3A_531, %parallel_loop3A_532, %parallel_loop3A_533] {strides = array<i32>} : memref<2x128x64xf32, #tpu.memory_space<vmem>>, vector<1x1x16xf32>,
        %parallel_loop3A_535 = vector.shape_cast %parallel_loop3A_534 : vector<1x1x16xf32> to vector<16xf32>
        %parallel_loop3A_536 = arith.constant 0 : i32
        %parallel_loop3A_537 = arith.index_cast %parallel_loop3A_536 : i32 to index
        %parallel_loop3A_538 = arith.index_cast %parallel_loop3A_523 : i32 to index
        %parallel_loop3A_539 = arith.constant 0 : index
        %parallel_loop3A_540 = tpu.vector_load %arg12[%parallel_loop3A_537, %parallel_loop3A_538, %parallel_loop3A_539] {strides = array<i32>} : memref<2x128x64xf32, #tpu.memory_space<vmem>>, vector<1x1x16xf32>,
        %parallel_loop3A_541 = vector.shape_cast %parallel_loop3A_540 : vector<1x1x16xf32> to vector<16xf32>
        %parallel_loop3A_542 = arith.addf %parallel_loop3A_529, %parallel_loop3A_541 : vector<16xf32>
        %parallel_loop3A_543 = arith.constant 0 : i32
        %parallel_loop3A_544 = arith.index_cast %parallel_loop3A_543 : i32 to index
        %parallel_loop3A_545 = arith.index_cast %parallel_loop3A_523 : i32 to index
        %parallel_loop3A_546 = arith.constant 16 : index
        %parallel_loop3A_547 = tpu.vector_load %arg12[%parallel_loop3A_544, %parallel_loop3A_545, %parallel_loop3A_546] {strides = array<i32>} : memref<2x128x64xf32, #tpu.memory_space<vmem>>, vector<1x1x16xf32>,
        %parallel_loop3A_548 = vector.shape_cast %parallel_loop3A_547 : vector<1x1x16xf32> to vector<16xf32>
        %parallel_loop3A_549 = arith.addf %parallel_loop3A_535, %parallel_loop3A_548 : vector<16xf32>
        %parallel_loop3A_550 = arith.constant 3.000000e-01 : f32
        %parallel_loop3A_551 = vector.broadcast %parallel_loop3A_550 : f32 to vector<16xf32>
        %parallel_loop3A_552 = arith.mulf %parallel_loop3A_551, %parallel_loop3A_542 : vector<16xf32>
        %parallel_loop3A_553 = arith.maximumf %parallel_loop3A_542, %parallel_loop3A_552 : vector<16xf32>
        %parallel_loop3A_554 = arith.mulf %parallel_loop3A_553, %get3A_11 : vector<16xf32>
        %parallel_loop3A_555 = arith.constant 3.000000e-01 : f32
        %parallel_loop3A_556 = vector.broadcast %parallel_loop3A_555 : f32 to vector<16xf32>
        %parallel_loop3A_557 = arith.mulf %parallel_loop3A_556, %parallel_loop3A_549 : vector<16xf32>
        %parallel_loop3A_558 = arith.maximumf %parallel_loop3A_549, %parallel_loop3A_557 : vector<16xf32>
        %parallel_loop3A_559 = arith.mulf %parallel_loop3A_558, %get3A_14 : vector<16xf32>
        %parallel_loop3A_560 = arith.addf %parallel_loop3A_554, %parallel_loop3A_559 : vector<16xf32>
        %parallel_loop3A_561 = vector.shape_cast %xor3A_6 : vector<16xi32> to vector<16x1xi32>
        %parallel_loop3A_562 = vector.shape_cast %parallel_loop3A_561 : vector<16x1xi32> to vector<16xi32>
        %parallel_loop3A_563 = tpu.dynamic_gather %parallel_loop3A_560[%parallel_loop3A_562] in [0] : vector<16xf32>, vector<16xi32> -> vector<16xf32>
        %parallel_loop3A_564 = arith.addf %parallel_loop3A_560, %parallel_loop3A_563 : vector<16xf32>
        %parallel_loop3A_565 = vector.shape_cast %xor3A_9 : vector<16xi32> to vector<16x1xi32>
        %parallel_loop3A_566 = vector.shape_cast %parallel_loop3A_565 : vector<16x1xi32> to vector<16xi32>
        %parallel_loop3A_567 = tpu.dynamic_gather %parallel_loop3A_564[%parallel_loop3A_566] in [0] : vector<16xf32>, vector<16xi32> -> vector<16xf32>
        %parallel_loop3A_568 = arith.addf %parallel_loop3A_564, %parallel_loop3A_567 : vector<16xf32>
        %parallel_loop3A_569 = math.exp %parallel_loop3A_568 : vector<16xf32>
        %parallel_loop3A_570 = arith.mulf %parallel_loop3A_529, %parallel_loop3A_569 : vector<16xf32>
        %parallel_loop3A_571 = arith.index_cast %parallel_loop3A_523 : i32 to index
        %parallel_loop3A_572 = arith.constant 0 : index
        %parallel_loop3A_573 = tpu.vector_load %arg13[%parallel_loop3A_571, %parallel_loop3A_572] {strides = array<i32>} : memref<128x96xf32, #tpu.memory_space<vmem>>, vector<1x16xf32>,
        %parallel_loop3A_574 = vector.shape_cast %parallel_loop3A_573 : vector<1x16xf32> to vector<16xf32>
        %parallel_loop3A_575 = vector.shape_cast %parallel_loop3A_570 : vector<16xf32> to vector<1x16xf32>
        tpu.vector_store %arg13[%parallel_loop3A_571, %parallel_loop3A_572], %parallel_loop3A_575 {strides = array<i32>} : memref<128x96xf32, #tpu.memory_space<vmem>>, vector<1x16xf32>,
        %parallel_loop3A_576 = arith.mulf %parallel_loop3A_535, %parallel_loop3A_569 : vector<16xf32>
        %parallel_loop3A_577 = arith.index_cast %parallel_loop3A_523 : i32 to index
        %parallel_loop3A_578 = arith.constant 16 : index
        %parallel_loop3A_579 = tpu.vector_load %arg13[%parallel_loop3A_577, %parallel_loop3A_578] {strides = array<i32>} : memref<128x96xf32, #tpu.memory_space<vmem>>, vector<1x16xf32>,
        %parallel_loop3A_580 = vector.shape_cast %parallel_loop3A_579 : vector<1x16xf32> to vector<16xf32>
        %parallel_loop3A_581 = vector.shape_cast %parallel_loop3A_576 : vector<16xf32> to vector<1x16xf32>
        tpu.vector_store %arg13[%parallel_loop3A_577, %parallel_loop3A_578], %parallel_loop3A_581 {strides = array<i32>} : memref<128x96xf32, #tpu.memory_space<vmem>>, vector<1x16xf32>,
        %parallel_loop3A_582 = arith.index_cast %parallel_loop3A_523 : i32 to index
        %parallel_loop3A_583 = arith.constant 64 : index
        %parallel_loop3A_584 = tpu.vector_load %arg13[%parallel_loop3A_582, %parallel_loop3A_583] {strides = array<i32>} : memref<128x96xf32, #tpu.memory_space<vmem>>, vector<1x16xf32>,
        %parallel_loop3A_585 = vector.shape_cast %parallel_loop3A_584 : vector<1x16xf32> to vector<16xf32>
        %parallel_loop3A_586 = vector.shape_cast %parallel_loop3A_569 : vector<16xf32> to vector<1x16xf32>
        tpu.vector_store %arg13[%parallel_loop3A_582, %parallel_loop3A_583], %parallel_loop3A_586 {strides = array<i32>} : memref<128x96xf32, #tpu.memory_space<vmem>>, vector<1x16xf32>,
        %parallel_loop3A_587 = arith.constant 0 : i32
        %parallel_loop3A_588 = arith.index_cast %parallel_loop3A_587 : i32 to index
        %parallel_loop3A_589 = arith.index_cast %parallel_loop3A_523 : i32 to index
        %parallel_loop3A_590 = arith.constant 32 : index
        %parallel_loop3A_591 = tpu.vector_load %arg11[%parallel_loop3A_588, %parallel_loop3A_589, %parallel_loop3A_590] {strides = array<i32>} : memref<2x128x64xf32, #tpu.memory_space<vmem>>, vector<1x1x16xf32>,
        %parallel_loop3A_592 = vector.shape_cast %parallel_loop3A_591 : vector<1x1x16xf32> to vector<16xf32>
        %parallel_loop3A_593 = arith.constant 0 : i32
        %parallel_loop3A_594 = arith.index_cast %parallel_loop3A_593 : i32 to index
        %parallel_loop3A_595 = arith.index_cast %parallel_loop3A_523 : i32 to index
        %parallel_loop3A_596 = arith.constant 48 : index
        %parallel_loop3A_597 = tpu.vector_load %arg11[%parallel_loop3A_594, %parallel_loop3A_595, %parallel_loop3A_596] {strides = array<i32>} : memref<2x128x64xf32, #tpu.memory_space<vmem>>, vector<1x1x16xf32>,
        %parallel_loop3A_598 = vector.shape_cast %parallel_loop3A_597 : vector<1x1x16xf32> to vector<16xf32>
        %parallel_loop3A_599 = arith.constant 0 : i32
        %parallel_loop3A_600 = arith.index_cast %parallel_loop3A_599 : i32 to index
        %parallel_loop3A_601 = arith.index_cast %parallel_loop3A_523 : i32 to index
        %parallel_loop3A_602 = arith.constant 32 : index
        %parallel_loop3A_603 = tpu.vector_load %arg12[%parallel_loop3A_600, %parallel_loop3A_601, %parallel_loop3A_602] {strides = array<i32>} : memref<2x128x64xf32, #tpu.memory_space<vmem>>, vector<1x1x16xf32>,
        %parallel_loop3A_604 = vector.shape_cast %parallel_loop3A_603 : vector<1x1x16xf32> to vector<16xf32>
        %parallel_loop3A_605 = arith.addf %parallel_loop3A_592, %parallel_loop3A_604 : vector<16xf32>
        %parallel_loop3A_606 = arith.constant 0 : i32
        %parallel_loop3A_607 = arith.index_cast %parallel_loop3A_606 : i32 to index
        %parallel_loop3A_608 = arith.index_cast %parallel_loop3A_523 : i32 to index
        %parallel_loop3A_609 = arith.constant 48 : index
        %parallel_loop3A_610 = tpu.vector_load %arg12[%parallel_loop3A_607, %parallel_loop3A_608, %parallel_loop3A_609] {strides = array<i32>} : memref<2x128x64xf32, #tpu.memory_space<vmem>>, vector<1x1x16xf32>,
        %parallel_loop3A_611 = vector.shape_cast %parallel_loop3A_610 : vector<1x1x16xf32> to vector<16xf32>
        %parallel_loop3A_612 = arith.addf %parallel_loop3A_598, %parallel_loop3A_611 : vector<16xf32>
        %parallel_loop3A_613 = arith.constant 3.000000e-01 : f32
        %parallel_loop3A_614 = vector.broadcast %parallel_loop3A_613 : f32 to vector<16xf32>
        %parallel_loop3A_615 = arith.mulf %parallel_loop3A_614, %parallel_loop3A_605 : vector<16xf32>
        %parallel_loop3A_616 = arith.maximumf %parallel_loop3A_605, %parallel_loop3A_615 : vector<16xf32>
        %parallel_loop3A_617 = arith.mulf %parallel_loop3A_616, %get3A_17 : vector<16xf32>
        %parallel_loop3A_618 = arith.constant 3.000000e-01 : f32
        %parallel_loop3A_619 = vector.broadcast %parallel_loop3A_618 : f32 to vector<16xf32>
        %parallel_loop3A_620 = arith.mulf %parallel_loop3A_619, %parallel_loop3A_612 : vector<16xf32>
        %parallel_loop3A_621 = arith.maximumf %parallel_loop3A_612, %parallel_loop3A_620 : vector<16xf32>
        %parallel_loop3A_622 = arith.mulf %parallel_loop3A_621, %get3A_20 : vector<16xf32>
        %parallel_loop3A_623 = arith.addf %parallel_loop3A_617, %parallel_loop3A_622 : vector<16xf32>
        %parallel_loop3A_624 = vector.shape_cast %xor3A_6 : vector<16xi32> to vector<16x1xi32>
        %parallel_loop3A_625 = vector.shape_cast %parallel_loop3A_624 : vector<16x1xi32> to vector<16xi32>
        %parallel_loop3A_626 = tpu.dynamic_gather %parallel_loop3A_623[%parallel_loop3A_625] in [0] : vector<16xf32>, vector<16xi32> -> vector<16xf32>
        %parallel_loop3A_627 = arith.addf %parallel_loop3A_623, %parallel_loop3A_626 : vector<16xf32>
        %parallel_loop3A_628 = vector.shape_cast %xor3A_9 : vector<16xi32> to vector<16x1xi32>
        %parallel_loop3A_629 = vector.shape_cast %parallel_loop3A_628 : vector<16x1xi32> to vector<16xi32>
        %parallel_loop3A_630 = tpu.dynamic_gather %parallel_loop3A_627[%parallel_loop3A_629] in [0] : vector<16xf32>, vector<16xi32> -> vector<16xf32>
        %parallel_loop3A_631 = arith.addf %parallel_loop3A_627, %parallel_loop3A_630 : vector<16xf32>
        %parallel_loop3A_632 = math.exp %parallel_loop3A_631 : vector<16xf32>
        %parallel_loop3A_633 = arith.mulf %parallel_loop3A_592, %parallel_loop3A_632 : vector<16xf32>
        %parallel_loop3A_634 = arith.index_cast %parallel_loop3A_523 : i32 to index
        %parallel_loop3A_635 = arith.constant 32 : index
        %parallel_loop3A_636 = tpu.vector_load %arg13[%parallel_loop3A_634, %parallel_loop3A_635] {strides = array<i32>} : memref<128x96xf32, #tpu.memory_space<vmem>>, vector<1x16xf32>,
        %parallel_loop3A_637 = vector.shape_cast %parallel_loop3A_636 : vector<1x16xf32> to vector<16xf32>
        %parallel_loop3A_638 = vector.shape_cast %parallel_loop3A_633 : vector<16xf32> to vector<1x16xf32>
        tpu.vector_store %arg13[%parallel_loop3A_634, %parallel_loop3A_635], %parallel_loop3A_638 {strides = array<i32>} : memref<128x96xf32, #tpu.memory_space<vmem>>, vector<1x16xf32>,
        %parallel_loop3A_639 = arith.mulf %parallel_loop3A_598, %parallel_loop3A_632 : vector<16xf32>
        %parallel_loop3A_640 = arith.index_cast %parallel_loop3A_523 : i32 to index
        %parallel_loop3A_641 = arith.constant 48 : index
        %parallel_loop3A_642 = tpu.vector_load %arg13[%parallel_loop3A_640, %parallel_loop3A_641] {strides = array<i32>} : memref<128x96xf32, #tpu.memory_space<vmem>>, vector<1x16xf32>,
        %parallel_loop3A_643 = vector.shape_cast %parallel_loop3A_642 : vector<1x16xf32> to vector<16xf32>
        %parallel_loop3A_644 = vector.shape_cast %parallel_loop3A_639 : vector<16xf32> to vector<1x16xf32>
        tpu.vector_store %arg13[%parallel_loop3A_640, %parallel_loop3A_641], %parallel_loop3A_644 {strides = array<i32>} : memref<128x96xf32, #tpu.memory_space<vmem>>, vector<1x16xf32>,
        %parallel_loop3A_645 = arith.index_cast %parallel_loop3A_523 : i32 to index
        %parallel_loop3A_646 = arith.constant 80 : index
        %parallel_loop3A_647 = tpu.vector_load %arg13[%parallel_loop3A_645, %parallel_loop3A_646] {strides = array<i32>} : memref<128x96xf32, #tpu.memory_space<vmem>>, vector<1x16xf32>,
        %parallel_loop3A_648 = vector.shape_cast %parallel_loop3A_647 : vector<1x16xf32> to vector<16xf32>
        %parallel_loop3A_649 = vector.shape_cast %parallel_loop3A_632 : vector<16xf32> to vector<1x16xf32>
        tpu.vector_store %arg13[%parallel_loop3A_645, %parallel_loop3A_646], %parallel_loop3A_649 {strides = array<i32>} : memref<128x96xf32, #tpu.memory_space<vmem>>, vector<1x16xf32>,
      } {sc.loop_unroll_factor = 8 : i64, sc.parallel_access}
      "tpu.region"() ({
        %run_scoped3A = tpu.sem_alloc : memref<!tpu.dma_semaphore, #tpu.memory_space<semaphore_mem>>
        %dma_start3A_523 = arith.constant 0 : i32
        %dma_start3A_524 = arith.constant 0 : i32
        %dma_start3A_525 = tpu.memref_slice %arg16[%dma_start3A_523, %dma_start3A_524] : memref<10112x96xf32, #tpu.memory_space<vmem_shared>> -> memref<10112x96xf32, #tpu.memory_space<vmem_shared>>
        tpu.enqueue_indirect_dma source(%arg13 : memref<128x96xf32, #tpu.memory_space<vmem>>) target(%dma_start3A_525 : memref<10112x96xf32, #tpu.memory_space<vmem_shared>>) offsets(%arg14 : memref<128xi32, #tpu.memory_space<vmem>>) semaphore(%run_scoped3A : memref<!tpu.dma_semaphore, #tpu.memory_space<semaphore_mem>>) {add = true}
        %dma_wait3A_526 = arith.constant 0 : i32
        %dma_wait3A_527 = arith.constant 0 : i32
        %dma_wait3A_528 = tpu.memref_slice %arg16[%dma_wait3A_526, %dma_wait3A_527] : memref<10112x96xf32, #tpu.memory_space<vmem_shared>> -> memref<10112x96xf32, #tpu.memory_space<vmem_shared>>
        tpu.wait_indirect_dma semaphore(%run_scoped3A : memref<!tpu.dma_semaphore, #tpu.memory_space<semaphore_mem>>) src(%arg13 : memref<128x96xf32, #tpu.memory_space<vmem>>) dst(%dma_wait3A_528 : memref<10112x96xf32, #tpu.memory_space<vmem_shared>>)
        tpu.yield
      }) : () -> ()
      %mul3A_347 = arith.constant 2 : i32
      %mul3A_348 = arith.muli %mul3A_347, %scan3A_172 : i32
      %add3A_349 = arith.constant 1 : i32
      %add3A_350 = arith.addi %mul3A_348, %add3A_349 : i32
      %dma_wait3A_351 = arith.constant 0 : i32
      %dma_wait3A_352 = arith.constant 0 : i32
      %dma_wait3A_353 = tpu.memref_slice %arg9[%dma_wait3A_351, %dma_wait3A_352] : memref<2x128xi32, #tpu.memory_space<vmem>> -> memref<1x128xi32, #tpu.memory_space<vmem>>
      %dma_wait3A_354 = tpu.memref_squeeze %dma_wait3A_353 : memref<1x128xi32, #tpu.memory_space<vmem>> -> memref<128xi32, #tpu.memory_space<vmem>>
      %dma_wait3A_355 = arith.constant 0 : i32
      %dma_wait3A_356 = tpu.memref_slice %arg4[%dma_wait3A_355] : memref<327680xi32, #tpu.memory_space<hbm>> -> memref<128xi32, #tpu.memory_space<hbm>>
      %dma_wait3A_357 = arith.constant 0 : i32
      %dma_wait3A_358 = tpu.memref_slice %arg9[%dma_wait3A_351, %dma_wait3A_357] : memref<2x128xi32, #tpu.memory_space<vmem>> -> memref<1x128xi32, #tpu.memory_space<vmem>>
      %dma_wait3A_359 = tpu.memref_squeeze %dma_wait3A_358 : memref<1x128xi32, #tpu.memory_space<vmem>> -> memref<128xi32, #tpu.memory_space<vmem>>
      %dma_wait3A_360 = arith.constant 0 : i32
      %dma_wait3A_361 = tpu.memref_slice %arg4[%dma_wait3A_360] : memref<327680xi32, #tpu.memory_space<hbm>> -> memref<128xi32, #tpu.memory_space<hbm>>
      tpu.wait_dma2 semaphore(%arg17 : memref<!tpu.dma_semaphore, #tpu.memory_space<semaphore_mem>>) src(%dma_wait3A_361 : memref<128xi32, #tpu.memory_space<hbm>>) dst(%dma_wait3A_359 : memref<128xi32, #tpu.memory_space<vmem>>)
      %dma_wait3A_362 = arith.constant 0 : i32
      %dma_wait3A_363 = arith.constant 0 : i32
      %dma_wait3A_364 = tpu.memref_slice %arg10[%dma_wait3A_362, %dma_wait3A_363] : memref<2x128xi32, #tpu.memory_space<vmem>> -> memref<1x128xi32, #tpu.memory_space<vmem>>
      %dma_wait3A_365 = tpu.memref_squeeze %dma_wait3A_364 : memref<1x128xi32, #tpu.memory_space<vmem>> -> memref<128xi32, #tpu.memory_space<vmem>>
      %dma_wait3A_366 = arith.constant 0 : i32
      %dma_wait3A_367 = tpu.memref_slice %arg5[%dma_wait3A_366] : memref<327680xi32, #tpu.memory_space<hbm>> -> memref<128xi32, #tpu.memory_space<hbm>>
      %dma_wait3A_368 = arith.constant 0 : i32
      %dma_wait3A_369 = tpu.memref_slice %arg10[%dma_wait3A_362, %dma_wait3A_368] : memref<2x128xi32, #tpu.memory_space<vmem>> -> memref<1x128xi32, #tpu.memory_space<vmem>>
      %dma_wait3A_370 = tpu.memref_squeeze %dma_wait3A_369 : memref<1x128xi32, #tpu.memory_space<vmem>> -> memref<128xi32, #tpu.memory_space<vmem>>
      %dma_wait3A_371 = arith.constant 0 : i32
      %dma_wait3A_372 = tpu.memref_slice %arg5[%dma_wait3A_371] : memref<327680xi32, #tpu.memory_space<hbm>> -> memref<128xi32, #tpu.memory_space<hbm>>
      tpu.wait_dma2 semaphore(%arg17 : memref<!tpu.dma_semaphore, #tpu.memory_space<semaphore_mem>>) src(%dma_wait3A_372 : memref<128xi32, #tpu.memory_space<hbm>>) dst(%dma_wait3A_370 : memref<128xi32, #tpu.memory_space<vmem>>)
      %dma_start3A_373 = arith.constant 0 : i32
      %dma_start3A_374 = arith.constant 0 : i32
      %dma_start3A_375 = arith.constant 0 : i32
      %dma_start3A_376 = arith.constant 0 : i32
      %dma_start3A_377 = tpu.memref_slice %arg11[%dma_start3A_374, %dma_start3A_375, %dma_start3A_376] : memref<2x128x64xf32, #tpu.memory_space<vmem>> -> memref<1x128x64xf32, #tpu.memory_space<vmem>>
      %dma_start3A_378 = tpu.memref_squeeze %dma_start3A_377 : memref<1x128x64xf32, #tpu.memory_space<vmem>> -> memref<128x64xf32, #tpu.memory_space<vmem>>
      %dma_start3A_379 = arith.constant 0 : i32
      %dma_start3A_380 = tpu.memref_slice %arg9[%dma_start3A_373, %dma_start3A_379] : memref<2x128xi32, #tpu.memory_space<vmem>> -> memref<1x128xi32, #tpu.memory_space<vmem>>
      %dma_start3A_381 = tpu.memref_squeeze %dma_start3A_380 : memref<1x128xi32, #tpu.memory_space<vmem>> -> memref<128xi32, #tpu.memory_space<vmem>>
      %dma_start3A_382 = arith.constant 0 : i32
      %dma_start3A_383 = arith.constant 0 : i32
      %dma_start3A_384 = tpu.memref_slice %arg2[%dma_start3A_382, %dma_start3A_383] : memref<10000x64xf32, #tpu.memory_space<hbm>> -> memref<10000x64xf32, #tpu.memory_space<hbm>>
      tpu.enqueue_indirect_dma source(%dma_start3A_384 : memref<10000x64xf32, #tpu.memory_space<hbm>>) target(%dma_start3A_378 : memref<128x64xf32, #tpu.memory_space<vmem>>) offsets(%dma_start3A_381 : memref<128xi32, #tpu.memory_space<vmem>>) semaphore(%arg19 : memref<!tpu.dma_semaphore, #tpu.memory_space<semaphore_mem>>)
      %dma_start3A_385 = arith.constant 0 : i32
      %dma_start3A_386 = arith.constant 0 : i32
      %dma_start3A_387 = arith.constant 0 : i32
      %dma_start3A_388 = arith.constant 0 : i32
      %dma_start3A_389 = tpu.memref_slice %arg12[%dma_start3A_386, %dma_start3A_387, %dma_start3A_388] : memref<2x128x64xf32, #tpu.memory_space<vmem>> -> memref<1x128x64xf32, #tpu.memory_space<vmem>>
      %dma_start3A_390 = tpu.memref_squeeze %dma_start3A_389 : memref<1x128x64xf32, #tpu.memory_space<vmem>> -> memref<128x64xf32, #tpu.memory_space<vmem>>
      %dma_start3A_391 = arith.constant 0 : i32
      %dma_start3A_392 = tpu.memref_slice %arg10[%dma_start3A_385, %dma_start3A_391] : memref<2x128xi32, #tpu.memory_space<vmem>> -> memref<1x128xi32, #tpu.memory_space<vmem>>
      %dma_start3A_393 = tpu.memref_squeeze %dma_start3A_392 : memref<1x128xi32, #tpu.memory_space<vmem>> -> memref<128xi32, #tpu.memory_space<vmem>>
      %dma_start3A_394 = arith.constant 0 : i32
      %dma_start3A_395 = arith.constant 0 : i32
      %dma_start3A_396 = tpu.memref_slice %arg3[%dma_start3A_394, %dma_start3A_395] : memref<10000x64xf32, #tpu.memory_space<hbm>> -> memref<10000x64xf32, #tpu.memory_space<hbm>>
      tpu.enqueue_indirect_dma source(%dma_start3A_396 : memref<10000x64xf32, #tpu.memory_space<hbm>>) target(%dma_start3A_390 : memref<128x64xf32, #tpu.memory_space<vmem>>) offsets(%dma_start3A_393 : memref<128xi32, #tpu.memory_space<vmem>>) semaphore(%arg19 : memref<!tpu.dma_semaphore, #tpu.memory_space<semaphore_mem>>)
      %dma_wait3A_397 = arith.constant 1 : i32
      %dma_wait3A_398 = arith.constant 1 : i32
      %dma_wait3A_399 = arith.constant 0 : i32
      %dma_wait3A_400 = arith.constant 0 : i32
      %dma_wait3A_401 = tpu.memref_slice %arg11[%dma_wait3A_398, %dma_wait3A_399, %dma_wait3A_400] : memref<2x128x64xf32, #tpu.memory_space<vmem>> -> memref<1x128x64xf32, #tpu.memory_space<vmem>>
      %dma_wait3A_402 = tpu.memref_squeeze %dma_wait3A_401 : memref<1x128x64xf32, #tpu.memory_space<vmem>> -> memref<128x64xf32, #tpu.memory_space<vmem>>
      %dma_wait3A_403 = arith.constant 0 : i32
      %dma_wait3A_404 = tpu.memref_slice %arg9[%dma_wait3A_397, %dma_wait3A_403] : memref<2x128xi32, #tpu.memory_space<vmem>> -> memref<1x128xi32, #tpu.memory_space<vmem>>
      %dma_wait3A_405 = tpu.memref_squeeze %dma_wait3A_404 : memref<1x128xi32, #tpu.memory_space<vmem>> -> memref<128xi32, #tpu.memory_space<vmem>>
      %dma_wait3A_406 = arith.constant 0 : i32
      %dma_wait3A_407 = arith.constant 0 : i32
      %dma_wait3A_408 = tpu.memref_slice %arg2[%dma_wait3A_406, %dma_wait3A_407] : memref<10000x64xf32, #tpu.memory_space<hbm>> -> memref<10000x64xf32, #tpu.memory_space<hbm>>
      tpu.wait_indirect_dma semaphore(%arg20 : memref<!tpu.dma_semaphore, #tpu.memory_space<semaphore_mem>>) src(%dma_wait3A_408 : memref<10000x64xf32, #tpu.memory_space<hbm>>) dst(%dma_wait3A_402 : memref<128x64xf32, #tpu.memory_space<vmem>>)
      %dma_wait3A_409 = arith.constant 1 : i32
      %dma_wait3A_410 = arith.constant 1 : i32
      %dma_wait3A_411 = arith.constant 0 : i32
      %dma_wait3A_412 = arith.constant 0 : i32
      %dma_wait3A_413 = tpu.memref_slice %arg12[%dma_wait3A_410, %dma_wait3A_411, %dma_wait3A_412] : memref<2x128x64xf32, #tpu.memory_space<vmem>> -> memref<1x128x64xf32, #tpu.memory_space<vmem>>
      %dma_wait3A_414 = tpu.memref_squeeze %dma_wait3A_413 : memref<1x128x64xf32, #tpu.memory_space<vmem>> -> memref<128x64xf32, #tpu.memory_space<vmem>>
      %dma_wait3A_415 = arith.constant 0 : i32
      %dma_wait3A_416 = tpu.memref_slice %arg10[%dma_wait3A_409, %dma_wait3A_415] : memref<2x128xi32, #tpu.memory_space<vmem>> -> memref<1x128xi32, #tpu.memory_space<vmem>>
      %dma_wait3A_417 = tpu.memref_squeeze %dma_wait3A_416 : memref<1x128xi32, #tpu.memory_space<vmem>> -> memref<128xi32, #tpu.memory_space<vmem>>
      %dma_wait3A_418 = arith.constant 0 : i32
      %dma_wait3A_419 = arith.constant 0 : i32
      %dma_wait3A_420 = tpu.memref_slice %arg3[%dma_wait3A_418, %dma_wait3A_419] : memref<10000x64xf32, #tpu.memory_space<hbm>> -> memref<10000x64xf32, #tpu.memory_space<hbm>>
      tpu.wait_indirect_dma semaphore(%arg20 : memref<!tpu.dma_semaphore, #tpu.memory_space<semaphore_mem>>) src(%dma_wait3A_420 : memref<10000x64xf32, #tpu.memory_space<hbm>>) dst(%dma_wait3A_414 : memref<128x64xf32, #tpu.memory_space<vmem>>)
      %get3A_421 = arith.constant 1 : i32
      %get3A_422 = arith.index_cast %get3A_421 : i32 to index
      %get3A_423 = arith.constant 0 : index
      %get3A_424 = tpu.vector_load %arg10[%get3A_422, %get3A_423] {strides = array<i32>} : memref<2x128xi32, #tpu.memory_space<vmem>>, vector<1x16xi32>,
      %get3A_425 = vector.shape_cast %get3A_424 : vector<1x16xi32> to vector<16xi32>
      %swap3A_426 = arith.constant 0 : index
      %swap3A_427 = tpu.vector_load %arg14[%swap3A_426] {strides = array<i32>} : memref<128xi32, #tpu.memory_space<vmem>>, vector<16xi32>,
      %swap3A_428 = vector.shape_cast %swap3A_427 : vector<16xi32> to vector<16xi32>
      %swap3A_429 = vector.shape_cast %get3A_425 : vector<16xi32> to vector<16xi32>
      tpu.vector_store %arg14[%swap3A_426], %swap3A_429 {strides = array<i32>} : memref<128xi32, #tpu.memory_space<vmem>>, vector<16xi32>,
      %get3A_430 = arith.constant 1 : i32
      %get3A_431 = arith.index_cast %get3A_430 : i32 to index
      %get3A_432 = arith.constant 16 : index
      %get3A_433 = tpu.vector_load %arg10[%get3A_431, %get3A_432] {strides = array<i32>} : memref<2x128xi32, #tpu.memory_space<vmem>>, vector<1x16xi32>,
      %get3A_434 = vector.shape_cast %get3A_433 : vector<1x16xi32> to vector<16xi32>
      %swap3A_435 = arith.constant 16 : index
      %swap3A_436 = tpu.vector_load %arg14[%swap3A_435] {strides = array<i32>} : memref<128xi32, #tpu.memory_space<vmem>>, vector<16xi32>,
      %swap3A_437 = vector.shape_cast %swap3A_436 : vector<16xi32> to vector<16xi32>
      %swap3A_438 = vector.shape_cast %get3A_434 : vector<16xi32> to vector<16xi32>
      tpu.vector_store %arg14[%swap3A_435], %swap3A_438 {strides = array<i32>} : memref<128xi32, #tpu.memory_space<vmem>>, vector<16xi32>,
      %get3A_439 = arith.constant 1 : i32
      %get3A_440 = arith.index_cast %get3A_439 : i32 to index
      %get3A_441 = arith.constant 32 : index
      %get3A_442 = tpu.vector_load %arg10[%get3A_440, %get3A_441] {strides = array<i32>} : memref<2x128xi32, #tpu.memory_space<vmem>>, vector<1x16xi32>,
      %get3A_443 = vector.shape_cast %get3A_442 : vector<1x16xi32> to vector<16xi32>
      %swap3A_444 = arith.constant 32 : index
      %swap3A_445 = tpu.vector_load %arg14[%swap3A_444] {strides = array<i32>} : memref<128xi32, #tpu.memory_space<vmem>>, vector<16xi32>,
      %swap3A_446 = vector.shape_cast %swap3A_445 : vector<16xi32> to vector<16xi32>
      %swap3A_447 = vector.shape_cast %get3A_443 : vector<16xi32> to vector<16xi32>
      tpu.vector_store %arg14[%swap3A_444], %swap3A_447 {strides = array<i32>} : memref<128xi32, #tpu.memory_space<vmem>>, vector<16xi32>,
      %get3A_448 = arith.constant 1 : i32
      %get3A_449 = arith.index_cast %get3A_448 : i32 to index
      %get3A_450 = arith.constant 48 : index
      %get3A_451 = tpu.vector_load %arg10[%get3A_449, %get3A_450] {strides = array<i32>} : memref<2x128xi32, #tpu.memory_space<vmem>>, vector<1x16xi32>,
      %get3A_452 = vector.shape_cast %get3A_451 : vector<1x16xi32> to vector<16xi32>
      %swap3A_453 = arith.constant 48 : index
      %swap3A_454 = tpu.vector_load %arg14[%swap3A_453] {strides = array<i32>} : memref<128xi32, #tpu.memory_space<vmem>>, vector<16xi32>,
      %swap3A_455 = vector.shape_cast %swap3A_454 : vector<16xi32> to vector<16xi32>
      %swap3A_456 = vector.shape_cast %get3A_452 : vector<16xi32> to vector<16xi32>
      tpu.vector_store %arg14[%swap3A_453], %swap3A_456 {strides = array<i32>} : memref<128xi32, #tpu.memory_space<vmem>>, vector<16xi32>,
      %get3A_457 = arith.constant 1 : i32
      %get3A_458 = arith.index_cast %get3A_457 : i32 to index
      %get3A_459 = arith.constant 64 : index
      %get3A_460 = tpu.vector_load %arg10[%get3A_458, %get3A_459] {strides = array<i32>} : memref<2x128xi32, #tpu.memory_space<vmem>>, vector<1x16xi32>,
      %get3A_461 = vector.shape_cast %get3A_460 : vector<1x16xi32> to vector<16xi32>
      %swap3A_462 = arith.constant 64 : index
      %swap3A_463 = tpu.vector_load %arg14[%swap3A_462] {strides = array<i32>} : memref<128xi32, #tpu.memory_space<vmem>>, vector<16xi32>,
      %swap3A_464 = vector.shape_cast %swap3A_463 : vector<16xi32> to vector<16xi32>
      %swap3A_465 = vector.shape_cast %get3A_461 : vector<16xi32> to vector<16xi32>
      tpu.vector_store %arg14[%swap3A_462], %swap3A_465 {strides = array<i32>} : memref<128xi32, #tpu.memory_space<vmem>>, vector<16xi32>,
      %get3A_466 = arith.constant 1 : i32
      %get3A_467 = arith.index_cast %get3A_466 : i32 to index
      %get3A_468 = arith.constant 80 : index
      %get3A_469 = tpu.vector_load %arg10[%get3A_467, %get3A_468] {strides = array<i32>} : memref<2x128xi32, #tpu.memory_space<vmem>>, vector<1x16xi32>,
      %get3A_470 = vector.shape_cast %get3A_469 : vector<1x16xi32> to vector<16xi32>
      %swap3A_471 = arith.constant 80 : index
      %swap3A_472 = tpu.vector_load %arg14[%swap3A_471] {strides = array<i32>} : memref<128xi32, #tpu.memory_space<vmem>>, vector<16xi32>,
      %swap3A_473 = vector.shape_cast %swap3A_472 : vector<16xi32> to vector<16xi32>
      %swap3A_474 = vector.shape_cast %get3A_470 : vector<16xi32> to vector<16xi32>
      tpu.vector_store %arg14[%swap3A_471], %swap3A_474 {strides = array<i32>} : memref<128xi32, #tpu.memory_space<vmem>>, vector<16xi32>,
      %get3A_475 = arith.constant 1 : i32
      %get3A_476 = arith.index_cast %get3A_475 : i32 to index
      %get3A_477 = arith.constant 96 : index
      %get3A_478 = tpu.vector_load %arg10[%get3A_476, %get3A_477] {strides = array<i32>} : memref<2x128xi32, #tpu.memory_space<vmem>>, vector<1x16xi32>,
      %get3A_479 = vector.shape_cast %get3A_478 : vector<1x16xi32> to vector<16xi32>
      %swap3A_480 = arith.constant 96 : index
      %swap3A_481 = tpu.vector_load %arg14[%swap3A_480] {strides = array<i32>} : memref<128xi32, #tpu.memory_space<vmem>>, vector<16xi32>,
      %swap3A_482 = vector.shape_cast %swap3A_481 : vector<16xi32> to vector<16xi32>
      %swap3A_483 = vector.shape_cast %get3A_479 : vector<16xi32> to vector<16xi32>
      tpu.vector_store %arg14[%swap3A_480], %swap3A_483 {strides = array<i32>} : memref<128xi32, #tpu.memory_space<vmem>>, vector<16xi32>,
      %get3A_484 = arith.constant 1 : i32
      %get3A_485 = arith.index_cast %get3A_484 : i32 to index
      %get3A_486 = arith.constant 112 : index
      %get3A_487 = tpu.vector_load %arg10[%get3A_485, %get3A_486] {strides = array<i32>} : memref<2x128xi32, #tpu.memory_space<vmem>>, vector<1x16xi32>,
      %get3A_488 = vector.shape_cast %get3A_487 : vector<1x16xi32> to vector<16xi32>
      %swap3A_489 = arith.constant 112 : index
      %swap3A_490 = tpu.vector_load %arg14[%swap3A_489] {strides = array<i32>} : memref<128xi32, #tpu.memory_space<vmem>>, vector<16xi32>,
      %swap3A_491 = vector.shape_cast %swap3A_490 : vector<16xi32> to vector<16xi32>
      %swap3A_492 = vector.shape_cast %get3A_488 : vector<16xi32> to vector<16xi32>
      tpu.vector_store %arg14[%swap3A_489], %swap3A_492 {strides = array<i32>} : memref<128xi32, #tpu.memory_space<vmem>>, vector<16xi32>,
      %add3A_493 = arith.constant 2 : i32
      %add3A_494 = arith.addi %add3A_350, %add3A_493 : i32
      %min3A_495 = arith.constant 79 : i32
      %min3A_496 = arith.minsi %add3A_494, %min3A_495 : i32
      %mul3A_497 = arith.constant 80 : i32
      %mul3A_498 = arith.muli %add3A, %mul3A_497 : i32
      %add3A_499 = arith.addi %mul3A_498, %min3A_496 : i32
      %mul3A_500 = arith.constant 128 : i32
      %mul3A_501 = arith.muli %add3A_499, %mul3A_500 : i32
      %dma_start3A_502 = arith.constant 1 : i32
      %dma_start3A_503 = arith.constant 0 : i32
      %dma_start3A_504 = tpu.memref_slice %arg9[%dma_start3A_502, %dma_start3A_503] : memref<2x128xi32, #tpu.memory_space<vmem>> -> memref<1x128xi32, #tpu.memory_space<vmem>>
      %dma_start3A_505 = tpu.memref_squeeze %dma_start3A_504 : memref<1x128xi32, #tpu.memory_space<vmem>> -> memref<128xi32, #tpu.memory_space<vmem>>
      %dma_start3A_506 = tpu.memref_slice %arg4[%mul3A_501] : memref<327680xi32, #tpu.memory_space<hbm>> -> memref<128xi32, #tpu.memory_space<hbm>>
      %dma_start3A_507 = arith.constant 0 : i32
      %dma_start3A_508 = tpu.memref_slice %arg9[%dma_start3A_502, %dma_start3A_507] : memref<2x128xi32, #tpu.memory_space<vmem>> -> memref<1x128xi32, #tpu.memory_space<vmem>>
      %dma_start3A_509 = tpu.memref_squeeze %dma_start3A_508 : memref<1x128xi32, #tpu.memory_space<vmem>> -> memref<128xi32, #tpu.memory_space<vmem>>
      %dma_start3A_510 = tpu.memref_slice %arg4[%mul3A_501] : memref<327680xi32, #tpu.memory_space<hbm>> -> memref<128xi32, #tpu.memory_space<hbm>>
      tpu.enqueue_dma source(%dma_start3A_510 : memref<128xi32, #tpu.memory_space<hbm>>) target(%dma_start3A_509 : memref<128xi32, #tpu.memory_space<vmem>>) target_semaphore(%arg18 : memref<!tpu.dma_semaphore, #tpu.memory_space<semaphore_mem>>)
      %dma_start3A_511 = arith.constant 1 : i32
      %dma_start3A_512 = arith.constant 0 : i32
      %dma_start3A_513 = tpu.memref_slice %arg10[%dma_start3A_511, %dma_start3A_512] : memref<2x128xi32, #tpu.memory_space<vmem>> -> memref<1x128xi32, #tpu.memory_space<vmem>>
      %dma_start3A_514 = tpu.memref_squeeze %dma_start3A_513 : memref<1x128xi32, #tpu.memory_space<vmem>> -> memref<128xi32, #tpu.memory_space<vmem>>
      %dma_start3A_515 = tpu.memref_slice %arg5[%mul3A_501] : memref<327680xi32, #tpu.memory_space<hbm>> -> memref<128xi32, #tpu.memory_space<hbm>>
      %dma_start3A_516 = arith.constant 0 : i32
      %dma_start3A_517 = tpu.memref_slice %arg10[%dma_start3A_511, %dma_start3A_516] : memref<2x128xi32, #tpu.memory_space<vmem>> -> memref<1x128xi32, #tpu.memory_space<vmem>>
      %dma_start3A_518 = tpu.memref_squeeze %dma_start3A_517 : memref<1x128xi32, #tpu.memory_space<vmem>> -> memref<128xi32, #tpu.memory_space<vmem>>
      %dma_start3A_519 = tpu.memref_slice %arg5[%mul3A_501] : memref<327680xi32, #tpu.memory_space<hbm>> -> memref<128xi32, #tpu.memory_space<hbm>>
      tpu.enqueue_dma source(%dma_start3A_519 : memref<128xi32, #tpu.memory_space<hbm>>) target(%dma_start3A_518 : memref<128xi32, #tpu.memory_space<vmem>>) target_semaphore(%arg18 : memref<!tpu.dma_semaphore, #tpu.memory_space<semaphore_mem>>)
      %parallel_loop3A_520 = arith.constant 0 : i32
      %parallel_loop3A_521 = arith.constant 128 : i32
      %parallel_loop3A_522 = arith.constant 1 : i32
      scf.for %parallel_loop3A_523 = %parallel_loop3A_520 to %parallel_loop3A_521 step %parallel_loop3A_522  : i32 {
        %parallel_loop3A_524 = arith.constant 1 : i32
        %parallel_loop3A_525 = arith.index_cast %parallel_loop3A_524 : i32 to index
        %parallel_loop3A_526 = arith.index_cast %parallel_loop3A_523 : i32 to index
        %parallel_loop3A_527 = arith.constant 0 : index
        %parallel_loop3A_528 = tpu.vector_load %arg11[%parallel_loop3A_525, %parallel_loop3A_526, %parallel_loop3A_527] {strides = array<i32>} : memref<2x128x64xf32, #tpu.memory_space<vmem>>, vector<1x1x16xf32>,
        %parallel_loop3A_529 = vector.shape_cast %parallel_loop3A_528 : vector<1x1x16xf32> to vector<16xf32>
        %parallel_loop3A_530 = arith.constant 1 : i32
        %parallel_loop3A_531 = arith.index_cast %parallel_loop3A_530 : i32 to index
        %parallel_loop3A_532 = arith.index_cast %parallel_loop3A_523 : i32 to index
        %parallel_loop3A_533 = arith.constant 16 : index
        %parallel_loop3A_534 = tpu.vector_load %arg11[%parallel_loop3A_531, %parallel_loop3A_532, %parallel_loop3A_533] {strides = array<i32>} : memref<2x128x64xf32, #tpu.memory_space<vmem>>, vector<1x1x16xf32>,
        %parallel_loop3A_535 = vector.shape_cast %parallel_loop3A_534 : vector<1x1x16xf32> to vector<16xf32>
        %parallel_loop3A_536 = arith.constant 1 : i32
        %parallel_loop3A_537 = arith.index_cast %parallel_loop3A_536 : i32 to index
        %parallel_loop3A_538 = arith.index_cast %parallel_loop3A_523 : i32 to index
        %parallel_loop3A_539 = arith.constant 0 : index
        %parallel_loop3A_540 = tpu.vector_load %arg12[%parallel_loop3A_537, %parallel_loop3A_538, %parallel_loop3A_539] {strides = array<i32>} : memref<2x128x64xf32, #tpu.memory_space<vmem>>, vector<1x1x16xf32>,
        %parallel_loop3A_541 = vector.shape_cast %parallel_loop3A_540 : vector<1x1x16xf32> to vector<16xf32>
        %parallel_loop3A_542 = arith.addf %parallel_loop3A_529, %parallel_loop3A_541 : vector<16xf32>
        %parallel_loop3A_543 = arith.constant 1 : i32
        %parallel_loop3A_544 = arith.index_cast %parallel_loop3A_543 : i32 to index
        %parallel_loop3A_545 = arith.index_cast %parallel_loop3A_523 : i32 to index
        %parallel_loop3A_546 = arith.constant 16 : index
        %parallel_loop3A_547 = tpu.vector_load %arg12[%parallel_loop3A_544, %parallel_loop3A_545, %parallel_loop3A_546] {strides = array<i32>} : memref<2x128x64xf32, #tpu.memory_space<vmem>>, vector<1x1x16xf32>,
        %parallel_loop3A_548 = vector.shape_cast %parallel_loop3A_547 : vector<1x1x16xf32> to vector<16xf32>
        %parallel_loop3A_549 = arith.addf %parallel_loop3A_535, %parallel_loop3A_548 : vector<16xf32>
        %parallel_loop3A_550 = arith.constant 3.000000e-01 : f32
        %parallel_loop3A_551 = vector.broadcast %parallel_loop3A_550 : f32 to vector<16xf32>
        %parallel_loop3A_552 = arith.mulf %parallel_loop3A_551, %parallel_loop3A_542 : vector<16xf32>
        %parallel_loop3A_553 = arith.maximumf %parallel_loop3A_542, %parallel_loop3A_552 : vector<16xf32>
        %parallel_loop3A_554 = arith.mulf %parallel_loop3A_553, %get3A_11 : vector<16xf32>
        %parallel_loop3A_555 = arith.constant 3.000000e-01 : f32
        %parallel_loop3A_556 = vector.broadcast %parallel_loop3A_555 : f32 to vector<16xf32>
        %parallel_loop3A_557 = arith.mulf %parallel_loop3A_556, %parallel_loop3A_549 : vector<16xf32>
        %parallel_loop3A_558 = arith.maximumf %parallel_loop3A_549, %parallel_loop3A_557 : vector<16xf32>
        %parallel_loop3A_559 = arith.mulf %parallel_loop3A_558, %get3A_14 : vector<16xf32>
        %parallel_loop3A_560 = arith.addf %parallel_loop3A_554, %parallel_loop3A_559 : vector<16xf32>
        %parallel_loop3A_561 = vector.shape_cast %xor3A_6 : vector<16xi32> to vector<16x1xi32>
        %parallel_loop3A_562 = vector.shape_cast %parallel_loop3A_561 : vector<16x1xi32> to vector<16xi32>
        %parallel_loop3A_563 = tpu.dynamic_gather %parallel_loop3A_560[%parallel_loop3A_562] in [0] : vector<16xf32>, vector<16xi32> -> vector<16xf32>
        %parallel_loop3A_564 = arith.addf %parallel_loop3A_560, %parallel_loop3A_563 : vector<16xf32>
        %parallel_loop3A_565 = vector.shape_cast %xor3A_9 : vector<16xi32> to vector<16x1xi32>
        %parallel_loop3A_566 = vector.shape_cast %parallel_loop3A_565 : vector<16x1xi32> to vector<16xi32>
        %parallel_loop3A_567 = tpu.dynamic_gather %parallel_loop3A_564[%parallel_loop3A_566] in [0] : vector<16xf32>, vector<16xi32> -> vector<16xf32>
        %parallel_loop3A_568 = arith.addf %parallel_loop3A_564, %parallel_loop3A_567 : vector<16xf32>
        %parallel_loop3A_569 = math.exp %parallel_loop3A_568 : vector<16xf32>
        %parallel_loop3A_570 = arith.mulf %parallel_loop3A_529, %parallel_loop3A_569 : vector<16xf32>
        %parallel_loop3A_571 = arith.index_cast %parallel_loop3A_523 : i32 to index
        %parallel_loop3A_572 = arith.constant 0 : index
        %parallel_loop3A_573 = tpu.vector_load %arg13[%parallel_loop3A_571, %parallel_loop3A_572] {strides = array<i32>} : memref<128x96xf32, #tpu.memory_space<vmem>>, vector<1x16xf32>,
        %parallel_loop3A_574 = vector.shape_cast %parallel_loop3A_573 : vector<1x16xf32> to vector<16xf32>
        %parallel_loop3A_575 = vector.shape_cast %parallel_loop3A_570 : vector<16xf32> to vector<1x16xf32>
        tpu.vector_store %arg13[%parallel_loop3A_571, %parallel_loop3A_572], %parallel_loop3A_575 {strides = array<i32>} : memref<128x96xf32, #tpu.memory_space<vmem>>, vector<1x16xf32>,
        %parallel_loop3A_576 = arith.mulf %parallel_loop3A_535, %parallel_loop3A_569 : vector<16xf32>
        %parallel_loop3A_577 = arith.index_cast %parallel_loop3A_523 : i32 to index
        %parallel_loop3A_578 = arith.constant 16 : index
        %parallel_loop3A_579 = tpu.vector_load %arg13[%parallel_loop3A_577, %parallel_loop3A_578] {strides = array<i32>} : memref<128x96xf32, #tpu.memory_space<vmem>>, vector<1x16xf32>,
        %parallel_loop3A_580 = vector.shape_cast %parallel_loop3A_579 : vector<1x16xf32> to vector<16xf32>
        %parallel_loop3A_581 = vector.shape_cast %parallel_loop3A_576 : vector<16xf32> to vector<1x16xf32>
        tpu.vector_store %arg13[%parallel_loop3A_577, %parallel_loop3A_578], %parallel_loop3A_581 {strides = array<i32>} : memref<128x96xf32, #tpu.memory_space<vmem>>, vector<1x16xf32>,
        %parallel_loop3A_582 = arith.index_cast %parallel_loop3A_523 : i32 to index
        %parallel_loop3A_583 = arith.constant 64 : index
        %parallel_loop3A_584 = tpu.vector_load %arg13[%parallel_loop3A_582, %parallel_loop3A_583] {strides = array<i32>} : memref<128x96xf32, #tpu.memory_space<vmem>>, vector<1x16xf32>,
        %parallel_loop3A_585 = vector.shape_cast %parallel_loop3A_584 : vector<1x16xf32> to vector<16xf32>
        %parallel_loop3A_586 = vector.shape_cast %parallel_loop3A_569 : vector<16xf32> to vector<1x16xf32>
        tpu.vector_store %arg13[%parallel_loop3A_582, %parallel_loop3A_583], %parallel_loop3A_586 {strides = array<i32>} : memref<128x96xf32, #tpu.memory_space<vmem>>, vector<1x16xf32>,
        %parallel_loop3A_587 = arith.constant 1 : i32
        %parallel_loop3A_588 = arith.index_cast %parallel_loop3A_587 : i32 to index
        %parallel_loop3A_589 = arith.index_cast %parallel_loop3A_523 : i32 to index
        %parallel_loop3A_590 = arith.constant 32 : index
        %parallel_loop3A_591 = tpu.vector_load %arg11[%parallel_loop3A_588, %parallel_loop3A_589, %parallel_loop3A_590] {strides = array<i32>} : memref<2x128x64xf32, #tpu.memory_space<vmem>>, vector<1x1x16xf32>,
        %parallel_loop3A_592 = vector.shape_cast %parallel_loop3A_591 : vector<1x1x16xf32> to vector<16xf32>
        %parallel_loop3A_593 = arith.constant 1 : i32
        %parallel_loop3A_594 = arith.index_cast %parallel_loop3A_593 : i32 to index
        %parallel_loop3A_595 = arith.index_cast %parallel_loop3A_523 : i32 to index
        %parallel_loop3A_596 = arith.constant 48 : index
        %parallel_loop3A_597 = tpu.vector_load %arg11[%parallel_loop3A_594, %parallel_loop3A_595, %parallel_loop3A_596] {strides = array<i32>} : memref<2x128x64xf32, #tpu.memory_space<vmem>>, vector<1x1x16xf32>,
        %parallel_loop3A_598 = vector.shape_cast %parallel_loop3A_597 : vector<1x1x16xf32> to vector<16xf32>
        %parallel_loop3A_599 = arith.constant 1 : i32
        %parallel_loop3A_600 = arith.index_cast %parallel_loop3A_599 : i32 to index
        %parallel_loop3A_601 = arith.index_cast %parallel_loop3A_523 : i32 to index
        %parallel_loop3A_602 = arith.constant 32 : index
        %parallel_loop3A_603 = tpu.vector_load %arg12[%parallel_loop3A_600, %parallel_loop3A_601, %parallel_loop3A_602] {strides = array<i32>} : memref<2x128x64xf32, #tpu.memory_space<vmem>>, vector<1x1x16xf32>,
        %parallel_loop3A_604 = vector.shape_cast %parallel_loop3A_603 : vector<1x1x16xf32> to vector<16xf32>
        %parallel_loop3A_605 = arith.addf %parallel_loop3A_592, %parallel_loop3A_604 : vector<16xf32>
        %parallel_loop3A_606 = arith.constant 1 : i32
        %parallel_loop3A_607 = arith.index_cast %parallel_loop3A_606 : i32 to index
        %parallel_loop3A_608 = arith.index_cast %parallel_loop3A_523 : i32 to index
        %parallel_loop3A_609 = arith.constant 48 : index
        %parallel_loop3A_610 = tpu.vector_load %arg12[%parallel_loop3A_607, %parallel_loop3A_608, %parallel_loop3A_609] {strides = array<i32>} : memref<2x128x64xf32, #tpu.memory_space<vmem>>, vector<1x1x16xf32>,
        %parallel_loop3A_611 = vector.shape_cast %parallel_loop3A_610 : vector<1x1x16xf32> to vector<16xf32>
        %parallel_loop3A_612 = arith.addf %parallel_loop3A_598, %parallel_loop3A_611 : vector<16xf32>
        %parallel_loop3A_613 = arith.constant 3.000000e-01 : f32
        %parallel_loop3A_614 = vector.broadcast %parallel_loop3A_613 : f32 to vector<16xf32>
        %parallel_loop3A_615 = arith.mulf %parallel_loop3A_614, %parallel_loop3A_605 : vector<16xf32>
        %parallel_loop3A_616 = arith.maximumf %parallel_loop3A_605, %parallel_loop3A_615 : vector<16xf32>
        %parallel_loop3A_617 = arith.mulf %parallel_loop3A_616, %get3A_17 : vector<16xf32>
        %parallel_loop3A_618 = arith.constant 3.000000e-01 : f32
        %parallel_loop3A_619 = vector.broadcast %parallel_loop3A_618 : f32 to vector<16xf32>
        %parallel_loop3A_620 = arith.mulf %parallel_loop3A_619, %parallel_loop3A_612 : vector<16xf32>
        %parallel_loop3A_621 = arith.maximumf %parallel_loop3A_612, %parallel_loop3A_620 : vector<16xf32>
        %parallel_loop3A_622 = arith.mulf %parallel_loop3A_621, %get3A_20 : vector<16xf32>
        %parallel_loop3A_623 = arith.addf %parallel_loop3A_617, %parallel_loop3A_622 : vector<16xf32>
        %parallel_loop3A_624 = vector.shape_cast %xor3A_6 : vector<16xi32> to vector<16x1xi32>
        %parallel_loop3A_625 = vector.shape_cast %parallel_loop3A_624 : vector<16x1xi32> to vector<16xi32>
        %parallel_loop3A_626 = tpu.dynamic_gather %parallel_loop3A_623[%parallel_loop3A_625] in [0] : vector<16xf32>, vector<16xi32> -> vector<16xf32>
        %parallel_loop3A_627 = arith.addf %parallel_loop3A_623, %parallel_loop3A_626 : vector<16xf32>
        %parallel_loop3A_628 = vector.shape_cast %xor3A_9 : vector<16xi32> to vector<16x1xi32>
        %parallel_loop3A_629 = vector.shape_cast %parallel_loop3A_628 : vector<16x1xi32> to vector<16xi32>
        %parallel_loop3A_630 = tpu.dynamic_gather %parallel_loop3A_627[%parallel_loop3A_629] in [0] : vector<16xf32>, vector<16xi32> -> vector<16xf32>
        %parallel_loop3A_631 = arith.addf %parallel_loop3A_627, %parallel_loop3A_630 : vector<16xf32>
        %parallel_loop3A_632 = math.exp %parallel_loop3A_631 : vector<16xf32>
        %parallel_loop3A_633 = arith.mulf %parallel_loop3A_592, %parallel_loop3A_632 : vector<16xf32>
        %parallel_loop3A_634 = arith.index_cast %parallel_loop3A_523 : i32 to index
        %parallel_loop3A_635 = arith.constant 32 : index
        %parallel_loop3A_636 = tpu.vector_load %arg13[%parallel_loop3A_634, %parallel_loop3A_635] {strides = array<i32>} : memref<128x96xf32, #tpu.memory_space<vmem>>, vector<1x16xf32>,
        %parallel_loop3A_637 = vector.shape_cast %parallel_loop3A_636 : vector<1x16xf32> to vector<16xf32>
        %parallel_loop3A_638 = vector.shape_cast %parallel_loop3A_633 : vector<16xf32> to vector<1x16xf32>
        tpu.vector_store %arg13[%parallel_loop3A_634, %parallel_loop3A_635], %parallel_loop3A_638 {strides = array<i32>} : memref<128x96xf32, #tpu.memory_space<vmem>>, vector<1x16xf32>,
        %parallel_loop3A_639 = arith.mulf %parallel_loop3A_598, %parallel_loop3A_632 : vector<16xf32>
        %parallel_loop3A_640 = arith.index_cast %parallel_loop3A_523 : i32 to index
        %parallel_loop3A_641 = arith.constant 48 : index
        %parallel_loop3A_642 = tpu.vector_load %arg13[%parallel_loop3A_640, %parallel_loop3A_641] {strides = array<i32>} : memref<128x96xf32, #tpu.memory_space<vmem>>, vector<1x16xf32>,
        %parallel_loop3A_643 = vector.shape_cast %parallel_loop3A_642 : vector<1x16xf32> to vector<16xf32>
        %parallel_loop3A_644 = vector.shape_cast %parallel_loop3A_639 : vector<16xf32> to vector<1x16xf32>
        tpu.vector_store %arg13[%parallel_loop3A_640, %parallel_loop3A_641], %parallel_loop3A_644 {strides = array<i32>} : memref<128x96xf32, #tpu.memory_space<vmem>>, vector<1x16xf32>,
        %parallel_loop3A_645 = arith.index_cast %parallel_loop3A_523 : i32 to index
        %parallel_loop3A_646 = arith.constant 80 : index
        %parallel_loop3A_647 = tpu.vector_load %arg13[%parallel_loop3A_645, %parallel_loop3A_646] {strides = array<i32>} : memref<128x96xf32, #tpu.memory_space<vmem>>, vector<1x16xf32>,
        %parallel_loop3A_648 = vector.shape_cast %parallel_loop3A_647 : vector<1x16xf32> to vector<16xf32>
        %parallel_loop3A_649 = vector.shape_cast %parallel_loop3A_632 : vector<16xf32> to vector<1x16xf32>
        tpu.vector_store %arg13[%parallel_loop3A_645, %parallel_loop3A_646], %parallel_loop3A_649 {strides = array<i32>} : memref<128x96xf32, #tpu.memory_space<vmem>>, vector<1x16xf32>,
      } {sc.loop_unroll_factor = 8 : i64, sc.parallel_access}
      "tpu.region"() ({
        %run_scoped3A = tpu.sem_alloc : memref<!tpu.dma_semaphore, #tpu.memory_space<semaphore_mem>>
        %dma_start3A_523 = arith.constant 0 : i32
        %dma_start3A_524 = arith.constant 0 : i32
        %dma_start3A_525 = tpu.memref_slice %arg16[%dma_start3A_523, %dma_start3A_524] : memref<10112x96xf32, #tpu.memory_space<vmem_shared>> -> memref<10112x96xf32, #tpu.memory_space<vmem_shared>>
        tpu.enqueue_indirect_dma source(%arg13 : memref<128x96xf32, #tpu.memory_space<vmem>>) target(%dma_start3A_525 : memref<10112x96xf32, #tpu.memory_space<vmem_shared>>) offsets(%arg14 : memref<128xi32, #tpu.memory_space<vmem>>) semaphore(%run_scoped3A : memref<!tpu.dma_semaphore, #tpu.memory_space<semaphore_mem>>) {add = true}
        %dma_wait3A_526 = arith.constant 0 : i32
        %dma_wait3A_527 = arith.constant 0 : i32
        %dma_wait3A_528 = tpu.memref_slice %arg16[%dma_wait3A_526, %dma_wait3A_527] : memref<10112x96xf32, #tpu.memory_space<vmem_shared>> -> memref<10112x96xf32, #tpu.memory_space<vmem_shared>>
        tpu.wait_indirect_dma semaphore(%run_scoped3A : memref<!tpu.dma_semaphore, #tpu.memory_space<semaphore_mem>>) src(%arg13 : memref<128x96xf32, #tpu.memory_space<vmem>>) dst(%dma_wait3A_528 : memref<10112x96xf32, #tpu.memory_space<vmem_shared>>)
        tpu.yield
      }) : () -> ()
    }
    %scan3A_120 = arith.constant 40 : i32
    %dma_wait3A_121 = arith.constant 1 : i32
    %dma_wait3A_122 = arith.constant 0 : i32
    %dma_wait3A_123 = tpu.memref_slice %arg9[%dma_wait3A_121, %dma_wait3A_122] : memref<2x128xi32, #tpu.memory_space<vmem>> -> memref<1x128xi32, #tpu.memory_space<vmem>>
    %dma_wait3A_124 = tpu.memref_squeeze %dma_wait3A_123 : memref<1x128xi32, #tpu.memory_space<vmem>> -> memref<128xi32, #tpu.memory_space<vmem>>
    %dma_wait3A_125 = arith.constant 0 : i32
    %dma_wait3A_126 = tpu.memref_slice %arg4[%dma_wait3A_125] : memref<327680xi32, #tpu.memory_space<hbm>> -> memref<128xi32, #tpu.memory_space<hbm>>
    %dma_wait3A_127 = arith.constant 0 : i32
    %dma_wait3A_128 = tpu.memref_slice %arg9[%dma_wait3A_121, %dma_wait3A_127] : memref<2x128xi32, #tpu.memory_space<vmem>> -> memref<1x128xi32, #tpu.memory_space<vmem>>
    %dma_wait3A_129 = tpu.memref_squeeze %dma_wait3A_128 : memref<1x128xi32, #tpu.memory_space<vmem>> -> memref<128xi32, #tpu.memory_space<vmem>>
    %dma_wait3A_130 = arith.constant 0 : i32
    %dma_wait3A_131 = tpu.memref_slice %arg4[%dma_wait3A_130] : memref<327680xi32, #tpu.memory_space<hbm>> -> memref<128xi32, #tpu.memory_space<hbm>>
    tpu.wait_dma2 semaphore(%arg18 : memref<!tpu.dma_semaphore, #tpu.memory_space<semaphore_mem>>) src(%dma_wait3A_131 : memref<128xi32, #tpu.memory_space<hbm>>) dst(%dma_wait3A_129 : memref<128xi32, #tpu.memory_space<vmem>>)
    %dma_wait3A_132 = arith.constant 1 : i32
    %dma_wait3A_133 = arith.constant 0 : i32
    %dma_wait3A_134 = tpu.memref_slice %arg10[%dma_wait3A_132, %dma_wait3A_133] : memref<2x128xi32, #tpu.memory_space<vmem>> -> memref<1x128xi32, #tpu.memory_space<vmem>>
    %dma_wait3A_135 = tpu.memref_squeeze %dma_wait3A_134 : memref<1x128xi32, #tpu.memory_space<vmem>> -> memref<128xi32, #tpu.memory_space<vmem>>
    %dma_wait3A_136 = arith.constant 0 : i32
    %dma_wait3A_137 = tpu.memref_slice %arg5[%dma_wait3A_136] : memref<327680xi32, #tpu.memory_space<hbm>> -> memref<128xi32, #tpu.memory_space<hbm>>
    %dma_wait3A_138 = arith.constant 0 : i32
    %dma_wait3A_139 = tpu.memref_slice %arg10[%dma_wait3A_132, %dma_wait3A_138] : memref<2x128xi32, #tpu.memory_space<vmem>> -> memref<1x128xi32, #tpu.memory_space<vmem>>
    %dma_wait3A_140 = tpu.memref_squeeze %dma_wait3A_139 : memref<1x128xi32, #tpu.memory_space<vmem>> -> memref<128xi32, #tpu.memory_space<vmem>>
    %dma_wait3A_141 = arith.constant 0 : i32
    %dma_wait3A_142 = tpu.memref_slice %arg5[%dma_wait3A_141] : memref<327680xi32, #tpu.memory_space<hbm>> -> memref<128xi32, #tpu.memory_space<hbm>>
    tpu.wait_dma2 semaphore(%arg18 : memref<!tpu.dma_semaphore, #tpu.memory_space<semaphore_mem>>) src(%dma_wait3A_142 : memref<128xi32, #tpu.memory_space<hbm>>) dst(%dma_wait3A_140 : memref<128xi32, #tpu.memory_space<vmem>>)
    %dma_wait3A_143 = arith.constant 0 : i32
    %dma_wait3A_144 = arith.constant 0 : i32
    %dma_wait3A_145 = arith.constant 0 : i32
    %dma_wait3A_146 = arith.constant 0 : i32
    %dma_wait3A_147 = tpu.memref_slice %arg11[%dma_wait3A_144, %dma_wait3A_145, %dma_wait3A_146] : memref<2x128x64xf32, #tpu.memory_space<vmem>> -> memref<1x128x64xf32, #tpu.memory_space<vmem>>
    %dma_wait3A_148 = tpu.memref_squeeze %dma_wait3A_147 : memref<1x128x64xf32, #tpu.memory_space<vmem>> -> memref<128x64xf32, #tpu.memory_space<vmem>>
    %dma_wait3A_149 = arith.constant 0 : i32
    %dma_wait3A_150 = tpu.memref_slice %arg9[%dma_wait3A_143, %dma_wait3A_149] : memref<2x128xi32, #tpu.memory_space<vmem>> -> memref<1x128xi32, #tpu.memory_space<vmem>>
    %dma_wait3A_151 = tpu.memref_squeeze %dma_wait3A_150 : memref<1x128xi32, #tpu.memory_space<vmem>> -> memref<128xi32, #tpu.memory_space<vmem>>
    %dma_wait3A_152 = arith.constant 0 : i32
    %dma_wait3A_153 = arith.constant 0 : i32
    %dma_wait3A_154 = tpu.memref_slice %arg2[%dma_wait3A_152, %dma_wait3A_153] : memref<10000x64xf32, #tpu.memory_space<hbm>> -> memref<10000x64xf32, #tpu.memory_space<hbm>>
    tpu.wait_indirect_dma semaphore(%arg19 : memref<!tpu.dma_semaphore, #tpu.memory_space<semaphore_mem>>) src(%dma_wait3A_154 : memref<10000x64xf32, #tpu.memory_space<hbm>>) dst(%dma_wait3A_148 : memref<128x64xf32, #tpu.memory_space<vmem>>)
    %dma_wait3A_155 = arith.constant 0 : i32
    %dma_wait3A_156 = arith.constant 0 : i32
    %dma_wait3A_157 = arith.constant 0 : i32
    %dma_wait3A_158 = arith.constant 0 : i32
    %dma_wait3A_159 = tpu.memref_slice %arg12[%dma_wait3A_156, %dma_wait3A_157, %dma_wait3A_158] : memref<2x128x64xf32, #tpu.memory_space<vmem>> -> memref<1x128x64xf32, #tpu.memory_space<vmem>>
    %dma_wait3A_160 = tpu.memref_squeeze %dma_wait3A_159 : memref<1x128x64xf32, #tpu.memory_space<vmem>> -> memref<128x64xf32, #tpu.memory_space<vmem>>
    %dma_wait3A_161 = arith.constant 0 : i32
    %dma_wait3A_162 = tpu.memref_slice %arg10[%dma_wait3A_155, %dma_wait3A_161] : memref<2x128xi32, #tpu.memory_space<vmem>> -> memref<1x128xi32, #tpu.memory_space<vmem>>
    %dma_wait3A_163 = tpu.memref_squeeze %dma_wait3A_162 : memref<1x128xi32, #tpu.memory_space<vmem>> -> memref<128xi32, #tpu.memory_space<vmem>>
    %dma_wait3A_164 = arith.constant 0 : i32
    %dma_wait3A_165 = arith.constant 0 : i32
    %dma_wait3A_166 = tpu.memref_slice %arg3[%dma_wait3A_164, %dma_wait3A_165] : memref<10000x64xf32, #tpu.memory_space<hbm>> -> memref<10000x64xf32, #tpu.memory_space<hbm>>
    tpu.wait_indirect_dma semaphore(%arg19 : memref<!tpu.dma_semaphore, #tpu.memory_space<semaphore_mem>>) src(%dma_wait3A_166 : memref<10000x64xf32, #tpu.memory_space<hbm>>) dst(%dma_wait3A_160 : memref<128x64xf32, #tpu.memory_space<vmem>>)
    %barrier3A_167 = arith.constant 0 : index
    tpu.barrier barrier_id(%barrier3A_167)
    %mul3A_168 = arith.constant 632 : i32
    %mul3A_169 = arith.muli %arg1, %mul3A_168 : i32
    %mul3A_170 = arith.constant 632 : i32
    %mul3A_171 = arith.muli %arg1, %mul3A_170 : i32
    "tpu.region"() ({
      %run_scoped3A = tpu.sem_alloc : memref<!tpu.dma_semaphore, #tpu.memory_space<semaphore_mem>>
      %dma_start3A_172 = arith.constant 0 : i32
      %dma_start3A_173 = tpu.memref_slice %arg8[%arg0, %mul3A_171, %dma_start3A_172] : memref<2x10112x96xf32, #tpu.memory_space<hbm>> -> memref<1x632x96xf32, #tpu.memory_space<hbm>>
      %dma_start3A_174 = tpu.memref_squeeze %dma_start3A_173 : memref<1x632x96xf32, #tpu.memory_space<hbm>> -> memref<632x96xf32, #tpu.memory_space<hbm>>
      %dma_start3A_175 = arith.constant 0 : i32
      %dma_start3A_176 = tpu.memref_slice %arg16[%mul3A_169, %dma_start3A_175] : memref<10112x96xf32, #tpu.memory_space<vmem_shared>> -> memref<632x96xf32, #tpu.memory_space<vmem_shared>>
      tpu.enqueue_dma source(%dma_start3A_176 : memref<632x96xf32, #tpu.memory_space<vmem_shared>>) target(%dma_start3A_174 : memref<632x96xf32, #tpu.memory_space<hbm>>) target_semaphore(%run_scoped3A : memref<!tpu.dma_semaphore, #tpu.memory_space<semaphore_mem>>)
      %dma_wait3A_177 = arith.constant 0 : i32
      %dma_wait3A_178 = tpu.memref_slice %arg8[%arg0, %mul3A_171, %dma_wait3A_177] : memref<2x10112x96xf32, #tpu.memory_space<hbm>> -> memref<1x632x96xf32, #tpu.memory_space<hbm>>
      %dma_wait3A_179 = tpu.memref_squeeze %dma_wait3A_178 : memref<1x632x96xf32, #tpu.memory_space<hbm>> -> memref<632x96xf32, #tpu.memory_space<hbm>>
      %dma_wait3A_180 = arith.constant 0 : i32
      %dma_wait3A_181 = tpu.memref_slice %arg16[%mul3A_169, %dma_wait3A_180] : memref<10112x96xf32, #tpu.memory_space<vmem_shared>> -> memref<632x96xf32, #tpu.memory_space<vmem_shared>>
      tpu.wait_dma2 semaphore(%run_scoped3A : memref<!tpu.dma_semaphore, #tpu.memory_space<semaphore_mem>>) src(%dma_wait3A_181 : memref<632x96xf32, #tpu.memory_space<vmem_shared>>) dst(%dma_wait3A_179 : memref<632x96xf32, #tpu.memory_space<hbm>>)
      tpu.yield
    }) : () -> ()
    return
  }
}

module attributes {stable_mosaic.version = 14 : i64} {
  func.func @body(%arg0: i32, %arg1: memref<2000x128xf32, #tpu.memory_space<vmem>>, %arg2: memref<128x64xf32, #tpu.memory_space<vmem>>, %arg3: memref<128x64xf32, #tpu.memory_space<vmem>>, %arg4: memref<2000x64xf32, #tpu.memory_space<vmem>>, %arg5: memref<2000x64xf32, #tpu.memory_space<vmem>>) attributes {dimension_semantics = [#tpu.dimension_semantics<arbitrary>], iteration_bounds = array<i64: 5>, scalar_prefetch = 0 : i64, scratch_operands = 0 : i64, tpu.core_type = #tpu.core_type<tc>, window_params = [{transform_indices = @transform_0, window_bounds = array<i64: 2000, 128>}, {pipeline_mode = #tpu.pipeline_mode<synchronous>, transform_indices = @transform_1, window_bounds = array<i64: 128, 64>}, {pipeline_mode = #tpu.pipeline_mode<synchronous>, transform_indices = @transform_2, window_bounds = array<i64: 128, 64>}, {transform_indices = @transform_3, window_bounds = array<i64: 2000, 64>}, {transform_indices = @transform_4, window_bounds = array<i64: 2000, 64>}]} {
    %get3A = arith.constant 0 : index
    %get3A_0 = arith.constant 0 : index
    %get3A_1 = vector.load %arg1[%get3A, %get3A_0] : memref<2000x128xf32, #tpu.memory_space<vmem>>, vector<2000x128xf32>
    %get3A_2 = arith.constant 0 : index
    %get3A_3 = arith.constant 0 : index
    %get3A_4 = vector.load %arg2[%get3A_2, %get3A_3] : memref<128x64xf32, #tpu.memory_space<vmem>>, vector<128x64xf32>
    %dot_general3A = arith.constant dense<0.000000e+00> : vector<2000x64xf32>
    %dot_general3A_5 = tpu.matmul %get3A_1, %get3A_4, %dot_general3A {dimension_numbers = #tpu.dot_dimension_numbers<[1], [0], [0], [1], [0, 0, 1, 1], [], []>, transpose_lhs_hint = false} : vector<2000x128xf32>, vector<128x64xf32>, vector<2000x64xf32> -> vector<2000x64xf32>
    %swap3A = arith.constant 0 : index
    %swap3A_6 = arith.constant 0 : index
    %swap3A_7 = vector.load %arg4[%swap3A, %swap3A_6] : memref<2000x64xf32, #tpu.memory_space<vmem>>, vector<2000x64xf32>
    tpu.vector_store %arg4[%swap3A, %swap3A_6], %dot_general3A_5 {strides = array<i32>} : memref<2000x64xf32, #tpu.memory_space<vmem>>, vector<2000x64xf32>,
    %get3A_8 = arith.constant 0 : index
    %get3A_9 = arith.constant 0 : index
    %get3A_10 = vector.load %arg3[%get3A_8, %get3A_9] : memref<128x64xf32, #tpu.memory_space<vmem>>, vector<128x64xf32>
    %dot_general3A_11 = arith.constant dense<0.000000e+00> : vector<2000x64xf32>
    %dot_general3A_12 = tpu.matmul %get3A_1, %get3A_10, %dot_general3A_11 {dimension_numbers = #tpu.dot_dimension_numbers<[1], [0], [0], [1], [0, 0, 1, 1], [], []>, transpose_lhs_hint = false} : vector<2000x128xf32>, vector<128x64xf32>, vector<2000x64xf32> -> vector<2000x64xf32>
    %swap3A_13 = arith.constant 0 : index
    %swap3A_14 = arith.constant 0 : index
    %swap3A_15 = vector.load %arg5[%swap3A_13, %swap3A_14] : memref<2000x64xf32, #tpu.memory_space<vmem>>, vector<2000x64xf32>
    tpu.vector_store %arg5[%swap3A_13, %swap3A_14], %dot_general3A_12 {strides = array<i32>} : memref<2000x64xf32, #tpu.memory_space<vmem>>, vector<2000x64xf32>,
    return
  }
  func.func @transform_0(%arg0: i32) -> (i32, i32) {
    %c0_i32 = arith.constant 0 : i32
    %c0_i32_0 = arith.constant 0 : i32
    return %arg0, %c0_i32 : i32, i32
  }
  func.func @transform_1(%arg0: i32) -> (i32, i32) {
    %c0_i32 = arith.constant 0 : i32
    %c0_i32_0 = arith.constant 0 : i32
    %c0_i32_1 = arith.constant 0 : i32
    return %c0_i32, %c0_i32_0 : i32, i32
  }
  func.func @transform_2(%arg0: i32) -> (i32, i32) {
    %c0_i32 = arith.constant 0 : i32
    %c0_i32_0 = arith.constant 0 : i32
    %c0_i32_1 = arith.constant 0 : i32
    return %c0_i32, %c0_i32_0 : i32, i32
  }
  func.func @transform_3(%arg0: i32) -> (i32, i32) {
    %c0_i32 = arith.constant 0 : i32
    %c0_i32_0 = arith.constant 0 : i32
    return %arg0, %c0_i32 : i32, i32
  }
  func.func @transform_4(%arg0: i32) -> (i32, i32) {
    %c0_i32 = arith.constant 0 : i32
    %c0_i32_0 = arith.constant 0 : i32
    return %arg0, %c0_i32 : i32, i32
  }
}

module attributes {stable_mosaic.version = 14 : i64} {
  func.func @body(%arg0: i32, %arg1: memref<2x1264x96xf32, #tpu.memory_space<vmem>>, %arg2: memref<64x64xf32, #tpu.memory_space<vmem>>, %arg3: memref<32x64xf32, #tpu.memory_space<vmem>>, %arg4: memref<1264x64xf32, #tpu.memory_space<vmem>>) attributes {dimension_semantics = [#tpu.dimension_semantics<arbitrary>], iteration_bounds = array<i64: 8>, scalar_prefetch = 0 : i64, scratch_operands = 0 : i64, tpu.core_type = #tpu.core_type<tc>, window_params = [{transform_indices = @transform_0, window_bounds = array<i64: 2, 1264, 96>}, {pipeline_mode = #tpu.pipeline_mode<synchronous>, transform_indices = @transform_1, window_bounds = array<i64: 64, 64>}, {pipeline_mode = #tpu.pipeline_mode<synchronous>, transform_indices = @transform_2, window_bounds = array<i64: 32, 64>}, {transform_indices = @transform_3, window_bounds = array<i64: 1264, 64>}]} {
    %get3A = arith.constant 0 : index
    %get3A_0 = arith.constant 0 : index
    %get3A_1 = arith.constant 0 : index
    %get3A_2 = vector.load %arg1[%get3A, %get3A_0, %get3A_1] : memref<2x1264x96xf32, #tpu.memory_space<vmem>>, vector<1x1264x96xf32>
    %get3A_3 = vector.shape_cast %get3A_2 : vector<1x1264x96xf32> to vector<1264x96xf32>
    %get3A_4 = arith.constant 1 : index
    %get3A_5 = arith.constant 0 : index
    %get3A_6 = arith.constant 0 : index
    %get3A_7 = vector.load %arg1[%get3A_4, %get3A_5, %get3A_6] : memref<2x1264x96xf32, #tpu.memory_space<vmem>>, vector<1x1264x96xf32>
    %get3A_8 = vector.shape_cast %get3A_7 : vector<1x1264x96xf32> to vector<1264x96xf32>
    %add3A = arith.addf %get3A_3, %get3A_8 : vector<1264x96xf32>
    %slice3A = vector.extract_strided_slice %add3A {offsets = [0, 0], sizes = [1264, 64], strides = [1, 1]} : vector<1264x96xf32> to vector<1264x64xf32>
    %get3A_9 = arith.constant 0 : index
    %get3A_10 = arith.constant 0 : index
    %get3A_11 = vector.load %arg2[%get3A_9, %get3A_10] : memref<64x64xf32, #tpu.memory_space<vmem>>, vector<64x64xf32>
    %dot_general3A = arith.constant dense<0.000000e+00> : vector<1264x64xf32>
    %dot_general3A_12 = tpu.matmul %slice3A, %get3A_11, %dot_general3A {dimension_numbers = #tpu.dot_dimension_numbers<[1], [0], [0], [1], [0, 0, 1, 1], [], []>, precision = #tpu.contract_precision<fp32>, transpose_lhs_hint = false} : vector<1264x64xf32>, vector<64x64xf32>, vector<1264x64xf32> -> vector<1264x64xf32>
    %slice3A_13 = vector.extract_strided_slice %add3A {offsets = [0, 64], sizes = [1264, 32], strides = [1, 1]} : vector<1264x96xf32> to vector<1264x32xf32>
    %get3A_14 = arith.constant 0 : index
    %get3A_15 = arith.constant 0 : index
    %get3A_16 = vector.load %arg3[%get3A_14, %get3A_15] : memref<32x64xf32, #tpu.memory_space<vmem>>, vector<32x64xf32>
    %dot_general3A_17 = arith.constant dense<0.000000e+00> : vector<1264x64xf32>
    %dot_general3A_18 = tpu.matmul %slice3A_13, %get3A_16, %dot_general3A_17 {dimension_numbers = #tpu.dot_dimension_numbers<[1], [0], [0], [1], [0, 0, 1, 1], [], []>, precision = #tpu.contract_precision<fp32>, transpose_lhs_hint = false} : vector<1264x32xf32>, vector<32x64xf32>, vector<1264x64xf32> -> vector<1264x64xf32>
    %gt3A = arith.constant 0.000000e+00 : f32
    %gt3A_19 = vector.broadcast %gt3A : f32 to vector<1264x64xf32>
    %gt3A_20 = arith.cmpf ogt, %dot_general3A_18, %gt3A_19 : vector<1264x64xf32>
    %div3A = arith.divf %dot_general3A_12, %dot_general3A_18 : vector<1264x64xf32>
    %jit3A = arith.constant 0.000000e+00 : f32
    %broadcast_in_dim3A = vector.broadcast %jit3A : f32 to vector<1264x64xf32>
    %select_n3A = arith.select %gt3A_20, %div3A, %broadcast_in_dim3A : vector<1264x64xi1>, vector<1264x64xf32>
    %swap3A = arith.constant 0 : index
    %swap3A_21 = arith.constant 0 : index
    %swap3A_22 = vector.load %arg4[%swap3A, %swap3A_21] : memref<1264x64xf32, #tpu.memory_space<vmem>>, vector<1264x64xf32>
    tpu.vector_store %arg4[%swap3A, %swap3A_21], %select_n3A {strides = array<i32>} : memref<1264x64xf32, #tpu.memory_space<vmem>>, vector<1264x64xf32>,
    return
  }
  func.func @transform_0(%arg0: i32) -> (i32, i32, i32) {
    %c0_i32 = arith.constant 0 : i32
    %c0_i32_0 = arith.constant 0 : i32
    %c0_i32_1 = arith.constant 0 : i32
    return %c0_i32, %arg0, %c0_i32_0 : i32, i32, i32
  }
  func.func @transform_1(%arg0: i32) -> (i32, i32) {
    %c0_i32 = arith.constant 0 : i32
    %c0_i32_0 = arith.constant 0 : i32
    %c0_i32_1 = arith.constant 0 : i32
    return %c0_i32, %c0_i32_0 : i32, i32
  }
  func.func @transform_2(%arg0: i32) -> (i32, i32) {
    %c0_i32 = arith.constant 0 : i32
    %c0_i32_0 = arith.constant 0 : i32
    %c0_i32_1 = arith.constant 0 : i32
    return %c0_i32, %c0_i32_0 : i32, i32
  }
  func.func @transform_3(%arg0: i32) -> (i32, i32) {
    %c0_i32 = arith.constant 0 : i32
    %c0_i32_0 = arith.constant 0 : i32
    return %arg0, %c0_i32 : i32, i32
  }
}

</mosaic_0001>

<sc_bundles>
// kernel: kernel.5.cloned.1.call-start
scs
__scs_entry_jumppad:
0x0: {  	(pc) =	sbr.rel $0x88, $3  }
0x1: {  	(tag) =	ssettag $0x0;
	lr =	simm.s32 $0x1  }
0x2: {  	[smem:$0x3F9C] =	sst lr;
	_ =	strace $0xD0000000  }
0x3: {  	_ = 	snop  }
0x4: {  	_ = 	snop  }
0x5: {  	_ = 	snop  }
0x6: {  	_ = 	snop  }
0x7: {  	_ = 	snop  }
__scs_overlays_trampoline_lowered:
0x8: {  	[smem:$0x3FAB] =	sst s0  }
0x9: {  	[smem:$0x3FAC] =	sst s1  }
0xa: {  	[smem:$0x3FAD] =	sst s2  }
0xb: {  	[smem:$0x3FAE] =	sst s3  }
0xc: {  	[smem:$0x3FAF] =	sst s4  }
0xd: {  	[smem:$0x3FB0] =	sst s5  }
0xe: {  	[smem:$0x3FB1] =	sst s6  }
0xf: {  	[smem:$0x3FB2] =	sst s7  }
0x10: {  	[smem:$0x3FB3] =	sst s8  }
0x11: {  	[smem:$0x3FB4] =	sst s9;
	s0 =	simm.s32 @!p0 $0x0  }
0x12: {  	s1 =	sld [smem:$0x3F9A];
	s0 =	simm.s32 @p0 $0x1  }
0x13: {  	[smem:$0x3FB5] =	sst s0;
	s0 =	simm.s32 @!p1 $0x0  }
0x14: {  	s2 =	sld [smem:$0x3F99];
	s0 =	simm.s32 @p1 $0x1  }
0x15: {  	[smem:$0x3FB6] =	sst s0;
	s0 =	simm.s32 @!p2 $0x0  }
0x16: {  	s3 =	sld [smem:$0x3FDB];
	s0 =	simm.s32 @p2 $0x1  }
0x17: {  	s4 =	simm.s32 $0x1BF5;
	[smem:$0x3FB8] =	sst s0  }
0x18: {  	s0 =	sld [smem:$0x3F9B];
	_ =	swait.ge [sflag:s4], $0x0  }
0x19: {  	s7 =	sld [smem:$0x3F9C]  }
0x1a: {  	s8 =	sadd.s32 $0xFFFFE003, lr  }
0x1b: {  	s9 =	sadd.s32 $0xFFFFFEF7, lr;
	s5 =	simm.s32 $0xFFFFFFFF;
	p2 =	slt.u32 s8, $0xFFFFF086  }
0x1c: {  	p1 =	slt.u32 s9, $0xF7A;
	s5 =	simm.s32 @!p2 $0x0  }
0x1d: {  	s5 =	simm.s32 @p1 $0x1;
	p0 =	seq.s32 s7, s2  }
0x1e: {  	s7 =	smul.u32 @!p0 $0xF7A, s2;
	p2 =	seq.s32 @!p0 s5, $0x0  }
0x1f: {  	s9 =	smul.u32 $0xF7A, s1;
	s8 =	simm.s32 @!p0 $0x1BF5;
	p2 =	por !p2, p0  }
0x20: {  	[sflag:s8] =	ssyncset.s32 @!p0 $0xFFFFF086;
	s6 =	sadd.s32 @!p0 s3, s7;
	s7 =	simm.s32 @!p0 $0x108  }
0x21: {  	s3 =	sadd.s32 s3, s9;
	s6 =	sadd.s32 @!p0 $0x88, s6;
	s7 =	simm.s32 @p2 $0x1082  }
0x22: {  	[simem:s7], [sflag:s8] =	dma.local @!p0 [hbm:s6], $0xF7A  }
0x23: {  	s9 =	sor.u32 $0xD0000000, s2;
	s6 =	simm.s32 $0x108;
	_ =	swait.ge @!p0 [sflag:s8], $0x0  }
0x24: {  	s3 =	sadd.s32 $0x88, s3;
	s6 =	simm.s32 @!p1 $0x1082;
	[sflag:s4] =	ssyncset.s32 $0xFFFFF086  }
0x25: {  	[simem:s6], [sflag:s4] =	dma.local [hbm:s3], $0xF7A  }
0x26: {  	[smem:$0x3F9C] =	sst s1;
	(tag) =	ssettag s2;
	_ =	strace s9  }
0x27: {  	s1 =	sld [smem:$0x3FAC]  }
0x28: {  	s2 =	sld [smem:$0x3FAD]  }
0x29: {  	s4 =	sld [smem:$0x3FAF]  }
0x2a: {  	p0 =	seq.s32 s5, $0x0;
	s5 =	sld [smem:$0x3FB0]  }
0x2b: {  	s6 =	sld [smem:$0x3FB1]  }
0x2c: {  	s7 =	sld [smem:$0x3FB2]  }
0x2d: {  	s3 =	simm.s32 $0x108;
	s8 =	sld [smem:$0x3FB3]  }
0x2e: {  	s3 =	simm.s32 @!p0 $0x1082;
	s9 =	sld [smem:$0x3FB4]  }
0x2f: {  	lr =	sadd.s32 s0, s3;
	s0 =	sld [smem:$0x3FAB]  }
0x30: {  	s3 =	sld [smem:$0x3FAE]  }
0x31: {  	[smem:$0x3FB7] =	sst s10  }
0x32: {  	s10 =	sld [smem:$0x3FB5];
	_ =	sdelay $0x3  }
0x33: {  	p0 =	seq.s32 s10, $0x1;
	s10 =	sld [smem:$0x3FB7];
	_ =	sdelay $0x3  }
0x34: {  	[smem:$0x3FB7] =	sst s10  }
0x35: {  	s10 =	sld [smem:$0x3FB6];
	_ =	sdelay $0x3  }
0x36: {  	p1 =	seq.s32 s10, $0x1;
	s10 =	sld [smem:$0x3FB7];
	_ =	sdelay $0x3  }
0x37: {  	[smem:$0x3FB7] =	sst s10  }
0x38: {  	s10 =	sld [smem:$0x3FB8]  }
0x39: {  	_ = 	snop;
	(pc) =	sbr.ind lr, $3  }
0x3a: {  	_ = 	snop  }
0x3b: {  	_ = 	snop  }
0x3c: {  	p2 =	seq.s32 s10, $0x1;
	s10 =	sld [smem:$0x3FB7]  }
0x3d: {  	_ =	shalt  }
0x3e: {  	_ =	shalt  }
0x3f: {  	_ =	shalt  }
0x40: {  	_ =	shalt  }
0x41: {  	_ =	shalt  }
0x42: {  	_ =	shalt  }
0x43: {  	_ =	shalt  }
0x44: {  	_ =	shalt  }
0x45: {  	_ =	shalt  }
0x46: {  	_ =	shalt  }
0x47: {  	_ =	shalt  }
0x48: {  	_ =	shalt  }
0x49: {  	_ =	shalt  }
0x4a: {  	_ =	shalt  }
0x4b: {  	_ =	shalt  }
0x4c: {  	_ =	shalt  }
0x4d: {  	_ =	shalt  }
0x4e: {  	_ =	shalt  }
0x4f: {  	_ =	shalt  }
0x50: {  	_ =	shalt  }
0x51: {  	_ =	shalt  }
0x52: {  	_ =	shalt  }
0x53: {  	_ =	shalt  }
0x54: {  	_ =	shalt  }
0x55: {  	_ =	shalt  }
0x56: {  	_ =	shalt  }
0x57: {  	_ =	shalt  }
0x58: {  	_ =	shalt  }
0x59: {  	_ =	shalt  }
0x5a: {  	_ =	shalt  }
0x5b: {  	_ =	shalt  }
0x5c: {  	_ =	shalt  }
0x5d: {  	_ =	shalt  }
0x5e: {  	_ =	shalt  }
0x5f: {  	_ =	shalt  }
0x60: {  	_ =	shalt  }
0x61: {  	_ =	shalt  }
0x62: {  	_ =	shalt  }
0x63: {  	_ =	shalt  }
0x64: {  	_ =	shalt  }
0x65: {  	_ =	shalt  }
0x66: {  	_ =	shalt  }
0x67: {  	_ =	shalt  }
0x68: {  	_ =	shalt  }
0x69: {  	_ =	shalt  }
0x6a: {  	_ =	shalt  }
0x6b: {  	_ =	shalt  }
0x6c: {  	_ =	shalt  }
0x6d: {  	_ =	shalt  }
0x6e: {  	_ =	shalt  }
0x6f: {  	_ =	shalt  }
0x70: {  	_ =	shalt  }
0x71: {  	_ =	shalt  }
0x72: {  	_ =	shalt  }
0x73: {  	_ =	shalt  }
0x74: {  	_ =	shalt  }
0x75: {  	_ =	shalt  }
0x76: {  	_ =	shalt  }
0x77: {  	_ =	shalt  }
0x78: {  	_ =	shalt  }
0x79: {  	_ =	shalt  }
0x7a: {  	_ =	shalt  }
0x7b: {  	_ =	shalt  }
0x7c: {  	_ =	shalt  }
0x7d: {  	_ =	shalt  }
0x7e: {  	_ =	shalt  }
0x7f: {  	_ =	shalt  }
0x80: {  	_ =	shalt  }
0x81: {  	_ =	shalt  }
0x82: {  	_ =	shalt  }
0x83: {  	_ =	shalt  }
0x84: {  	_ =	shalt  }
0x85: {  	_ =	shalt  }
0x86: {  	_ =	shalt  }
0x87: {  	_ =	shalt  }
.Lfunc_end0:
.L_simem_size_0:
called_computation_lowered:
.L_overlay_start_0:
0x88: {  	s2 =	sld [smem:$0x3FD9]  }
0x89: {  	s3 =	sld [smem:$0x3FFE];
	_ =	sdelay $0x1  }
0x8a: {  	s1 =	srdreg.scid  }
0x8b: {  	s0 =	sand.u32 $0x1, s1  }
0x8c: {  	s17 =	sshll.u32 s0, $0xA;
	s2 =	sadd.s32 s3, s2  }
0x8d: {  	s2 =	sadd.s32 s2, s17  }
0x8e: {  	[smem:$0x3FC3] =	sst s2  }
0x8f: {  	_ = 	snop  }
0x90: {  	s2 =	sld [smem:$0x3FD0];
	(tm) =	ssettm $0x1  }
0x91: {  	s18 =	sld [smem:$0x3FFB];
	_ =	sdelay $0x3  }
0x92: {  	_ =	strace s18  }
0x93: {  	s3 =	sld [smem:$0x3FFC];
	_ =	sdelay $0x3  }
0x94: {  	_ =	strace s3  }
0x95: {  	s3 =	sld [smem:$0x3FFD];
	_ =	sdelay $0x3  }
0x96: {  	_ =	strace s3  }
0x97: {  	_ =	strace $0x8FFFFFFF  }
0x98: {  	s19 =	sld [smem:$0x3FDB];
	_ =	sdelay $0x1  }
0x99: {  	s4 =	simm.s32 $_scs_section_size  }
0x9a: {  	s5 =	simm.s32 $_size__tile_overlayer_lowered;
	s6 =	simm.s32 $_tile_overlayer_lowered  }
0x9b: {  	s22 =	simm.s32 $0x1BFF;
	s21 =	sshll.u32 s6, $0x1;
	s3 =	sadd.s32 s4, s19  }
0x9c: {  	s7 =	simm.s32 $0x0;
	s20 =	sshll.u32 s5, $0x1;
	s5 =	sadd.s32 s21, s3  }
0x9d: {  	[timem:s7], [sflag:s22] =	dma.local [hbm:s5], s20  }
0x9e: {  	_ =	swait.ge [sflag:s22], s20  }
0x9f: {  	s4 =	ssub.s32 $0x0, s20;
	[sflag:s22] =	ssyncset.done $0x0  }
0xa0: {  	[sflag:s22] =	ssyncadd.s32 s4;
	_ =	sdelay $0x1  }
0xa1: {  	s23 =	simm.s32 $0x1B8B  }
0xa2: {  	_ =	swait.ge [sflag:s23], $0x1  }
0xa3: {  	[sflag:s23] =	ssyncset.done $0x0  }
0xa4: {  	s25 =	simm.s32 $0x1B8E;
	s24 =	sld [smem:$0x3FFE];
	[sflag:s23] =	ssyncadd.s32 $0xFFFFFFFF  }
0xa5: {  	s26 =	simm.s32 $execute0_lowered;
	[smem:$0x3FD2] =	sst s25  }
0xa6: {  	s5 =	sshll.u32 s26, $0x1;
	_ =	strace $0x80000046;
	[dreg:$0x1] =	wrdreg $0xFFFFFFFF  }
0xa7: {  	s28 =	simm.s32 $_size_execute0_lowered;
	s3 =	sadd.s32 s3, s5;
	[dreg:$0x0] =	wrdreg $0x0  }
0xa8: {  	s5 =	sshll.u32 s28, $0x1;
	[dreg:$0x2] =	wrdreg s3  }
0xa9: {  	[dreg:$0x3] =	wrdreg s5  }
0xaa: {  	[dreg:$0x4] =	wrdreg $0xC0  }
0xab: {  	_ =	task [dreg:s7], $0x5FFFF  }
0xac: {  	[dreg:$0x1] =	wrdreg $0xFFFFFFFF  }
0xad: {  	[dreg:$0x0] =	wrdreg $0x60  }
0xae: {  	[dreg:$0x2] =	wrdreg s2  }
0xaf: {  	[dreg:$0x3] =	wrdreg s24  }
0xb0: {  	[dreg:$0x4] =	wrdreg $0xB2C00  }
0xb1: {  	[dreg:$0x5] =	wrdreg $0x9  }
0xb2: {  	_ =	task.clear_ibuf [dreg:s7], $0x6FFFF;
	_ =	strace $0x90000046  }
0xb3: {  	s29 =	simm.s32 $0x9;
	_ =	strace $0x80000048  }
0xb4: {  	_ =	swait.ge [sflag:s29], $0x1  }
0xb5: {  	[sflag:s29] =	ssyncadd.s32 $0xFFFFFFFF  }
0xb6: {  	_ =	strace $0x90000048  }
0xb7: {  	_ =	sfence  }
0xb8: {  	s30 =	sld [smem:$0x0];
	_ =	sdelay $0x2  }
0xb9: {  	s31 =	sshll.u32 s1, $0xD;
	s1 =	sshrl.u32 s1, $0x2  }
0xba: {  	s3 =	sand.u32 $0x4000, s31;
	s1 =	sadd.s32 s1, s30  }
0xbb: {  	s0 =	sor.u32 s3, s0;
	s1 =	sshll.u32 s1, $0x11  }
0xbc: {  	s0 =	sor.u32 s1, s0  }
0xbd: {  	s0 =	sadd.s32 $0x8F2B, s0  }
0xbe: {  	[sflag:s0] =	ssyncadd.remote.s32 $0x1  }
0xbf: {  	_ =	sfence.sel $0xFFFF  }
0xc0: {  	[dreg:$0x0] =	wrdreg $0xFFFFFFFF;
	(pc) =	sbr.abs _section_cstart, $3  }
0xc1: {  	[dreg:$0x1] =	wrdreg $0xFFFFFFFF  }
0xc2: {  	_ =	task.clear_ibuf [dreg:s7], $0x2FFFF;
	_ =	strace $0x9FFFFFFF  }
0xc3: {  	(tm) =	ssettm $0x7FFFFFFF  }
tec
execute0_lowered:
.L_overlay_start_1:
0x0: {  	(tag) =	ssettag $0x1  }
0x1: {  	s1 =	rddreg [dreg:$0x0]  }
0x2: {  	s0 =	rddreg [dreg:$0x1]  }
0x3: {  	s3 =	rddreg [dreg:$0x2];
	s4 =	simm.s32 $0x0;
	s12 =	stileid.u32  }
0x4: {  	s2 =	srdreg.scid;
	s28 =	simm.s32 $0x4200;
	s29 =	simm.s32 $0x2  }
0x5: {  	s31 =	simm.s32 $0x6200;
	[smem:$0x7FF] =	sst s4;
	s8 =	smul.u32 $0xED00, s12  }
0x6: {  	s2 =	sand.u32 $0x1, s2;
	s5 =	sadd.s32 $0x800, s0;
	s6 =	sadd.s32 $0x1E200, s0  }
0x7: {  	s7 =	sadd.s32 $0x14200, s0;
	s11 =	sadd.s32 $0x600, s0;
	s22 =	sshll.u32 s12, $0x6  }
0x8: {  	_ =	strace $0x80000047;
	s9 =	smul.u32 $0xED000, s2;
	[dreg:$0x4] =	wrdreg s11  }
0x9: {  	s20 =	ssub.s32 $0x2, s2;
	s2 =	sshll.u32 s2, $0x4;
	s11 =	sor.u32 $0x1C05, s22  }
0xa: {  	s22 =	simm.s32 $0x100;
	s10 =	sshrl.u32 s8, $0x3;
	s21 =	sshrl.u32 s20, $0x1  }
0xb: {  	s2 =	sor.u32 s12, s2;
	[dreg:$0x6] =	wrdreg s11;
	s10 =	sadd.s32 s10, s0  }
0xc: {  	s9 =	sadd.s32 s8, s9;
	s23 =	smul.u32 $0x500, s2;
	s8 =	sadd.s32 s8, s3  }
0xd: {  	s2 =	smul.u32 $0x50, s2;
	s9 =	sshrl.u32 s9, $0x3;
	s10 =	sadd.s32 $0x28200, s10  }
0xe: {  	s0 =	sadd.s32 s9, s0;
	s9 =	ssub.s32 s20, s21;
	[dreg:$0x5] =	wrdreg s10  }
0xf: {  	v0 =	vimm.s32 $0xDCFE98BA;
	v1 =	vimm.s32 $0x54761032;
	s24 =	sadd.s32 s6, s23;
	s25 =	sor.u32 $0x10, s23;
	s12 =	sadd.s32 s7, s23  }
0x10: {  	v2 =	vimm.s32 $0xEFCDAB89;
	v3 =	vimm.s32 $0x67452301;
	v0 =	vunpack.c.l.s4.s8 v0;
	s15 =	sor.u32 $0x2, s2;
	s16 =	sor.u32 $0x3, s2;
	s20 =	simm.s32 $0x5  }
0x11: {  	v1 =	vunpack.c.l.s4.s8 v1;
	v2 =	vunpack.c.l.s4.s8 v2;
	v3 =	vunpack.c.l.s4.s8 v3;
	s23 =	simm.s32 $0x80;
	s2 =	simm.s32 $0xB200;
	[dreg:$0x7] =	wrdreg s24  }
0x12: {  	v0 =	vunpack.c.0.s8.s32 v0;
	s21 =	simm.s32 $0x8200;
	[dreg:$0x8] =	wrdreg s12;
	s26 =	sadd.s32 s6, s25  }
0x13: {  	v1 =	vunpack.c.0.s8.s32 v1;
	v2 =	vunpack.c.0.s8.s32 v2;
	v3 =	vunpack.c.0.s8.s32 v3;
	s10 =	sadd.s32 s7, s25;
	s0 =	sadd.s32 $0x45C00, s0;
	[dreg:$0x9] =	wrdreg s26  }
0x14: {  	s30 =	smax.u32 s9, $0x1;
	s24 =	simm.s32 $0x180;
	[dreg:$0xa] =	wrdreg s10  }
0x15: {  	v0 =	vcombine.low v1, v0;
	v1 =	vcombine.low v3, v2;
	s25 =	simm.s32 $0x1;
	s12 =	simm.s32 $0x0;
	[dreg:$0xb] =	wrdreg s0  }
0x16: {  	[dreg:$0xc] =	wrdreg s30;
	s10 =	sshrl.u32 s8, $0x3;
	s26 =	simm.s32 $0x200  }
0x17: {  	v0 =	vand.u32 $0xF, v0;
	v1 =	vand.u32 $0xF, v1;
	s0 =	simm.s32 $0x3;
	s8 =	simm.s32 $0x4;
	[dreg:$0xd] =	wrdreg s10  }
.LBB2_1:
0x18: {  	[dreg:$0xe] =	wrdreg s12  }
0x19: {  	s9 =	rddreg [dreg:$0x5]  }
0x1a: {  	[spmem:s10], [sflag:s11] =	dma.local [hbm:s9], $0x1DA0  }
0x1b: {  	_ =	swait.ge [sflag:s20], $0x1DA0  }
0x1c: {  	[sflag:s20] =	ssyncset.done $0x0  }
0x1d: {  	s14 =	simm.s32 $0xB280;
	s13 =	rddreg [dreg:$0x4];
	[sflag:s20] =	ssyncadd.s32 $0xFFFFE260  }
0x1e: {  	[tilespmem:s14], [sflag:$0x5] =	stream.linear.gather [hbm4b:s13+s4], $0x40, $0x38;
	[tilespmem:$0x19FC0] =	vst v63  }
0x1f: {  	_ =	swait.ge [sflag:s20], $0x40  }
0x20: {  	[sflag:s20] =	ssyncset.done $0x0  }
0x21: {  	[sflag:s20] =	ssyncadd.s32 $0xFFFFFFC0  }
0x22: {  	[bflag:$0x0] =	sbarrier.arrive $0xFFFF  }
0x23: {  	v2 =	vld [tilespmem:$0xB280]  }
0x24: {  	v3 =	vld [tilespmem:$0xB290]  }
0x25: {  	v4 =	vld [tilespmem:$0xB2A0];
	s17 =	rddreg [dreg:$0x7]  }
0x26: {  	v5 =	vld [tilespmem:$0xB2B0];
	[tilespmem:s4], [sflag:$0x1] =	stream.linear.gather [hbm4b:s17+s4], $0x80, $0x38  }
0x27: {  	s18 =	rddreg [dreg:$0x8]  }
0x28: {  	[tilespmem:s22], [sflag:$0x1] =	stream.linear.gather [hbm4b:s18+s4], $0x80, $0x38;
	[tilespmem:$0x19FC0] =	vst v63  }
0x29: {  	s19 =	rddreg [dreg:$0x9]  }
0x2a: {  	[tilespmem:s23], [sflag:$0x2] =	stream.linear.gather [hbm4b:s19+s4], $0x80, $0x38;
	[tilespmem:$0x19FC0] =	vst v63  }
0x2b: {  	s30 =	rddreg [dreg:$0xa]  }
0x2c: {  	[tilespmem:s24], [sflag:$0x2] =	stream.linear.gather [hbm4b:s30+s4], $0x80, $0x38;
	[tilespmem:$0x19FC0] =	vst v63  }
0x2d: {  	_ =	swait.ge [sflag:s25], $0x80  }
0x2e: {  	[sflag:s25] =	ssyncset.done $0x0  }
0x2f: {  	[sflag:s25] =	ssyncadd.s32 $0xFFFFFF80  }
0x30: {  	_ =	swait.ge [sflag:s25], $0x80  }
0x31: {  	[sflag:s25] =	ssyncset.done $0x0  }
0x32: {  	[sflag:s25] =	ssyncadd.s32 $0xFFFFFF80  }
0x33: {  	[tilespmem:s26], [sflag:$0x3] =	stream.indirect.gather [hbm4b:s1+s23], $0x40, s4, s23, $0xb8;
	[tilespmem:$0x19FC0] =	vst v63  }
0x34: {  	s11 =	simm.s32 $0x0  }
0x35: {  	[tilespmem:s28], [sflag:$0x3] =	stream.indirect.gather [hbm4b:s5+s23], $0x40, s22, s23, $0xb8;
	[tilespmem:$0x19FC0] =	vst v63  }
.LBB2_2:
0x36: {  	_ =	swait.ge [sflag:s29], $0x80  }
0x37: {  	[sflag:s29] =	ssyncset.done $0x0  }
0x38: {  	[sflag:s29] =	ssyncadd.s32 $0xFFFFFF80  }
0x39: {  	_ =	swait.ge [sflag:s29], $0x80  }
0x3a: {  	[sflag:s29] =	ssyncset.done $0x0  }
0x3b: {  	s9 =	simm.s32 $0x2200;
	[sflag:s29] =	ssyncadd.s32 $0xFFFFFF80  }
0x3c: {  	[tilespmem:s9], [sflag:$0x4] =	stream.indirect.gather [hbm4b:s1+s23], $0x40, s23, s23, $0xb8;
	[tilespmem:$0x19FC0] =	vst v63  }
0x3d: {  	_ = 	snop  }
0x3e: {  	[tilespmem:s31], [sflag:$0x4] =	stream.indirect.gather [hbm4b:s5+s23], $0x40, s24, s23, $0xb8;
	[tilespmem:$0x19FC0] =	vst v63  }
0x3f: {  	_ =	swait.ge [sflag:s0], $0x2000  }
0x40: {  	[sflag:s0] =	ssyncset.done $0x0  }
0x41: {  	[sflag:s0] =	ssyncadd.s32 $0xFFFFE000  }
0x42: {  	_ =	swait.ge [sflag:s0], $0x2000  }
0x43: {  	[sflag:s0] =	ssyncset.done $0x0  }
0x44: {  	[sflag:s0] =	ssyncadd.s32 $0xFFFFE000  }
0x45: {  	v6 =	vld [tilespmem:$0x100]  }
0x46: {  	v7 =	vld [tilespmem:$0x110]  }
0x47: {  	v8 =	vld [tilespmem:$0x120]  }
0x48: {  	v9 =	vld [tilespmem:$0x130]  }
0x49: {  	v10 =	vld [tilespmem:$0x140]  }
0x4a: {  	[tilespmem:$0xB200] =	vst v6;
	v6 =	vld [tilespmem:$0x150]  }
0x4b: {  	[tilespmem:$0xB210] =	vst v7;
	v7 =	vld [tilespmem:$0x160]  }
0x4c: {  	[tilespmem:$0xB220] =	vst v8;
	v8 =	vld [tilespmem:$0x170]  }
0x4d: {  	s12 =	sshll.u32 s11, $0x1;
	[tilespmem:$0xB230] =	vst v9  }
0x4e: {  	s17 =	smin.u32 s12, $0x4D;
	[tilespmem:$0xB240] =	vst v10  }
0x4f: {  	s9 =	sadd.s32 s17, s15;
	[tilespmem:$0xB250] =	vst v6  }
0x50: {  	s9 =	sshll.u32 s9, $0x4;
	[tilespmem:$0xB260] =	vst v7  }
0x51: {  	s10 =	sadd.s32 s6, s9;
	[tilespmem:$0xB270] =	vst v8  }
0x52: {  	[tilespmem:s4], [sflag:$0x1] =	stream.linear.gather [hbm4b:s10+s4], $0x80, $0x38;
	[tilespmem:$0x19FC0] =	vst v63  }
0x53: {  	s17 =	simm.s32 $0x300;
	s9 =	sadd.s32 s7, s9  }
0x54: {  	[tilespmem:s22], [sflag:$0x1] =	stream.linear.gather [hbm4b:s9+s4], $0x80, $0x38;
	[tilespmem:$0x19FC0] =	vst v63  }
0x55: {  	v6 =	vld [tilespmem:s17+$0xC0]  }
0x56: {  	s18 =	simm.s32 $0x4300;
	v7 =	vld [tilespmem:s17+$0xD0]  }
0x57: {  	v9 =	vld [tilespmem:s18+$0xC0]  }
0x58: {  	v10 =	vld [tilespmem:s18+$0xD0]  }
0x59: {  	v12 =	vld [tilespmem:s17+$0xFFFFFF10]  }
0x5a: {  	v13 =	vld [tilespmem:s18+$0xFFFFFF00]  }
0x5b: {  	v14 =	vld [tilespmem:s18+$0xFFFFFF10]  }
0x5c: {  	v8 =	vld [tilespmem:s17+$0xFFFFFF40]  }
0x5d: {  	v11 =	vld [tilespmem:s17+$0xFFFFFF50]  }
0x5e: {  	v16 =	vld [tilespmem:s18+$0xFFFFFF40];
	v9 =	vadd.f32 v9, v6;
	v10 =	vadd.f32 v10, v7  }
0x5f: {  	v18 =	vld [tilespmem:s18+$0xFFFFFF50]  }
0x60: {  	v15 =	vld [tilespmem:s17+$0xFFFFFF80];
	v19 =	vmul.f32 $3.000000120e-01, v9;
	v20 =	vmul.f32 $3.000000120e-01, v10  }
0x61: {  	v17 =	vld [tilespmem:s17+$0xFFFFFF90]  }
0x62: {  	v21 =	vld [tilespmem:s18+$0xFFFFFF80];
	v9 =	vmax.f32 v9, v19;
	v10 =	vmax.f32 v10, v20  }
0x63: {  	v24 =	vld [tilespmem:s18+$0xFFFFFFC0];
	v14 =	vadd.f32 v14, v12;
	v20 =	vmul.f32 v9, v2;
	v22 =	vmul.f32 v10, v3  }
0x64: {  	v19 =	vld [tilespmem:s18+$0xFFFFFF90]  }
0x65: {  	v28 =	vld [tilespmem:s18+$0xFFFFFFD0];
	v16 =	vadd.f32 v16, v8;
	v23 =	vmul.f32 $3.000000120e-01, v14;
	v20 =	vadd.f32 v22, v20  }
0x66: {  	v18 =	vadd.f32 v18, v11;
	v10 =	vld [tilespmem:s17+$0xFFFFFFC0]  }
0x67: {  	v14 =	vmax.f32 v14, v23;
	v23 =	vmul.f32 $3.000000120e-01, v16;
	v22 =	vld [tilespmem:s17+$0xFFFFFF00];
	v26 =	vperm.xlane v20, v0  }
0x68: {  	v27 =	vadd.f32 v21, v15;
	v21 =	vld [tilespmem:s17+$0x0];
	v25 =	vmul.f32 $3.000000120e-01, v18;
	v29 =	vmul.f32 v14, v3  }
0x69: {  	v9 =	vld [tilespmem:s17+$0xFFFFFFD0];
	v14 =	vmax.f32 v16, v23;
	v16 =	vadd.f32 v19, v17;
	v19 =	vadd.f32 v20, v26  }
0x6a: {  	v18 =	vmax.f32 v18, v25;
	v23 =	vmul.f32 v14, v2;
	v14 =	vld [tilespmem:s17+$0x10];
	v20 =	vmul.f32 $3.000000120e-01, v27  }
0x6b: {  	v18 =	vmul.f32 v18, v3;
	v24 =	vadd.f32 v24, v10;
	v26 =	vld [tilespmem:s18+$0x0];
	v30 =	vperm.xlane v19, v1  }
0x6c: {  	v25 =	vmul.f32 $3.000000120e-01, v16;
	v13 =	vadd.f32 v13, v22;
	v20 =	vmax.f32 v27, v20;
	v27 =	vld [tilespmem:s18+$0x10]  }
0x6d: {  	v23 =	vadd.f32 v18, v23;
	v19 =	vadd.f32 v19, v30  }
0x6e: {  	v32 =	vmul.f32 $3.000000120e-01, v24;
	v25 =	vmax.f32 v16, v25;
	v31 =	vmul.f32 $3.000000120e-01, v13  }
0x6f: {  	v28 =	vadd.f32 v28, v9;
	v16 =	vld [tilespmem:s17+$0x40];
	v25 =	vmul.f32 v25, v3;
	v18 =	vmul.f32 $1.442695020e+00, v19  }
0x70: {  	v30 =	vmul.f32 v20, v2;
	v13 =	vmax.f32 v13, v31;
	v31 =	vld [tilespmem:s18+$0x40];
	v26 =	vadd.f32 v26, v21  }
0x71: {  	v13 =	vmul.f32 v13, v2;
	v27 =	vadd.f32 v27, v14;
	(erf) = vpow2.f32 v18  }
0x72: {  	v33 =	vmul.f32 $3.000000120e-01, v28;
	v24 =	vmax.f32 v24, v32;
	v25 =	vadd.f32 v25, v30  }
0x73: {  	v13 =	vadd.f32 v29, v13;
	v29 =	vmul.f32 $3.000000120e-01, v26;
	v30 =	vmul.f32 $3.000000120e-01, v27  }
0x74: {  	v28 =	vmax.f32 v28, v33;
	v24 =	vmul.f32 v24, v2;
	v18 =	vld [tilespmem:s17+$0x90]  }
0x75: {  	v26 =	vmax.f32 v26, v29;
	v29 =	vadd.f32 v31, v16;
	v31 =	vld [tilespmem:s18+$0x90];
	v27 =	vmax.f32 v27, v30  }
0x76: {  	v38 =	vld [tilespmem:s18+$0x50];
	v28 =	vmul.f32 v28, v3;
	v27 =	vmul.f32 v27, v3  }
0x77: {  	v20 =	vld [tilespmem:s17+$0x50];
	v34 =	vperm.xlane v13, v0  }
0x78: {  	v24 =	vadd.f32 v28, v24;
	v26 =	vmul.f32 v26, v2;
	v28 =	vmul.f32 $3.000000120e-01, v29  }
0x79: {  	v35 =	vperm.xlane v23, v0;
	v13 =	vadd.f32 v13, v34  }
0x7a: {  	v28 =	vmax.f32 v29, v28;
	v26 =	vadd.f32 v27, v26;
	v29 =	vadd.f32 v31, v18;
	v27 =	vpop (erf)  }
0x7b: {  	s13 =	simm.s32 $0x8380;
	v23 =	vadd.f32 v23, v35;
	v40 =	vperm.xlane v13, v1;
	v6 =	vmul.f32 v27, v6  }
0x7c: {  	v30 =	vadd.f32 v38, v20;
	v44 =	vmul.f32 $3.000000120e-01, v29;
	v7 =	vmul.f32 v27, v7;
	[tilespmem:s13+$0x160] =	vst v27  }
0x7d: {  	v13 =	vadd.f32 v13, v40;
	[tilespmem:s13+$0x120] =	vst v6  }
0x7e: {  	v43 =	vperm.xlane v23, v1;
	v42 =	vmul.f32 $3.000000120e-01, v30;
	v6 =	vmax.f32 v29, v44;
	[tilespmem:s13+$0x130] =	vst v7  }
0x7f: {  	v13 =	vmul.f32 $1.442695020e+00, v13;
	v29 =	vmul.f32 v6, v3;
	v6 =	vld [tilespmem:s17+$0xE0]  }
0x80: {  	v28 =	vmul.f32 v28, v2;
	v30 =	vmax.f32 v30, v42  }
0x81: {  	v39 =	vld [tilespmem:s18+$0x80];
	v23 =	vadd.f32 v23, v43;
	(erf) = vpow2.f32 v13;
	v13 =	vmul.f32 v30, v3  }
0x82: {  	v19 =	vld [tilespmem:s17+$0x80]  }
0x83: {  	v23 =	vmul.f32 $1.442695020e+00, v23;
	v13 =	vadd.f32 v13, v28;
	v28 =	vperm.xlane v24, v0  }
0x84: {  	[tilespmem:$0x1FEA0] =	vst v6  }
0x85: {  	(erf) = vpow2.f32 v23;
	v23 =	vperm.xlane v26, v0;
	v24 =	vadd.f32 v24, v28;
	v7 =	vld [tilespmem:s17+$0xF0];
	_ =	sdelay $0x1  }
0x86: {  	v33 =	vadd.f32 v39, v19;
	v23 =	vadd.f32 v26, v23;
	v26 =	vperm.xlane v24, v1;
	_ =	sdelay $0x1  }
0x87: {  	v31 =	vmul.f32 $3.000000120e-01, v33  }
0x88: {  	[tilespmem:$0x1FE90] =	vst v7  }
0x89: {  	v41 =	vperm.xlane v25, v0;
	v27 =	vmax.f32 v33, v31;
	v24 =	vadd.f32 v24, v26;
	v26 =	vpop (erf);
	v31 =	vld [tilespmem:s18+$0xE0]  }
0x8a: {  	v22 =	vmul.f32 v26, v22  }
0x8b: {  	v25 =	vadd.f32 v25, v41;
	v27 =	vmul.f32 v27, v2;
	v12 =	vmul.f32 v26, v12;
	[tilespmem:s13+$0xFFFFFEC0] =	vst v26  }
0x8c: {  	[tilespmem:s13+$0xFFFFFE80] =	vst v22  }
0x8d: {  	v30 =	vperm.xlane v25, v1;
	v27 =	vadd.f32 v29, v27;
	v29 =	vld [tilespmem:s18+$0xF0];
	[tilespmem:s13+$0xFFFFFE90] =	vst v12  }
0x8e: {  	v31 =	vadd.f32 v31, v6;
	v6 =	vld [tilespmem:s17+$0xFFFFFF20]  }
0x8f: {  	v25 =	vadd.f32 v25, v30;
	_ =	sdelay $0x1  }
0x90: {  	v25 =	vmul.f32 $1.442695020e+00, v25  }
0x91: {  	v24 =	vmul.f32 $1.442695020e+00, v24  }
0x92: {  	(erf) = vpow2.f32 v25;
	v25 =	vadd.f32 v29, v7;
	v29 =	vpop (erf);
	[tilespmem:$0x1FEB0] =	vst v6  }
0x93: {  	(erf) = vpow2.f32 v24;
	v24 =	vmul.f32 v29, v8;
	v8 =	vld [tilespmem:s17+$0xFFFFFF30];
	_ =	sdelay $0x3  }
0x94: {  	[tilespmem:s13+$0xFFFFFF20] =	vst v29  }
0x95: {  	v11 =	vmul.f32 v29, v11;
	[tilespmem:$0x1FEC0] =	vst v8  }
0x96: {  	[tilespmem:s13+$0xFFFFFEE0] =	vst v24  }
0x97: {  	v30 =	vperm.xlane v23, v1;
	[tilespmem:s13+$0xFFFFFEF0] =	vst v11  }
0x98: {  	v11 =	vld [tilespmem:s17+$0xFFFFFF60]  }
0x99: {  	v23 =	vadd.f32 v23, v30;
	_ =	sdelay $0x1  }
0x9a: {  	v28 =	vperm.xlane v13, v0;
	v23 =	vmul.f32 $1.442695020e+00, v23  }
0x9b: {  	v24 =	vld [tilespmem:s18+$0xFFFFFF20]  }
0x9c: {  	v13 =	vadd.f32 v13, v28;
	v28 =	vperm.xlane v27, v0;
	(erf) = vpow2.f32 v23;
	v23 =	vld [tilespmem:s18+$0xFFFFFF30];
	[tilespmem:$0x1FED0] =	vst v11  }
0x9d: {  	v26 =	vmul.f32 $3.000000120e-01, v31;
	v7 =	vld [tilespmem:s17+$0xFFFFFF70]  }
0x9e: {  	v22 =	vmul.f32 $3.000000120e-01, v25  }
0x9f: {  	v26 =	vmax.f32 v31, v26  }
0xa0: {  	v22 =	vmax.f32 v25, v22;
	v25 =	vmul.f32 v26, v4;
	v26 =	vadd.f32 v27, v28;
	v28 =	vpop (erf)  }
0xa1: {  	v15 =	vmul.f32 v28, v15  }
0xa2: {  	v17 =	vmul.f32 v28, v17;
	[tilespmem:$0x1FEE0] =	vst v7  }
0xa3: {  	v22 =	vmul.f32 v22, v5;
	[tilespmem:s13+$0xFFFFFF40] =	vst v15  }
0xa4: {  	[tilespmem:s13+$0xFFFFFF50] =	vst v17  }
0xa5: {  	v22 =	vadd.f32 v22, v25;
	v25 =	vperm.xlane v26, v1;
	[tilespmem:s13+$0xFFFFFF80] =	vst v28  }
0xa6: {  	v24 =	vadd.f32 v24, v6;
	v6 =	vld [tilespmem:s17+$0xFFFFFFA0]  }
0xa7: {  	v25 =	vadd.f32 v26, v25;
	v26 =	vld [tilespmem:s18+$0xFFFFFF70];
	_ =	sdelay $0x1  }
0xa8: {  	v45 =	vperm.xlane v13, v1;
	_ =	sdelay $0x1  }
0xa9: {  	v27 =	vadd.f32 v13, v45;
	v30 =	vld [tilespmem:s18+$0xFFFFFF60];
	[tilespmem:$0x1FEF0] =	vst v6  }
0xaa: {  	v26 =	vadd.f32 v26, v7;
	v7 =	vld [tilespmem:s17+$0xFFFFFFB0]  }
0xab: {  	v27 =	vmul.f32 $1.442695020e+00, v27;
	v15 =	vmul.f32 $1.442695020e+00, v25;
	v25 =	vpop (erf)  }
0xac: {  	v10 =	vmul.f32 v25, v10  }
0xad: {  	(erf) = vpow2.f32 v27  }
0xae: {  	(erf) = vpow2.f32 v15;
	v15 =	vmul.f32 v25, v9;
	[tilespmem:s13+$0xFFFFFFA0] =	vst v10  }
0xaf: {  	[tilespmem:$0x1FF00] =	vst v7  }
0xb0: {  	[tilespmem:s13+$0xFFFFFFB0] =	vst v15  }
0xb1: {  	[tilespmem:s13+$0xFFFFFFE0] =	vst v25  }
0xb2: {  	v23 =	vadd.f32 v23, v8;
	v8 =	vld [tilespmem:s17+$0xFFFFFFE0];
	_ =	sdelay $0x1  }
0xb3: {  	v29 =	vperm.xlane v22, v0;
	_ =	sdelay $0x1  }
0xb4: {  	v22 =	vadd.f32 v22, v29;
	v29 =	vadd.f32 v30, v11;
	v30 =	vld [tilespmem:s18+$0xFFFFFFA0]  }
0xb5: {  	v25 =	vld [tilespmem:s18+$0xFFFFFFB0];
	[tilespmem:$0x1FF10] =	vst v8  }
0xb6: {  	v9 =	vld [tilespmem:s17+$0xFFFFFFF0]  }
0xb7: {  	v27 =	vpop (erf)  }
0xb8: {  	v21 =	vmul.f32 v27, v21;
	_ =	sdelay $0x1  }
0xb9: {  	v46 =	vmul.f32 v27, v14;
	[tilespmem:s13+$0x0] =	vst v21  }
0xba: {  	[tilespmem:$0x1FF20] =	vst v9  }
0xbb: {  	[tilespmem:s13+$0x10] =	vst v46  }
0xbc: {  	[tilespmem:s13+$0x40] =	vst v27  }
0xbd: {  	v28 =	vmul.f32 $3.000000120e-01, v24;
	v11 =	vld [tilespmem:s17+$0x20];
	_ =	sdelay $0x1  }
0xbe: {  	v24 =	vmax.f32 v24, v28;
	v28 =	vmul.f32 $3.000000120e-01, v29;
	v15 =	vmul.f32 $3.000000120e-01, v23;
	_ =	sdelay $0x1  }
0xbf: {  	v15 =	vmax.f32 v23, v15;
	v23 =	vmax.f32 v29, v28;
	v29 =	vld [tilespmem:s18+$0xFFFFFFE0]  }
0xc0: {  	v27 =	vld [tilespmem:s18+$0xFFFFFFF0];
	[tilespmem:$0x1FF30] =	vst v11  }
0xc1: {  	v10 =	vld [tilespmem:s17+$0x30]  }
0xc2: {  	v28 =	vpop (erf)  }
0xc3: {  	v17 =	vperm.xlane v22, v1;
	v16 =	vmul.f32 v28, v16  }
0xc4: {  	v24 =	vmul.f32 v24, v4  }
0xc5: {  	v22 =	vadd.f32 v22, v17;
	v20 =	vmul.f32 v28, v20;
	v21 =	vmul.f32 v15, v5;
	[tilespmem:s13+$0x60] =	vst v16  }
0xc6: {  	[tilespmem:$0x1FF40] =	vst v10  }
0xc7: {  	v21 =	vadd.f32 v21, v24;
	v24 =	vmul.f32 $1.442695020e+00, v22;
	[tilespmem:s13+$0x70] =	vst v20  }
0xc8: {  	v31 =	vmul.f32 $3.000000120e-01, v26;
	[tilespmem:s13+$0xA0] =	vst v28  }
0xc9: {  	(erf) = vpow2.f32 v24;
	v24 =	vadd.f32 v25, v7;
	v7 =	vld [tilespmem:s17+$0x60]  }
0xca: {  	v26 =	vmax.f32 v26, v31  }
0xcb: {  	v26 =	vmul.f32 v26, v5;
	v23 =	vmul.f32 v23, v4;
	_ =	sdelay $0x1  }
0xcc: {  	v23 =	vadd.f32 v26, v23;
	v31 =	vld [tilespmem:s18+$0x20]  }
0xcd: {  	v25 =	vld [tilespmem:s18+$0x30];
	[tilespmem:$0x1FF50] =	vst v7  }
0xce: {  	v30 =	vadd.f32 v30, v6;
	v26 =	vperm.xlane v23, v0;
	v20 =	vperm.xlane v21, v0;
	v6 =	vld [tilespmem:s17+$0x70];
	_ =	sdelay $0x1  }
0xcf: {  	v20 =	vadd.f32 v21, v20;
	v21 =	vadd.f32 v23, v26;
	v23 =	vmul.f32 $3.000000120e-01, v30  }
0xd0: {  	v28 =	vadd.f32 v29, v8;
	v26 =	vmul.f32 $3.000000120e-01, v24  }
0xd1: {  	v29 =	vperm.xlane v20, v1;
	v47 =	vperm.xlane v21, v1;
	v23 =	vmax.f32 v30, v23  }
0xd2: {  	v24 =	vmax.f32 v24, v26;
	v26 =	vadd.f32 v27, v9;
	v27 =	vmul.f32 $3.000000120e-01, v28;
	[tilespmem:$0x1FF60] =	vst v6  }
0xd3: {  	v23 =	vmul.f32 v23, v4;
	v25 =	vadd.f32 v25, v10;
	v20 =	vadd.f32 v20, v29;
	v30 =	vld [tilespmem:s18+$0x60]  }
0xd4: {  	s9 =	simm.s32 $0x500;
	v29 =	vmul.f32 v24, v5;
	v53 =	vmul.f32 $3.000000120e-01, v26;
	v27 =	vmax.f32 v28, v27;
	v52 =	vld [tilespmem:s18+$0x70]  }
0xd5: {  	v28 =	vadd.f32 v31, v11;
	v54 =	vmul.f32 $3.000000120e-01, v25;
	v24 =	vmul.f32 $1.442695020e+00, v20;
	v38 =	vld [tilespmem:s9+$0xC0]  }
0xd6: {  	s19 =	simm.s32 $0x4500;
	v20 =	vadd.f32 v29, v23;
	v23 =	vmul.f32 v27, v4;
	v26 =	vmax.f32 v26, v53;
	v48 =	vld [tilespmem:s9+$0xD0]  }
0xd7: {  	v32 =	vadd.f32 v21, v47;
	v29 =	vmul.f32 $3.000000120e-01, v28;
	v21 =	vmul.f32 v26, v5;
	v27 =	vld [tilespmem:s19+$0xC0]  }
0xd8: {  	v26 =	vperm.xlane v20, v0;
	v31 =	vld [tilespmem:s19+$0xD0]  }
0xd9: {  	v29 =	vmax.f32 v28, v29;
	v21 =	vadd.f32 v21, v23;
	v23 =	vmax.f32 v25, v54;
	v28 =	vld [tilespmem:s9+$0xFFFFFF10]  }
0xda: {  	v29 =	vmul.f32 v29, v4;
	v40 =	vadd.f32 v20, v26;
	v39 =	vmul.f32 v23, v5;
	v26 =	vld [tilespmem:s19+$0xFFFFFF10]  }
0xdb: {  	v20 =	vld [tilespmem:s9+$0xFFFFFF40]  }
0xdc: {  	v41 =	vperm.xlane v21, v0;
	v23 =	vld [tilespmem:s9+$0xFFFFFF50];
	v29 =	vadd.f32 v39, v29  }
0xdd: {  	v56 =	vld [tilespmem:s19+$0xFFFFFF40];
	v30 =	vadd.f32 v30, v7;
	v34 =	vadd.f32 v52, v6  }
0xde: {  	v45 =	vld [tilespmem:s19+$0xFFFFFF50];
	v39 =	vadd.f32 v21, v41;
	v27 =	vadd.f32 v27, v38  }
0xdf: {  	v31 =	vadd.f32 v31, v48;
	v25 =	vmul.f32 $3.000000120e-01, v30;
	v55 =	vmul.f32 $3.000000120e-01, v34  }
0xe0: {  	v49 =	vld [tilespmem:s19+$0xFFFFFF80];
	v59 =	vadd.f32 v26, v28;
	v26 =	vmul.f32 $1.442695020e+00, v32;
	v57 =	vmul.f32 $3.000000120e-01, v27  }
0xe1: {  	v50 =	vld [tilespmem:s19+$0xFFFFFF90];
	v42 =	vmul.f32 $3.000000120e-01, v31;
	v25 =	vmax.f32 v30, v25;
	v30 =	vmax.f32 v34, v55  }
0xe2: {  	v35 =	vld [tilespmem:s19+$0xFFFFFFC0];
	v60 =	vadd.f32 v56, v20;
	v43 =	vmul.f32 v25, v4;
	v30 =	vmul.f32 v30, v5  }
0xe3: {  	v21 =	vld [tilespmem:s9+$0xFFFFFF90];
	v61 =	vadd.f32 v45, v23;
	v27 =	vmax.f32 v27, v57;
	v31 =	vmax.f32 v31, v42  }
0xe4: {  	v52 =	vld [tilespmem:s19+$0xFFFFFFD0];
	v27 =	vmul.f32 v27, v2;
	v58 =	vadd.f32 v30, v43;
	v30 =	vmul.f32 v31, v3  }
0xe5: {  	v32 =	vld [tilespmem:s9+$0x10];
	v62 =	vmul.f32 $3.000000120e-01, v60;
	v53 =	vmul.f32 $3.000000120e-01, v61  }
0xe6: {  	v25 =	vld [tilespmem:s9+$0xFFFFFF80];
	v31 =	vperm.xlane v29, v0;
	v51 =	vadd.f32 v30, v27  }
0xe7: {  	v41 =	vmax.f32 v60, v62;
	v34 =	vmax.f32 v61, v53;
	v57 =	vld [tilespmem:s19+$0x10]  }
0xe8: {  	v44 =	vadd.f32 v29, v31;
	v29 =	vmul.f32 $3.000000120e-01, v59;
	v27 =	vld [tilespmem:s9+$0xFFFFFFD0];
	v31 =	vperm.xlane v51, v0  }
0xe9: {  	v60 =	vmul.f32 v41, v2;
	v34 =	vmul.f32 v34, v3;
	v30 =	vld [tilespmem:s9+$0xFFFFFFC0]  }
0xea: {  	v36 =	vld [tilespmem:s19+$0xFFFFFF00];
	v29 =	vmax.f32 v59, v29;
	v51 =	vadd.f32 v51, v31  }
0xeb: {  	v55 =	vld [tilespmem:s19+$0x0];
	v53 =	vadd.f32 v34, v60;
	v54 =	vmul.f32 v29, v3;
	v29 =	vadd.f32 v49, v25  }
0xec: {  	v43 =	vperm.xlane v58, v0;
	v49 =	vadd.f32 v50, v21;
	v31 =	vld [tilespmem:s9+$0x0];
	v63 =	vperm.xlane v51, v1  }
0xed: {  	v41 =	vld [tilespmem:s9+$0x40];
	v57 =	vadd.f32 v57, v32;
	v61 =	vmul.f32 $3.000000120e-01, v29;
	v62 =	vadd.f32 v52, v27  }
0xee: {  	v56 =	vmul.f32 $3.000000120e-01, v49;
	v35 =	vadd.f32 v35, v30;
	v52 =	vld [tilespmem:s9+$0xFFFFFF00];
	v50 =	vadd.f32 v51, v63  }
0xef: {  	v43 =	vadd.f32 v58, v43;
	v59 =	vld [tilespmem:s19+$0x40];
	v29 =	vmax.f32 v29, v61;
	v58 =	vmul.f32 $3.000000120e-01, v62  }
0xf0: {  	v49 =	vmax.f32 v49, v56;
	v63 =	vmul.f32 $3.000000120e-01, v35;
	v50 =	vmul.f32 $1.442695020e+00, v50  }
0xf1: {  	v56 =	vmul.f32 v29, v2;
	v49 =	vmul.f32 v49, v3;
	v55 =	vadd.f32 v55, v31  }
0xf2: {  	v29 =	vld [tilespmem:s9+$0x50];
	v51 =	vmax.f32 v62, v58;
	v34 =	vmax.f32 v35, v63;
	(erf) = vpow2.f32 v50  }
0xf3: {  	v60 =	vadd.f32 v36, v52;
	v58 =	vmul.f32 v34, v2;
	v34 =	vmul.f32 $3.000000120e-01, v55;
	v50 =	vld [tilespmem:s19+$0x50]  }
0xf4: {  	v59 =	vadd.f32 v59, v41;
	v49 =	vadd.f32 v49, v56  }
0xf5: {  	v56 =	vmul.f32 $3.000000120e-01, v57;
	v34 =	vmax.f32 v55, v34;
	v55 =	vmul.f32 $3.000000120e-01, v60  }
0xf6: {  	v51 =	vmul.f32 v51, v3;
	v63 =	vmul.f32 v34, v2  }
0xf7: {  	v34 =	vmax.f32 v57, v56;
	v55 =	vmax.f32 v60, v55;
	v60 =	vmul.f32 $3.000000120e-01, v59  }
0xf8: {  	v55 =	vmul.f32 v55, v2;
	v50 =	vadd.f32 v50, v29  }
0xf9: {  	v22 =	vpop (erf);
	v61 =	vld [tilespmem:s19+$0x80];
	v51 =	vadd.f32 v51, v58  }
0xfa: {  	v35 =	vld [tilespmem:s9+$0x80];
	v57 =	vmul.f32 v34, v3;
	v34 =	vpop (erf);
	v54 =	vadd.f32 v54, v55;
	v58 =	vmul.f32 $3.000000120e-01, v50  }
0xfb: {  	v33 =	vmul.f32 v22, v19;
	v37 =	vmul.f32 v22, v18;
	[tilespmem:s13+$0x100] =	vst v22;
	v36 =	vld [tilespmem:s9+$0x90];
	v22 =	vmax.f32 v59, v60;
	v60 =	vpop (erf)  }
0xfc: {  	v56 =	vld [tilespmem:s19+$0x90];
	v50 =	vmax.f32 v50, v58;
	v58 =	vperm.xlane v54, v0;
	v48 =	vmul.f32 v60, v48  }
0xfd: {  	s14 =	simm.s32 $0x8680  }
0xfe: {  	[tilespmem:s14+$0x130] =	vst v48;
	v48 =	vadd.f32 v54, v58  }
0xff: {  	[tilespmem:s13+$0xD0] =	vst v37;
	v37 =	vperm.xlane v49, v0;
	v59 =	vadd.f32 v61, v35;
	v38 =	vmul.f32 v60, v38  }
0x100: {  	[tilespmem:s14+$0x160] =	vst v60;
	v58 =	vperm.xlane v48, v1  }
0x101: {  	v49 =	vadd.f32 v49, v37;
	v56 =	vadd.f32 v56, v36;
	v60 =	vmul.f32 $3.000000120e-01, v59;
	[tilespmem:s14+$0x120] =	vst v38  }
0x102: {  	v62 =	vperm.xlane v53, v0;
	v57 =	vadd.f32 v57, v63;
	v37 =	vld [tilespmem:s9+$0xE0];
	v48 =	vadd.f32 v48, v58  }
0x103: {  	v22 =	vmul.f32 v22, v2;
	v63 =	vmul.f32 $3.000000120e-01, v56;
	v60 =	vmax.f32 v59, v60;
	v59 =	vld [tilespmem:s19+$0xE0]  }
0x104: {  	v50 =	vmul.f32 v50, v3;
	v48 =	vmul.f32 $1.442695020e+00, v48  }
0x105: {  	v61 =	vmax.f32 v56, v63;
	v56 =	vperm.xlane v51, v0;
	v54 =	vmul.f32 v60, v2  }
0x106: {  	v53 =	vadd.f32 v53, v62;
	v60 =	vperm.xlane v57, v0;
	(erf) = vpow2.f32 v48  }
0x107: {  	v22 =	vadd.f32 v50, v22;
	v50 =	vmul.f32 v61, v3;
	v51 =	vadd.f32 v51, v56  }
0x108: {  	[tilespmem:s13+$0xC0] =	vst v33;
	v57 =	vadd.f32 v57, v60;
	v60 =	vperm.xlane v49, v1;
	v59 =	vadd.f32 v59, v37  }
0x109: {  	v6 =	vld [tilespmem:s17+$0xB0];
	v50 =	vadd.f32 v50, v54;
	v54 =	vperm.xlane v53, v1  }
0x10a: {  	v38 =	vld [tilespmem:s9+$0xF0];
	v62 =	vperm.xlane v51, v1;
	v49 =	vadd.f32 v49, v60;
	v60 =	vmul.f32 $3.000000120e-01, v59  }
0x10b: {  	v56 =	vld [tilespmem:s19+$0xF0];
	v53 =	vadd.f32 v53, v54  }
0x10c: {  	v51 =	vadd.f32 v51, v62;
	v62 =	vmax.f32 v59, v60  }
0x10d: {  	v53 =	vmul.f32 $1.442695020e+00, v53;
	_ =	sdelay $0x1  }
0x10e: {  	v33 =	vld [tilespmem:s17+$0xA0];
	(erf) = vpow2.f32 v53;
	v53 =	vmul.f32 v62, v4;
	v62 =	vpop (erf)  }
0x10f: {  	v55 =	vld [tilespmem:s18+$0xA0];
	[tilespmem:$0x1FF70] =	vst v6;
	v61 =	vperm.xlane v50, v0;
	v56 =	vadd.f32 v56, v38;
	v52 =	vmul.f32 v62, v52  }
0x110: {  	[tilespmem:s14+$0xFFFFFEC0] =	vst v62;
	v28 =	vmul.f32 v62, v28  }
0x111: {  	v50 =	vadd.f32 v50, v61;
	v61 =	vmul.f32 $3.000000120e-01, v56;
	[tilespmem:s14+$0xFFFFFE80] =	vst v52  }
0x112: {  	v63 =	vld [tilespmem:s18+$0xB0];
	v58 =	vperm.xlane v22, v0;
	[tilespmem:s14+$0xFFFFFE90] =	vst v28  }
0x113: {  	v56 =	vmax.f32 v56, v61;
	v9 =	vld [tilespmem:s9+$0xFFFFFF20]  }
0x114: {  	v58 =	vadd.f32 v22, v58;
	v56 =	vmul.f32 v56, v5;
	_ =	sdelay $0x1  }
0x115: {  	v48 =	vperm.xlane v58, v1;
	v53 =	vadd.f32 v56, v53  }
0x116: {  	v55 =	vadd.f32 v55, v33  }
0x117: {  	v48 =	vadd.f32 v58, v48;
	v58 =	vadd.f32 v63, v6;
	v63 =	vperm.xlane v53, v0;
	[tilespmem:$0x1FF80] =	vst v9  }
0x118: {  	v47 =	vperm.xlane v40, v1;
	v8 =	vld [tilespmem:s9+$0xFFFFFF30]  }
0x119: {  	v60 =	vmul.f32 $3.000000120e-01, v55;
	v61 =	vmul.f32 $3.000000120e-01, v58  }
0x11a: {  	v40 =	vadd.f32 v40, v47  }
0x11b: {  	v47 =	vmax.f32 v55, v60;
	v60 =	vmax.f32 v58, v61;
	v61 =	vadd.f32 v53, v63;
	v63 =	vpop (erf)  }
0x11c: {  	v49 =	vmul.f32 $1.442695020e+00, v49;
	v20 =	vmul.f32 v63, v20;
	[tilespmem:s14+$0xFFFFFF20] =	vst v63  }
0x11d: {  	v55 =	vmul.f32 v63, v23;
	[tilespmem:$0x1FF90] =	vst v8  }
0x11e: {  	(erf) = vpow2.f32 v49;
	[tilespmem:s14+$0xFFFFFEE0] =	vst v20  }
0x11f: {  	[tilespmem:s14+$0xFFFFFEF0] =	vst v55  }
0x120: {  	v54 =	vperm.xlane v57, v1;
	v7 =	vld [tilespmem:s9+$0xFFFFFF60];
	_ =	sdelay $0x1  }
0x121: {  	v54 =	vadd.f32 v57, v54;
	v57 =	vperm.xlane v50, v1;
	_ =	sdelay $0x1  }
0x122: {  	v50 =	vadd.f32 v50, v57;
	v57 =	vld [tilespmem:s19+$0xFFFFFF20]  }
0x123: {  	v58 =	vld [tilespmem:s19+$0xFFFFFF30];
	[tilespmem:$0x1FFA0] =	vst v7  }
0x124: {  	v6 =	vld [tilespmem:s9+$0xFFFFFF70]  }
0x125: {  	v51 =	vmul.f32 $1.442695020e+00, v51;
	v56 =	vpop (erf)  }
0x126: {  	v25 =	vmul.f32 v56, v25  }
0x127: {  	(erf) = vpow2.f32 v51  }
0x128: {  	v59 =	vmul.f32 v56, v21;
	[tilespmem:s14+$0xFFFFFF40] =	vst v25  }
0x129: {  	v49 =	vmul.f32 $1.442695020e+00, v54;
	[tilespmem:$0x1FFB0] =	vst v6  }
0x12a: {  	v48 =	vmul.f32 $1.442695020e+00, v48;
	[tilespmem:s14+$0xFFFFFF50] =	vst v59  }
0x12b: {  	(erf) = vpow2.f32 v49;
	[tilespmem:s14+$0xFFFFFF80] =	vst v56  }
0x12c: {  	(erf) = vpow2.f32 v48;
	v62 =	vmul.f32 v60, v5;
	v48 =	vadd.f32 v57, v9;
	v9 =	vld [tilespmem:s9+$0xFFFFFFA0]  }
0x12d: {  	v46 =	vperm.xlane v44, v1  }
0x12e: {  	v50 =	vmul.f32 $1.442695020e+00, v50;
	v47 =	vmul.f32 v47, v4;
	_ =	sdelay $0x1  }
0x12f: {  	(erf) = vpow2.f32 v50;
	v53 =	vadd.f32 v44, v46;
	v46 =	vadd.f32 v62, v47;
	v62 =	vpop (erf);
	v63 =	vld [tilespmem:s19+$0xFFFFFF60]  }
0x130: {  	(erf) = vpow2.f32 v24;
	v24 =	vmul.f32 v62, v30;
	v30 =	vld [tilespmem:s19+$0xFFFFFF70];
	[tilespmem:$0x1FFC0] =	vst v9  }
0x131: {  	v44 =	vadd.f32 v58, v8;
	v8 =	vld [tilespmem:s9+$0xFFFFFFB0];
	_ =	sdelay $0x3  }
0x132: {  	v27 =	vmul.f32 v62, v27;
	[tilespmem:s14+$0xFFFFFFA0] =	vst v24  }
0x133: {  	[tilespmem:$0x1FFD0] =	vst v8  }
0x134: {  	[tilespmem:s14+$0xFFFFFFB0] =	vst v27  }
0x135: {  	[tilespmem:s14+$0xFFFFFFE0] =	vst v62  }
0x136: {  	v42 =	vperm.xlane v39, v1;
	v47 =	vadd.f32 v63, v7;
	v7 =	vld [tilespmem:s9+$0xFFFFFFE0]  }
0x137: {  	v54 =	vperm.xlane v61, v1  }
0x138: {  	v39 =	vadd.f32 v39, v42;
	v45 =	vperm.xlane v43, v1  }
0x139: {  	v20 =	vadd.f32 v61, v54  }
0x13a: {  	v40 =	vmul.f32 $1.442695020e+00, v40;
	v39 =	vmul.f32 $1.442695020e+00, v39;
	v43 =	vadd.f32 v43, v45;
	v58 =	vld [tilespmem:s19+$0xFFFFFFA0]  }
0x13b: {  	v61 =	vperm.xlane v46, v0;
	v60 =	vmul.f32 $1.442695020e+00, v20;
	v59 =	vld [tilespmem:s19+$0xFFFFFFB0];
	[tilespmem:$0x1FFE0] =	vst v7  }
0x13c: {  	v43 =	vmul.f32 $1.442695020e+00, v43;
	v42 =	vmul.f32 $1.442695020e+00, v53;
	v30 =	vadd.f32 v30, v6;
	v6 =	vld [tilespmem:s9+$0xFFFFFFF0]  }
0x13d: {  	v46 =	vadd.f32 v46, v61;
	(erf) = vpow2.f32 v60;
	v57 =	vmul.f32 $3.000000120e-01, v44;
	v56 =	vpop (erf)  }
0x13e: {  	v31 =	vmul.f32 v56, v31;
	v27 =	vmul.f32 $3.000000120e-01, v48  }
0x13f: {  	v60 =	vperm.xlane v46, v1;
	(erf) = vpow2.f32 v26;
	v44 =	vmax.f32 v44, v57  }
0x140: {  	v44 =	vmul.f32 v44, v5;
	v32 =	vmul.f32 v56, v32;
	v27 =	vmax.f32 v48, v27;
	[tilespmem:s14+$0x0] =	vst v31  }
0x141: {  	(erf) = vpow2.f32 v40;
	v49 =	vpop (erf);
	v31 =	vmul.f32 v27, v4;
	[tilespmem:$0x1FFF0] =	vst v6  }
0x142: {  	v41 =	vmul.f32 v49, v41;
	v62 =	vmul.f32 $3.000000120e-01, v30;
	[tilespmem:s14+$0x10] =	vst v32;
	v40 =	vld [tilespmem:s19+$0xFFFFFFE0]  }
0x143: {  	v52 =	vmul.f32 v49, v29;
	v61 =	vmul.f32 $3.000000120e-01, v47;
	v31 =	vadd.f32 v44, v31;
	[tilespmem:s14+$0x40] =	vst v56;
	v63 =	vld [tilespmem:s19+$0xFFFFFFF0]  }
0x144: {  	v46 =	vadd.f32 v46, v60;
	(erf) = vpow2.f32 v39;
	v54 =	vmax.f32 v30, v62;
	[tilespmem:s14+$0x60] =	vst v41;
	v29 =	vld [tilespmem:s9+$0x20]  }
0x145: {  	v57 =	vadd.f32 v59, v8;
	v55 =	vperm.xlane v31, v0;
	v32 =	vmax.f32 v47, v61;
	[tilespmem:s14+$0x70] =	vst v52;
	v30 =	vld [tilespmem:s9+$0x30]  }
0x146: {  	v39 =	vmul.f32 v54, v5;
	v56 =	vadd.f32 v58, v9;
	[tilespmem:s14+$0xA0] =	vst v49;
	v32 =	vmul.f32 v32, v4;
	v47 =	vld [tilespmem:s19+$0x20]  }
0x147: {  	v46 =	vmul.f32 $1.442695020e+00, v46;
	v59 =	vmul.f32 $3.000000120e-01, v57;
	v41 =	vadd.f32 v31, v55;
	v31 =	vld [tilespmem:s9+$0x60]  }
0x148: {  	(erf) = vpow2.f32 v42;
	v61 =	vld [tilespmem:s19+$0x60];
	v58 =	vmul.f32 $3.000000120e-01, v56;
	v39 =	vadd.f32 v39, v32  }
0x149: {  	(erf) = vpow2.f32 v43;
	v42 =	vmax.f32 v57, v59;
	v48 =	vld [tilespmem:s19+$0x30];
	v50 =	vperm.xlane v41, v1  }
0x14a: {  	v51 =	vld [tilespmem:s19+$0x70];
	v45 =	vmax.f32 v56, v58;
	v60 =	vperm.xlane v39, v0;
	v40 =	vadd.f32 v40, v7  }
0x14b: {  	s17 =	simm.s32 $0x700;
	v62 =	vmul.f32 v42, v5;
	v32 =	vld [tilespmem:s9+$0x70];
	v45 =	vmul.f32 v45, v4;
	v44 =	vadd.f32 v63, v6  }
0x14c: {  	s18 =	simm.s32 $0x4700;
	v59 =	vld [tilespmem:s17+$0xC0];
	v55 =	vadd.f32 v41, v50;
	v52 =	vadd.f32 v39, v60;
	v63 =	vmul.f32 $3.000000120e-01, v40  }
0x14d: {  	v42 =	vld [tilespmem:s18+$0xC0];
	v49 =	vadd.f32 v61, v31;
	v54 =	vmul.f32 $3.000000120e-01, v44;
	v45 =	vadd.f32 v62, v45  }
0x14e: {  	v9 =	vld [tilespmem:s18+$0x10];
	v43 =	vperm.xlane v52, v1;
	v57 =	vmax.f32 v40, v63;
	v40 =	vadd.f32 v47, v29  }
0x14f: {  	v58 =	vld [tilespmem:s17+$0xD0];
	v41 =	vmax.f32 v44, v54;
	v44 =	vadd.f32 v48, v30;
	v56 =	vperm.xlane v45, v0  }
0x150: {  	v51 =	vadd.f32 v51, v32;
	v47 =	vld [tilespmem:s18+$0xD0];
	v63 =	vmul.f32 $3.000000120e-01, v49;
	v60 =	vmul.f32 v57, v4  }
0x151: {  	v11 =	vld [tilespmem:s18+$0x40];
	v61 =	vmul.f32 $3.000000120e-01, v40;
	v62 =	vmul.f32 $3.000000120e-01, v44  }
0x152: {  	v39 =	vld [tilespmem:s17+$0xFFFFFF10];
	v41 =	vmul.f32 v41, v5;
	v53 =	vmul.f32 $3.000000120e-01, v51  }
0x153: {  	v54 =	vld [tilespmem:s18+$0xFFFFFF10];
	v49 =	vmax.f32 v49, v63;
	v50 =	vmax.f32 v40, v61;
	v44 =	vmax.f32 v44, v62  }
0x154: {  	v63 =	vld [tilespmem:s18+$0xFFFFFF80];
	v48 =	vadd.f32 v41, v60;
	v50 =	vmul.f32 v50, v4;
	v44 =	vmul.f32 v44, v5  }
0x155: {  	v41 =	vld [tilespmem:s17+$0xFFFFFF40];
	v51 =	vmax.f32 v51, v53;
	v53 =	vadd.f32 v42, v59;
	v47 =	vadd.f32 v47, v58  }
0x156: {  	v60 =	vld [tilespmem:s18+$0xFFFFFF40];
	v62 =	vadd.f32 v44, v50;
	v44 =	vmul.f32 v49, v4;
	v49 =	vmul.f32 v51, v5  }
0x157: {  	v42 =	vld [tilespmem:s17+$0xFFFFFF80];
	v50 =	vmul.f32 $3.000000120e-01, v53;
	v51 =	vmul.f32 $3.000000120e-01, v47  }
0x158: {  	v57 =	vadd.f32 v52, v43;
	v52 =	vadd.f32 v45, v56;
	v40 =	vld [tilespmem:s17+$0xFFFFFF50];
	v45 =	vperm.xlane v48, v0  }
0x159: {  	v61 =	vld [tilespmem:s18+$0xFFFFFF50];
	v49 =	vadd.f32 v49, v44;
	v53 =	vmax.f32 v53, v50;
	v47 =	vmax.f32 v47, v51  }
0x15a: {  	v7 =	vld [tilespmem:s18+$0xFFFFFF90];
	v50 =	vadd.f32 v48, v45;
	v48 =	vmul.f32 v53, v2;
	v47 =	vmul.f32 v47, v3  }
0x15b: {  	(erf) = vpow2.f32 v46;
	v43 =	vld [tilespmem:s17+$0xFFFFFF90];
	v54 =	vadd.f32 v54, v39;
	v56 =	vperm.xlane v62, v0  }
0x15c: {  	v6 =	vadd.f32 v63, v42;
	v63 =	vld [tilespmem:s17+$0x0];
	v53 =	vperm.xlane v49, v0;
	v48 =	vadd.f32 v47, v48  }
0x15d: {  	v44 =	vld [tilespmem:s17+$0xFFFFFFC0];
	v51 =	vadd.f32 v62, v56;
	v56 =	vadd.f32 v60, v41;
	v47 =	vmul.f32 $3.000000120e-01, v54  }
0x15e: {  	v45 =	vld [tilespmem:s17+$0xFFFFFFD0];
	v53 =	vadd.f32 v49, v53;
	v49 =	vadd.f32 v61, v40;
	v46 =	vperm.xlane v48, v0  }
0x15f: {  	v60 =	vld [tilespmem:s18+$0xFFFFFFC0];
	v62 =	vmul.f32 $3.000000120e-01, v56;
	v25 =	vmax.f32 v54, v47  }
0x160: {  	v61 =	vld [tilespmem:s18+$0xFFFFFFD0];
	v54 =	vmul.f32 $3.000000120e-01, v49;
	v46 =	vadd.f32 v48, v46;
	v48 =	vmul.f32 $3.000000120e-01, v6  }
0x161: {  	v7 =	vadd.f32 v7, v43;
	v47 =	vld [tilespmem:s17+$0x10];
	v56 =	vmax.f32 v56, v62  }
0x162: {  	v49 =	vmax.f32 v49, v54;
	v54 =	vmul.f32 v56, v2;
	v6 =	vmax.f32 v6, v48;
	v48 =	vld [tilespmem:s17+$0x40]  }
0x163: {  	v62 =	vld [tilespmem:s18+$0x0];
	v56 =	vmul.f32 $3.000000120e-01, v7;
	v8 =	vperm.xlane v46, v1  }
0x164: {  	v60 =	vadd.f32 v60, v44  }
0x165: {  	v49 =	vmul.f32 v49, v3;
	v7 =	vmax.f32 v7, v56;
	v8 =	vadd.f32 v46, v8  }
0x166: {  	v56 =	vadd.f32 v61, v45;
	v6 =	vmul.f32 v6, v2;
	v9 =	vadd.f32 v9, v47  }
0x167: {  	v7 =	vmul.f32 v7, v3;
	v8 =	vmul.f32 $1.442695020e+00, v8;
	v11 =	vadd.f32 v11, v48  }
0x168: {  	v46 =	vadd.f32 v49, v54;
	v54 =	vmul.f32 $3.000000120e-01, v60;
	v62 =	vadd.f32 v62, v63  }
0x169: {  	(erf) = vpow2.f32 v8;
	v8 =	vadd.f32 v7, v6;
	v6 =	vmul.f32 $3.000000120e-01, v11  }
0x16a: {  	v54 =	vmax.f32 v60, v54;
	v60 =	vmul.f32 $3.000000120e-01, v62;
	v7 =	vmul.f32 $3.000000120e-01, v9  }
0x16b: {  	v11 =	vmax.f32 v11, v6;
	v6 =	vld [tilespmem:$0x1FEA0]  }
0x16c: {  	v61 =	vmul.f32 $3.000000120e-01, v56;
	v60 =	vmax.f32 v62, v60;
	v7 =	vmax.f32 v9, v7  }
0x16d: {  	v10 =	vld [tilespmem:s18+$0x50];
	v60 =	vmul.f32 v60, v2;
	v7 =	vmul.f32 v7, v3  }
0x16e: {  	v49 =	vld [tilespmem:s17+$0x50]  }
0x16f: {  	v56 =	vmax.f32 v56, v61;
	v61 =	vmul.f32 v54, v2;
	v12 =	vadd.f32 v7, v60;
	v7 =	vld [tilespmem:$0x1FE90]  }
0x170: {  	v14 =	vmul.f32 v34, v6;
	v6 =	vld [tilespmem:$0x1FEB0]  }
0x171: {  	v56 =	vmul.f32 v56, v3;
	_ =	sdelay $0x1  }
0x172: {  	v54 =	vld [tilespmem:s17+$0x80];
	v10 =	vadd.f32 v10, v49;
	v56 =	vadd.f32 v56, v61;
	v61 =	vpop (erf)  }
0x173: {  	v62 =	vld [tilespmem:s18+$0x80];
	v9 =	vperm.xlane v46, v0;
	v60 =	vpop (erf);
	v13 =	vmul.f32 v34, v7  }
0x174: {  	v7 =	vmul.f32 $3.000000120e-01, v10;
	v22 =	vmul.f32 v60, v6;
	v6 =	vld [tilespmem:$0x1FEC0];
	_ =	sdelay $0x1  }
0x175: {  	v46 =	vadd.f32 v46, v9;
	v9 =	vmax.f32 v10, v7;
	v7 =	vld [tilespmem:$0x1FED0];
	_ =	sdelay $0x2  }
0x176: {  	v15 =	vld [tilespmem:s18+$0xFFFFFF00];
	v18 =	vmul.f32 v61, v35;
	v35 =	vpop (erf);
	v24 =	vmul.f32 v60, v6;
	v6 =	vadd.f32 v62, v54  }
0x177: {  	v28 =	vld [tilespmem:s17+$0x90];
	v19 =	vmul.f32 v61, v36;
	v36 =	vpop (erf)  }
0x178: {  	v16 =	vld [tilespmem:s18+$0x90];
	v23 =	vmul.f32 v36, v7;
	v7 =	vmul.f32 $3.000000120e-01, v6  }
0x179: {  	v26 =	vld [tilespmem:s17+$0xFFFFFF00]  }
0x17a: {  	v7 =	vmax.f32 v6, v7;
	v6 =	vld [tilespmem:$0x1FEE0]  }
0x17b: {  	v10 =	vperm.xlane v8, v0  }
0x17c: {  	v27 =	vmul.f32 v35, v37;
	v62 =	vpop (erf)  }
0x17d: {  	v17 =	vadd.f32 v8, v10;
	v10 =	vmul.f32 v35, v38;
	v38 =	vadd.f32 v16, v28;
	v37 =	vpop (erf)  }
0x17e: {  	v11 =	vmul.f32 v11, v2;
	v8 =	vmul.f32 v9, v3;
	v16 =	vpop (erf)  }
0x17f: {  	v15 =	vadd.f32 v15, v26;
	v9 =	vpop (erf);
	[tilespmem:s13+$0x150] =	vst v13;
	v20 =	vmul.f32 v36, v6;
	v6 =	vmul.f32 $3.000000120e-01, v38  }
0x180: {  	v8 =	vadd.f32 v8, v11;
	v11 =	vmul.f32 v25, v3;
	v21 =	vpop (erf);
	[tilespmem:s13+$0x140] =	vst v14  }
0x181: {  	v25 =	vmul.f32 $3.000000120e-01, v15;
	[tilespmem:s13+$0x170] =	vst v34;
	v13 =	vpop (erf);
	v7 =	vmul.f32 v7, v2;
	v6 =	vmax.f32 v38, v6  }
0x182: {  	s10 =	simm.s32 $0x8980;
	[tilespmem:s14+$0x150] =	vst v10;
	v14 =	vmul.f32 v13, v59;
	v6 =	vmul.f32 v6, v3  }
0x183: {  	v15 =	vmax.f32 v15, v25;
	v25 =	vmul.f32 v13, v58;
	[tilespmem:s10+$0x160] =	vst v13  }
0x184: {  	v13 =	vperm.xlane v12, v0;
	v6 =	vadd.f32 v6, v7;
	v7 =	vld [tilespmem:$0x1FEF0];
	[tilespmem:s10+$0x120] =	vst v14  }
0x185: {  	v14 =	vld [tilespmem:$0x1FF00];
	[tilespmem:s10+$0x130] =	vst v25  }
0x186: {  	v13 =	vadd.f32 v12, v13;
	v12 =	vld [tilespmem:$0x1FF10];
	_ =	sdelay $0x1  }
0x187: {  	v15 =	vmul.f32 v15, v2;
	_ =	sdelay $0x1  }
0x188: {  	v11 =	vadd.f32 v11, v15;
	v15 =	vperm.xlane v8, v0  }
0x189: {  	[tilespmem:s14+$0xC0] =	vst v18;
	v25 =	vmul.f32 v37, v12;
	v12 =	vperm.xlane v46, v1  }
0x18a: {  	v8 =	vadd.f32 v8, v15;
	v59 =	vperm.xlane v56, v0;
	v18 =	vperm.xlane v6, v0;
	v15 =	vld [tilespmem:$0x1FF20];
	[tilespmem:s14+$0xD0] =	vst v19  }
0x18b: {  	v19 =	vadd.f32 v46, v12;
	v12 =	vld [tilespmem:$0x1FF30];
	[tilespmem:s14+$0x100] =	vst v61  }
0x18c: {  	v10 =	vadd.f32 v56, v59;
	v18 =	vadd.f32 v6, v18;
	v6 =	vld [tilespmem:$0x1FF40];
	_ =	sdelay $0x1  }
0x18d: {  	v59 =	vperm.xlane v10, v1  }
0x18e: {  	v34 =	vld [tilespmem:s17+$0xE0]  }
0x18f: {  	v10 =	vadd.f32 v10, v59;
	v58 =	vld [tilespmem:s18+$0xE0];
	v46 =	vperm.xlane v11, v0;
	[tilespmem:s13+$0xFFFFFEA0] =	vst v22  }
0x190: {  	v22 =	vld [tilespmem:$0x1FF50];
	v56 =	vmul.f32 v16, v6;
	v6 =	vperm.xlane v17, v1  }
0x191: {  	v10 =	vmul.f32 $1.442695020e+00, v10;
	v11 =	vadd.f32 v11, v46;
	v46 =	vld [tilespmem:s18+$0xF0];
	[tilespmem:s13+$0xFFFFFEB0] =	vst v24  }
0x192: {  	v7 =	vmul.f32 v62, v7;
	v14 =	vmul.f32 v62, v14;
	v24 =	vadd.f32 v17, v6;
	v6 =	vld [tilespmem:$0x1FF60]  }
0x193: {  	v15 =	vmul.f32 v37, v15;
	v38 =	vmul.f32 v16, v12;
	v12 =	vld [tilespmem:s17+$0xF0]  }
0x194: {  	[tilespmem:s13+$0xFFFFFF00] =	vst v23;
	v23 =	vmul.f32 v21, v33;
	v33 =	vmul.f32 $1.442695020e+00, v55  }
0x195: {  	v55 =	vmul.f32 $1.442695020e+00, v57;
	[tilespmem:s13+$0xFFFFFF60] =	vst v7;
	v7 =	vmul.f32 $1.442695020e+00, v19  }
0x196: {  	[tilespmem:s13+$0xFFFFFF10] =	vst v20;
	v17 =	vld [tilespmem:s9+$0xA0];
	v19 =	vadd.f32 v58, v34;
	v57 =	vperm.xlane v8, v1;
	v58 =	vperm.xlane v11, v1  }
0x197: {  	[tilespmem:s13+$0xFFFFFFC0] =	vst v25;
	v25 =	vld [tilespmem:s19+$0xB0];
	v61 =	vmul.f32 v9, v6;
	v6 =	vperm.xlane v13, v1  }
0x198: {  	v22 =	vmul.f32 v9, v22;
	[tilespmem:s13+$0xFFFFFF70] =	vst v14;
	v14 =	vadd.f32 v46, v12;
	v46 =	vld [tilespmem:s19+$0xA0];
	v8 =	vadd.f32 v8, v57  }
0x199: {  	[tilespmem:s13+$0xFFFFFFD0] =	vst v15;
	v57 =	vmul.f32 $3.000000120e-01, v19;
	v11 =	vadd.f32 v11, v58;
	v13 =	vadd.f32 v13, v6;
	v6 =	vld [tilespmem:s9+$0xB0]  }
0x19a: {  	v20 =	vperm.xlane v52, v1;
	[tilespmem:s13+$0x20] =	vst v38;
	v58 =	vmul.f32 $3.000000120e-01, v14  }
0x19b: {  	[tilespmem:s13+$0x30] =	vst v56;
	v56 =	vperm.xlane v18, v1;
	v19 =	vmax.f32 v19, v57;
	v11 =	vmul.f32 $1.442695020e+00, v11  }
0x19c: {  	[tilespmem:s14+$0x140] =	vst v27;
	v24 =	vmul.f32 $1.442695020e+00, v24;
	v19 =	vmul.f32 v19, v4;
	v14 =	vmax.f32 v14, v58  }
0x19d: {  	[tilespmem:s13+$0xFFFFFED0] =	vst v60;
	(erf) = vpow2.f32 v11;
	v14 =	vmul.f32 v14, v5  }
0x19e: {  	[tilespmem:s13+$0x80] =	vst v22;
	v22 =	vadd.f32 v46, v17;
	(erf) = vpow2.f32 v7;
	v25 =	vadd.f32 v25, v6  }
0x19f: {  	[tilespmem:s13+$0xFFFFFF30] =	vst v36;
	v8 =	vmul.f32 $1.442695020e+00, v8;
	(erf) = vpow2.f32 v24;
	v14 =	vadd.f32 v14, v19  }
0x1a0: {  	[tilespmem:s13+$0xFFFFFF90] =	vst v62;
	v11 =	vmul.f32 $3.000000120e-01, v22;
	v7 =	vmul.f32 $3.000000120e-01, v25  }
0x1a1: {  	[tilespmem:s13+$0xFFFFFFF0] =	vst v37;
	v13 =	vmul.f32 $1.442695020e+00, v13;
	v19 =	vadd.f32 v52, v20;
	v20 =	vperm.xlane v14, v0  }
0x1a2: {  	[tilespmem:s13+$0x50] =	vst v16;
	(erf) = vpow2.f32 v10;
	v11 =	vmax.f32 v22, v11;
	v7 =	vmax.f32 v25, v7  }
0x1a3: {  	[tilespmem:s13+$0xB0] =	vst v9;
	v10 =	vmul.f32 v11, v4;
	v11 =	vadd.f32 v14, v20;
	v7 =	vmul.f32 v7, v5  }
0x1a4: {  	[tilespmem:s13+$0x110] =	vst v21;
	v57 =	vperm.xlane v53, v1;
	(erf) = vpow2.f32 v13  }
0x1a5: {  	[tilespmem:s14+$0x170] =	vst v35;
	v18 =	vadd.f32 v18, v56;
	(erf) = vpow2.f32 v8;
	v8 =	vperm.xlane v11, v1  }
0x1a6: {  	[tilespmem:s13+$0xE0] =	vst v23;
	v9 =	vadd.f32 v53, v57  }
0x1a7: {  	v18 =	vmul.f32 $1.442695020e+00, v18;
	[tilespmem:s13+$0x90] =	vst v61;
	v8 =	vadd.f32 v11, v8;
	v10 =	vadd.f32 v7, v10;
	v7 =	vpop (erf)  }
0x1a8: {  	v11 =	vmul.f32 $1.442695020e+00, v9;
	v9 =	vmul.f32 v7, v26;
	[tilespmem:s10+$0xFFFFFEC0] =	vst v7;
	v16 =	vpop (erf)  }
0x1a9: {  	(erf) = vpow2.f32 v18;
	v8 =	vmul.f32 $1.442695020e+00, v8;
	[tilespmem:s10+$0xFFFFFF20] =	vst v16  }
0x1aa: {  	(erf) = vpow2.f32 v33;
	[tilespmem:s10+$0xFFFFFE80] =	vst v9  }
0x1ab: {  	v15 =	vperm.xlane v50, v1;
	(erf) = vpow2.f32 v8;
	v8 =	vld [tilespmem:$0x1FF70]  }
0x1ac: {  	v7 =	vmul.f32 v7, v39  }
0x1ad: {  	v14 =	vadd.f32 v50, v15;
	v15 =	vmul.f32 $1.442695020e+00, v19;
	v19 =	vmul.f32 v16, v41;
	v20 =	vpop (erf)  }
0x1ae: {  	v38 =	vperm.xlane v51, v1;
	v9 =	vmul.f32 v16, v40;
	v16 =	vpop (erf);
	[tilespmem:s10+$0xFFFFFE90] =	vst v7  }
0x1af: {  	v23 =	vmul.f32 v20, v43;
	[tilespmem:s10+$0xFFFFFEE0] =	vst v19;
	v24 =	vmul.f32 v16, v44  }
0x1b0: {  	[tilespmem:s10+$0xFFFFFEF0] =	vst v9;
	v22 =	vmul.f32 v21, v8;
	v21 =	vmul.f32 v20, v42  }
0x1b1: {  	v18 =	vperm.xlane v10, v0;
	v25 =	vmul.f32 v16, v45;
	[tilespmem:s10+$0xFFFFFF50] =	vst v23;
	v19 =	vpop (erf)  }
0x1b2: {  	v13 =	vadd.f32 v51, v38;
	v7 =	vld [tilespmem:s17+$0xFFFFFF20];
	[tilespmem:s10+$0xFFFFFFA0] =	vst v24;
	v26 =	vpop (erf);
	v27 =	vmul.f32 v19, v63;
	v45 =	vmul.f32 v19, v47  }
0x1b3: {  	[tilespmem:s10+$0xFFFFFFB0] =	vst v25;
	v47 =	vmul.f32 v26, v48;
	v48 =	vmul.f32 v26, v49;
	v49 =	vld [tilespmem:s18+$0xFFFFFF30]  }
0x1b4: {  	v13 =	vmul.f32 $1.442695020e+00, v13;
	v18 =	vadd.f32 v10, v18;
	v8 =	vld [tilespmem:s17+$0xFFFFFF30];
	[tilespmem:s10+$0xFFFFFF40] =	vst v21;
	v21 =	vpop (erf)  }
0x1b5: {  	v14 =	vmul.f32 $1.442695020e+00, v14;
	(erf) = vpow2.f32 v55;
	v25 =	vld [tilespmem:$0x1FF80];
	[tilespmem:s10+$0x0] =	vst v27;
	v33 =	vpop (erf)  }
0x1b6: {  	v46 =	vld [tilespmem:s18+$0xFFFFFF20];
	v24 =	vperm.xlane v18, v1;
	[tilespmem:s10+$0x10] =	vst v45;
	v50 =	vmul.f32 v21, v28;
	v28 =	vpop (erf)  }
0x1b7: {  	(erf) = vpow2.f32 v15;
	v10 =	vld [tilespmem:s17+$0xFFFFFF70];
	[tilespmem:s10+$0x60] =	vst v47;
	v12 =	vmul.f32 v28, v12  }
0x1b8: {  	(erf) = vpow2.f32 v14;
	v18 =	vadd.f32 v18, v24;
	v24 =	vld [tilespmem:s18+$0xFFFFFF70];
	[tilespmem:s10+$0x70] =	vst v48;
	v23 =	vmul.f32 v21, v54  }
0x1b9: {  	v9 =	vld [tilespmem:s17+$0xFFFFFF60];
	(erf) = vpow2.f32 v13;
	v13 =	vadd.f32 v49, v8;
	[tilespmem:s10+$0x150] =	vst v12  }
0x1ba: {  	v12 =	vld [tilespmem:$0x1FF90];
	[tilespmem:s10+$0xC0] =	vst v23  }
0x1bb: {  	v15 =	vld [tilespmem:s18+$0xFFFFFF60];
	(erf) = vpow2.f32 v11;
	v11 =	vmul.f32 $3.000000120e-01, v13;
	[tilespmem:s10+$0xD0] =	vst v50  }
0x1bc: {  	v14 =	vadd.f32 v46, v7;
	[tilespmem:s10+$0xFFFFFF80] =	vst v20  }
0x1bd: {  	v11 =	vmax.f32 v13, v11;
	v13 =	vadd.f32 v24, v10;
	[tilespmem:s10+$0xFFFFFFE0] =	vst v16  }
0x1be: {  	v27 =	vmul.f32 $3.000000120e-01, v14;
	v16 =	vld [tilespmem:$0x1FFA0]  }
0x1bf: {  	v18 =	vmul.f32 $1.442695020e+00, v18;
	v53 =	vld [tilespmem:s18+$0xFFFFFFE0];
	v20 =	vmul.f32 $3.000000120e-01, v13  }
0x1c0: {  	v15 =	vadd.f32 v15, v9;
	v54 =	vld [tilespmem:s18+$0xFFFFFFF0];
	v51 =	vmul.f32 v33, v12;
	v12 =	vmax.f32 v14, v27  }
0x1c1: {  	v11 =	vmul.f32 v11, v5;
	v13 =	vmax.f32 v13, v20;
	v20 =	vld [tilespmem:s18+$0xFFFFFFB0];
	v12 =	vmul.f32 v12, v4  }
0x1c2: {  	(erf) = vpow2.f32 v18;
	v18 =	vmul.f32 $3.000000120e-01, v15;
	v14 =	vld [tilespmem:s17+$0xFFFFFFA0]  }
0x1c3: {  	[tilespmem:s10+$0x40] =	vst v19;
	v24 =	vadd.f32 v11, v12;
	v12 =	vld [tilespmem:s17+$0xFFFFFFB0]  }
0x1c4: {  	v25 =	vmul.f32 v33, v25;
	v11 =	vmax.f32 v15, v18;
	v15 =	vld [tilespmem:$0x1FFB0];
	[tilespmem:s10+$0xA0] =	vst v26  }
0x1c5: {  	v23 =	vpop (erf);
	v18 =	vld [tilespmem:s18+$0xFFFFFFA0];
	[tilespmem:s10+$0x100] =	vst v21  }
0x1c6: {  	v35 =	vmul.f32 v28, v34;
	v34 =	vpop (erf);
	v19 =	vmul.f32 v11, v4;
	v11 =	vld [tilespmem:$0x1FFC0];
	[tilespmem:s14+$0xFFFFFEA0] =	vst v25  }
0x1c7: {  	v36 =	vpop (erf);
	v13 =	vmul.f32 v13, v5;
	v26 =	vperm.xlane v24, v0;
	v27 =	vld [tilespmem:$0x1FFD0]  }
0x1c8: {  	v16 =	vmul.f32 v23, v16;
	v25 =	vpop (erf);
	v38 =	vld [tilespmem:$0x1FFE0];
	[tilespmem:s14+$0xFFFFFEB0] =	vst v51  }
0x1c9: {  	v29 =	vmul.f32 v25, v29;
	v19 =	vadd.f32 v13, v19;
	v26 =	vadd.f32 v24, v26;
	v24 =	vld [tilespmem:$0x1FFF0]  }
0x1ca: {  	v30 =	vmul.f32 v25, v30;
	v13 =	vld [tilespmem:s17+$0xFFFFFFF0];
	v15 =	vmul.f32 v23, v15  }
0x1cb: {  	[tilespmem:s14+$0xFFFFFF00] =	vst v16;
	v16 =	vperm.xlane v19, v0;
	v18 =	vadd.f32 v18, v14;
	v21 =	vmul.f32 v34, v11;
	v11 =	vld [tilespmem:s17+$0xFFFFFFE0]  }
0x1cc: {  	v57 =	vld [tilespmem:s18+$0x20];
	v56 =	vadd.f32 v20, v12;
	v55 =	vperm.xlane v26, v1;
	v27 =	vmul.f32 v34, v27;
	[tilespmem:s14+$0xFFFFFF10] =	vst v15  }
0x1cd: {  	v60 =	vld [tilespmem:s18+$0x30];
	v38 =	vmul.f32 v36, v38;
	v19 =	vadd.f32 v19, v16;
	[tilespmem:s14+$0xFFFFFF60] =	vst v21;
	v21 =	vmul.f32 $3.000000120e-01, v18  }
0x1ce: {  	v15 =	vld [tilespmem:s17+$0x20];
	v26 =	vadd.f32 v26, v55;
	v52 =	vmul.f32 v36, v24;
	v24 =	vpop (erf);
	[tilespmem:s14+$0xFFFFFF70] =	vst v27;
	v27 =	vmul.f32 $3.000000120e-01, v56  }
0x1cf: {  	[tilespmem:s14+$0x20] =	vst v29;
	v16 =	vld [tilespmem:s17+$0x30];
	v40 =	vadd.f32 v54, v13;
	v59 =	vperm.xlane v19, v1;
	v31 =	vmul.f32 v24, v31;
	v20 =	vpop (erf)  }
0x1d0: {  	[tilespmem:s14+$0x30] =	vst v30;
	v32 =	vmul.f32 v24, v32;
	v58 =	vmul.f32 v20, v17;
	v39 =	vadd.f32 v53, v11  }
0x1d1: {  	v30 =	vld [tilespmem:s18+$0x70];
	[tilespmem:s14+$0xFFFFFFC0] =	vst v38;
	v17 =	vmax.f32 v18, v21;
	v18 =	vmax.f32 v56, v27;
	v21 =	vmul.f32 $1.442695020e+00, v26  }
0x1d2: {  	[tilespmem:s14+$0xFFFFFFD0] =	vst v52;
	v29 =	vadd.f32 v19, v59;
	v19 =	vmul.f32 $3.000000120e-01, v40;
	v27 =	vld [tilespmem:s18+$0x60];
	v62 =	vmul.f32 $3.000000120e-01, v39  }
0x1d3: {  	v61 =	vmul.f32 v17, v4;
	v17 =	vld [tilespmem:s17+$0x60];
	v42 =	vmul.f32 v18, v5;
	[tilespmem:s14+$0x80] =	vst v31  }
0x1d4: {  	v18 =	vld [tilespmem:s17+$0x70];
	v31 =	vadd.f32 v57, v15;
	[tilespmem:s14+$0x90] =	vst v32;
	v32 =	vadd.f32 v60, v16;
	v63 =	vmax.f32 v39, v62  }
0x1d5: {  	s30 =	simm.s32 $0x900;
	s19 =	simm.s32 $0x4700;
	s9 =	simm.s32 $0x10;
	v38 =	vmax.f32 v40, v19;
	v19 =	vld [tilespmem:s17+$0xA0];
	[tilespmem:s14+$0xE0] =	vst v58;
	v26 =	vadd.f32 v42, v61;
	v37 =	vmul.f32 v63, v4  }
.LBB2_3:
0x1d6: {  	v39 =	vld [tilespmem:s30+$0xC0];
	v38 =	vmul.f32 v38, v5;
	v41 =	vmul.f32 $3.000000120e-01, v31;
	[tilespmem:s13+$0xF0] =	vst v22;
	s13 =	smov.u32 s14;
	s14 =	smov.u32 s10  }
0x1d7: {  	v22 =	vperm.xlane v26, v0;
	s18 =	sadd.s32 $0x200, s18;
	v40 =	vld [tilespmem:s30+$0xD0];
	v42 =	vmul.f32 $3.000000120e-01, v32;
	[tilespmem:s10+$0x140] =	vst v35  }
0x1d8: {  	v35 =	vld [tilespmem:s18+$0xC0];
	v37 =	vadd.f32 v38, v37;
	v31 =	vmax.f32 v31, v41;
	v27 =	vadd.f32 v27, v17;
	[tilespmem:s13+$0xFFFFFED0] =	vst v33  }
0x1d9: {  	v33 =	vld [tilespmem:s18+$0xD0];
	v31 =	vmul.f32 v31, v4;
	v32 =	vmax.f32 v32, v42;
	v30 =	vadd.f32 v30, v18;
	[tilespmem:s13+$0xFFFFFF30] =	vst v23  }
0x1da: {  	v22 =	vadd.f32 v26, v22;
	v23 =	vld [tilespmem:s30+$0xFFFFFF10];
	v26 =	vmul.f32 v32, v5;
	v32 =	vmul.f32 $3.000000120e-01, v27;
	[tilespmem:s13+$0xFFFFFF90] =	vst v34  }
0x1db: {  	v34 =	vperm.xlane v37, v0;
	v42 =	vld [tilespmem:s18+$0xFFFFFF00];
	v38 =	vmul.f32 $3.000000120e-01, v30;
	[tilespmem:s13+$0xFFFFFFF0] =	vst v36  }
0x1dc: {  	v41 =	vperm.xlane v22, v1;
	v36 =	vld [tilespmem:s18+$0xFFFFFF10];
	v31 =	vadd.f32 v26, v31;
	v26 =	vmax.f32 v27, v32;
	[tilespmem:s13+$0x50] =	vst v25  }
0x1dd: {  	s9 =	sadd.s32 $0x8, s9;
	v32 =	vadd.f32 v37, v34;
	v25 =	vld [tilespmem:s30+$0xFFFFFF40];
	v27 =	vmul.f32 v26, v4;
	v30 =	vmax.f32 v30, v38;
	[tilespmem:s13+$0xB0] =	vst v24  }
0x1de: {  	p0 =	slt.u32 s9, $0x78;
	v34 =	vadd.f32 v35, v39;
	v26 =	vld [tilespmem:s30+$0xFFFFFF50];
	v33 =	vadd.f32 v33, v40;
	v24 =	vmul.f32 v30, v5;
	[tilespmem:s13+$0x110] =	vst v20  }
0x1df: {  	v22 =	vadd.f32 v22, v41;
	v35 =	vperm.xlane v32, v1;
	v37 =	vperm.xlane v31, v0;
	v30 =	vld [tilespmem:s18+$0xFFFFFF40];
	[tilespmem:s10+$0x170] =	vst v28  }
0x1e0: {  	v41 =	vmul.f32 $3.000000120e-01, v34;
	v38 =	vld [tilespmem:s18+$0xFFFFFF50];
	v43 =	vmul.f32 $3.000000120e-01, v33;
	v44 =	vadd.f32 v24, v27  }
0x1e1: {  	v24 =	vmul.f32 $1.442695020e+00, v29;
	v31 =	vadd.f32 v31, v37;
	v36 =	vadd.f32 v36, v23;
	v27 =	vld [tilespmem:s30+$0xFFFFFF80]  }
0x1e2: {  	v29 =	vmax.f32 v34, v41;
	v28 =	vld [tilespmem:s30+$0xFFFFFF90];
	v33 =	vmax.f32 v33, v43;
	v34 =	vperm.xlane v44, v0  }
0x1e3: {  	v37 =	vmul.f32 v29, v2;
	v41 =	vld [tilespmem:s18+$0xFFFFFF80];
	v43 =	vmul.f32 v33, v3;
	v33 =	vadd.f32 v32, v35  }
0x1e4: {  	v32 =	vmul.f32 $3.000000120e-01, v36;
	v35 =	vadd.f32 v30, v25;
	v45 =	vld [tilespmem:s18+$0xFFFFFF90];
	v34 =	vadd.f32 v44, v34  }
0x1e5: {  	v38 =	vadd.f32 v38, v26;
	v29 =	vld [tilespmem:s30+$0xFFFFFFC0];
	v43 =	vadd.f32 v43, v37;
	v37 =	vperm.xlane v31, v1  }
0x1e6: {  	v32 =	vmax.f32 v36, v32;
	v36 =	vmul.f32 $3.000000120e-01, v35;
	v30 =	vld [tilespmem:s30+$0xFFFFFFD0];
	v44 =	vperm.xlane v34, v1  }
0x1e7: {  	v46 =	vmul.f32 $3.000000120e-01, v38;
	v47 =	vld [tilespmem:s18+$0xFFFFFFC0];
	v48 =	vperm.xlane v43, v0;
	v37 =	vadd.f32 v31, v37  }
0x1e8: {  	v49 =	vmul.f32 v32, v3;
	v32 =	vmax.f32 v35, v36;
	v35 =	vadd.f32 v41, v27;
	v36 =	vld [tilespmem:s18+$0xFFFFFFD0]  }
0x1e9: {  	v38 =	vmax.f32 v38, v46;
	v45 =	vadd.f32 v45, v28;
	v31 =	vld [tilespmem:s30+$0x0];
	v43 =	vadd.f32 v43, v48  }
0x1ea: {  	v41 =	vadd.f32 v34, v44;
	v46 =	vmul.f32 v32, v2;
	v48 =	vmul.f32 $3.000000120e-01, v35;
	v32 =	vld [tilespmem:s30+$0x10]  }
0x1eb: {  	v34 =	vmul.f32 $3.000000120e-01, v45;
	v44 =	vld [tilespmem:s18+$0x0];
	v50 =	vperm.xlane v43, v1  }
0x1ec: {  	v38 =	vmul.f32 v38, v3;
	v35 =	vmax.f32 v35, v48;
	v47 =	vadd.f32 v47, v29;
	v48 =	vld [tilespmem:s18+$0x10]  }
0x1ed: {  	v45 =	vmax.f32 v45, v34;
	v36 =	vadd.f32 v36, v30;
	v34 =	vld [tilespmem:s30+$0x40];
	v43 =	vadd.f32 v43, v50  }
0x1ee: {  	v46 =	vadd.f32 v38, v46;
	v38 =	vmul.f32 v35, v2;
	v50 =	vmul.f32 $3.000000120e-01, v47;
	v35 =	vld [tilespmem:s30+$0x50]  }
0x1ef: {  	v51 =	vmul.f32 $3.000000120e-01, v36;
	v52 =	vld [tilespmem:s18+$0x40];
	v43 =	vmul.f32 $1.442695020e+00, v43  }
0x1f0: {  	v45 =	vmul.f32 v45, v3;
	v47 =	vmax.f32 v47, v50;
	v44 =	vadd.f32 v44, v31;
	v50 =	vld [tilespmem:s18+$0x50]  }
0x1f1: {  	v51 =	vmax.f32 v36, v51;
	v48 =	vadd.f32 v48, v32;
	v36 =	vld [tilespmem:s30+$0x80];
	(erf) = vpow2.f32 v43  }
0x1f2: {  	v45 =	vadd.f32 v45, v38;
	v47 =	vmul.f32 v47, v2;
	v43 =	vmul.f32 $3.000000120e-01, v44;
	v38 =	vld [tilespmem:s30+$0x90]  }
0x1f3: {  	v51 =	vmul.f32 v51, v3;
	v53 =	vmul.f32 $3.000000120e-01, v48;
	v54 =	vld [tilespmem:s18+$0x80]  }
0x1f4: {  	v55 =	vperm.xlane v46, v0;
	v44 =	vmax.f32 v44, v43;
	v52 =	vadd.f32 v52, v34;
	v56 =	vld [tilespmem:s18+$0x90]  }
0x1f5: {  	v43 =	vld [tilespmem:s30+$0xFFFFFF00];
	v57 =	vmul.f32 v44, v2;
	v44 =	vmax.f32 v48, v53;
	v48 =	vadd.f32 v50, v35  }
0x1f6: {  	v47 =	vadd.f32 v51, v47;
	v50 =	vmul.f32 v44, v3;
	v51 =	vmul.f32 $3.000000120e-01, v52;
	v44 =	vld [tilespmem:s17+$0xB0];
	s17 =	smov.u32 s30  }
0x1f7: {  	v46 =	vadd.f32 v46, v55;
	v53 =	vperm.xlane v45, v0;
	v55 =	vmul.f32 $3.000000120e-01, v48;
	v58 =	vld [tilespmem:s19+$0xA0]  }
0x1f8: {  	v50 =	vadd.f32 v50, v57;
	v51 =	vmax.f32 v52, v51;
	v52 =	vadd.f32 v54, v36;
	v54 =	vld [tilespmem:s19+$0xB0];
	s19 =	smov.u32 s18  }
0x1f9: {  	v51 =	vmul.f32 v51, v2;
	v48 =	vmax.f32 v48, v55;
	v55 =	vadd.f32 v56, v38  }
0x1fa: {  	v42 =	vadd.f32 v42, v43;
	v48 =	vmul.f32 v48, v3;
	v56 =	vmul.f32 $3.000000120e-01, v52;
	v57 =	vpop (erf)  }
0x1fb: {  	s10 =	sadd.s32 $0x300, s10;
	v45 =	vadd.f32 v45, v53;
	v53 =	vmul.f32 $3.000000120e-01, v55;
	v39 =	vmul.f32 v57, v39  }
0x1fc: {  	v40 =	vmul.f32 v57, v40;
	v59 =	vmul.f32 $3.000000120e-01, v42;
	v52 =	vmax.f32 v52, v56;
	[tilespmem:s10+$0x160] =	vst v57  }
0x1fd: {  	v48 =	vadd.f32 v48, v51;
	v51 =	vmul.f32 v52, v2;
	v52 =	vmax.f32 v55, v53;
	[tilespmem:s10+$0x120] =	vst v39  }
0x1fe: {  	v39 =	vmax.f32 v42, v59;
	v42 =	vperm.xlane v47, v0;
	v52 =	vmul.f32 v52, v3;
	[tilespmem:s10+$0x130] =	vst v40  }
0x1ff: {  	v56 =	vadd.f32 v58, v19;
	v55 =	vperm.xlane v50, v0;
	v53 =	vmul.f32 v39, v2;
	v39 =	vld [tilespmem:s30+$0xE0]  }
0x200: {  	v42 =	vadd.f32 v47, v42;
	v47 =	vperm.xlane v48, v0;
	v51 =	vadd.f32 v52, v51;
	v40 =	vld [tilespmem:s30+$0xF0]  }
0x201: {  	v50 =	vadd.f32 v50, v55;
	v52 =	vperm.xlane v46, v1;
	v49 =	vadd.f32 v49, v53;
	v53 =	vld [tilespmem:s18+$0xE0]  }
0x202: {  	v55 =	vperm.xlane v45, v1;
	v47 =	vadd.f32 v48, v47;
	v48 =	vperm.xlane v51, v0;
	v57 =	vld [tilespmem:s18+$0xF0]  }
0x203: {  	v46 =	vadd.f32 v46, v52;
	v52 =	vperm.xlane v42, v1;
	v58 =	vperm.xlane v49, v0  }
0x204: {  	v59 =	vperm.xlane v50, v1;
	v60 =	vperm.xlane v47, v1;
	v48 =	vadd.f32 v51, v48  }
0x205: {  	v45 =	vadd.f32 v45, v55;
	v46 =	vmul.f32 $1.442695020e+00, v46;
	v49 =	vadd.f32 v49, v58  }
0x206: {  	v50 =	vadd.f32 v50, v59;
	v42 =	vadd.f32 v42, v52;
	v51 =	vperm.xlane v48, v1  }
0x207: {  	v53 =	vadd.f32 v53, v39;
	v52 =	vperm.xlane v49, v1;
	v55 =	vadd.f32 v57, v40  }
0x208: {  	v45 =	vmul.f32 $1.442695020e+00, v45;
	v47 =	vadd.f32 v47, v60;
	v48 =	vadd.f32 v48, v51  }
0x209: {  	v51 =	vmul.f32 $3.000000120e-01, v53;
	v49 =	vadd.f32 v49, v52;
	v52 =	vmul.f32 $3.000000120e-01, v55  }
0x20a: {  	v54 =	vadd.f32 v54, v44;
	v50 =	vmul.f32 $1.442695020e+00, v50;
	v42 =	vmul.f32 $1.442695020e+00, v42  }
0x20b: {  	v51 =	vmax.f32 v53, v51;
	v49 =	vmul.f32 $1.442695020e+00, v49;
	v52 =	vmax.f32 v55, v52  }
0x20c: {  	v51 =	vmul.f32 v51, v4;
	v52 =	vmul.f32 v52, v5  }
0x20d: {  	v47 =	vmul.f32 $1.442695020e+00, v47;
	v48 =	vmul.f32 $1.442695020e+00, v48  }
0x20e: {  	v51 =	vadd.f32 v52, v51;
	(erf) = vpow2.f32 v49;
	v49 =	vmul.f32 $3.000000120e-01, v56  }
0x20f: {  	(erf) = vpow2.f32 v46;
	v46 =	vmul.f32 $3.000000120e-01, v54  }
0x210: {  	v52 =	vperm.xlane v51, v0;
	(erf) = vpow2.f32 v45;
	v45 =	vmax.f32 v56, v49  }
0x211: {  	(erf) = vpow2.f32 v42;
	v42 =	vmul.f32 v45, v4;
	v45 =	vmax.f32 v54, v46  }
0x212: {  	v46 =	vadd.f32 v51, v52;
	(erf) = vpow2.f32 v50;
	v45 =	vmul.f32 v45, v5  }
0x213: {  	(erf) = vpow2.f32 v47;
	v47 =	vmul.f32 $1.442695020e+00, v22  }
0x214: {  	v22 =	vperm.xlane v46, v1;
	(erf) = vpow2.f32 v48;
	v42 =	vadd.f32 v45, v42  }
0x215: {  	v37 =	vmul.f32 $1.442695020e+00, v37;
	v45 =	vmul.f32 $1.442695020e+00, v33  }
0x216: {  	v41 =	vmul.f32 $1.442695020e+00, v41;
	v49 =	vadd.f32 v46, v22;
	v46 =	vperm.xlane v42, v0  }
0x217: {  	v22 =	vmul.f32 v20, v6;
	v6 =	vmov v44;
	v48 =	vpop (erf);
	(erf) = vpow2.f32 v21  }
0x218: {  	v20 =	vmul.f32 v48, v43;
	[tilespmem:s10+$0xFFFFFEC0] =	vst v48;
	v21 =	vmul.f32 $1.442695020e+00, v49;
	v33 =	vpop (erf);
	v42 =	vadd.f32 v42, v46  }
0x219: {  	v23 =	vmul.f32 v48, v23;
	v25 =	vmul.f32 v33, v25;
	[tilespmem:s10+$0xFFFFFF20] =	vst v33;
	v43 =	vpop (erf)  }
0x21a: {  	[tilespmem:s10+$0xFFFFFE80] =	vst v20;
	v20 =	vmul.f32 v33, v26;
	v26 =	vpop (erf);
	(erf) = vpow2.f32 v21  }
0x21b: {  	v21 =	vmul.f32 v43, v27;
	[tilespmem:s10+$0xFFFFFE90] =	vst v23;
	v23 =	vmul.f32 v43, v28;
	v27 =	vpop (erf)  }
0x21c: {  	v28 =	vld [tilespmem:s30+$0xFFFFFF20];
	[tilespmem:s10+$0xFFFFFEE0] =	vst v25;
	v25 =	vmul.f32 v26, v29;
	v29 =	vmul.f32 v26, v30;
	v30 =	vpop (erf)  }
0x21d: {  	v44 =	vld [tilespmem:s30+$0xFFFFFF30];
	[tilespmem:s10+$0xFFFFFEF0] =	vst v20;
	v20 =	vmul.f32 v27, v31;
	v31 =	vmul.f32 v27, v32;
	v32 =	vpop (erf)  }
0x21e: {  	v46 =	vld [tilespmem:s18+$0xFFFFFF20];
	[tilespmem:s10+$0xFFFFFF40] =	vst v21;
	v21 =	vmul.f32 v30, v34;
	v34 =	vmul.f32 v30, v35  }
0x21f: {  	v35 =	vld [tilespmem:s18+$0xFFFFFF30];
	[tilespmem:s10+$0xFFFFFF50] =	vst v23;
	v23 =	vmul.f32 v32, v36;
	v36 =	vmul.f32 v32, v38  }
0x220: {  	v38 =	vld [tilespmem:s30+$0xFFFFFF60];
	[tilespmem:s10+$0xFFFFFFA0] =	vst v25;
	v25 =	vperm.xlane v42, v1;
	v33 =	vpop (erf);
	(erf) = vpow2.f32 v24  }
0x221: {  	v24 =	vld [tilespmem:s30+$0xFFFFFF70];
	[tilespmem:s10+$0xFFFFFFB0] =	vst v29;
	v29 =	vmul.f32 v33, v7;
	(erf) = vpow2.f32 v47;
	v7 =	vmov v28  }
0x222: {  	v47 =	vld [tilespmem:s18+$0xFFFFFF60];
	[tilespmem:s10+$0x0] =	vst v20;
	v20 =	vmul.f32 v33, v8;
	v25 =	vadd.f32 v42, v25;
	(erf) = vpow2.f32 v45;
	v8 =	vmovc v44  }
0x223: {  	v42 =	vadd.f32 v46, v7;
	v44 =	vld [tilespmem:s18+$0xFFFFFF70];
	[tilespmem:s10+$0x10] =	vst v31;
	v28 =	vpop (erf);
	(erf) = vpow2.f32 v37  }
0x224: {  	v31 =	vadd.f32 v35, v8;
	[tilespmem:s10+$0x60] =	vst v21;
	v21 =	vmul.f32 v28, v40;
	v25 =	vmul.f32 $1.442695020e+00, v25  }
0x225: {  	v35 =	vmul.f32 $3.000000120e-01, v42;
	[tilespmem:s10+$0x70] =	vst v34;
	(erf) = vpow2.f32 v41  }
0x226: {  	v34 =	vmul.f32 $3.000000120e-01, v31;
	[tilespmem:s10+$0x150] =	vst v21;
	(erf) = vpow2.f32 v25  }
0x227: {  	v21 =	vmax.f32 v42, v35;
	v25 =	vadd.f32 v47, v38;
	[tilespmem:s10+$0xC0] =	vst v23;
	v35 =	vmul.f32 v28, v39  }
0x228: {  	v21 =	vmul.f32 v21, v4;
	v42 =	vmax.f32 v31, v34;
	v31 =	vadd.f32 v44, v24;
	[tilespmem:s10+$0xD0] =	vst v36  }
0x229: {  	v41 =	vmul.f32 v42, v5;
	v37 =	vmul.f32 $3.000000120e-01, v25;
	[tilespmem:s10+$0xFFFFFF80] =	vst v43;
	v23 =	vpop (erf)  }
0x22a: {  	v39 =	vmul.f32 $3.000000120e-01, v31;
	v40 =	vld [tilespmem:s30+$0xFFFFFFA0];
	[tilespmem:s10+$0xFFFFFFE0] =	vst v26;
	v26 =	vmul.f32 v23, v9;
	v34 =	vpop (erf);
	v9 =	vmov v38  }
0x22b: {  	v21 =	vadd.f32 v41, v21;
	v41 =	vmax.f32 v25, v37;
	v37 =	vld [tilespmem:s30+$0xFFFFFFB0];
	[tilespmem:s10+$0x40] =	vst v27;
	v27 =	vmul.f32 v23, v10;
	v36 =	vpop (erf)  }
0x22c: {  	v38 =	vmul.f32 v41, v4;
	v42 =	vmax.f32 v31, v39;
	v31 =	vld [tilespmem:s18+$0xFFFFFFA0];
	[tilespmem:s10+$0xA0] =	vst v30;
	v30 =	vmul.f32 v34, v14;
	v25 =	vpop (erf)  }
0x22d: {  	v10 =	vmov v24;
	v44 =	vperm.xlane v21, v0;
	v39 =	vmul.f32 v42, v5;
	v41 =	vld [tilespmem:s18+$0xFFFFFFB0];
	[tilespmem:s10+$0x100] =	vst v32  }
0x22e: {  	v32 =	vmul.f32 v36, v11;
	[tilespmem:s14+$0xFFFFFEA0] =	vst v29;
	v29 =	vmul.f32 v34, v12;
	v11 =	vld [tilespmem:s30+$0xFFFFFFE0];
	v24 =	vpop (erf)  }
0x22f: {  	v21 =	vadd.f32 v21, v44;
	v38 =	vadd.f32 v39, v38;
	[tilespmem:s14+$0xFFFFFEB0] =	vst v20;
	v39 =	vmul.f32 v36, v13;
	v13 =	vld [tilespmem:s30+$0xFFFFFFF0];
	v20 =	vpop (erf)  }
0x230: {  	v43 =	vmul.f32 v25, v16;
	v14 =	vmovc v40;
	v42 =	vld [tilespmem:s18+$0xFFFFFFE0];
	[tilespmem:s14+$0xFFFFFF00] =	vst v26;
	v26 =	vmul.f32 v25, v15;
	v12 =	vmov v37  }
0x231: {  	v16 =	vperm.xlane v21, v1;
	v37 =	vperm.xlane v38, v0;
	v31 =	vadd.f32 v31, v14;
	v40 =	vld [tilespmem:s18+$0xFFFFFFF0];
	[tilespmem:s14+$0xFFFFFF10] =	vst v27  }
0x232: {  	v27 =	vadd.f32 v41, v12;
	v15 =	vld [tilespmem:s30+$0x20];
	[tilespmem:s14+$0xFFFFFF60] =	vst v30;
	v30 =	vmul.f32 v24, v17;
	v41 =	vmul.f32 v24, v18  }
0x233: {  	v21 =	vadd.f32 v21, v16;
	v18 =	vadd.f32 v38, v37;
	v17 =	vmul.f32 $3.000000120e-01, v31;
	v16 =	vld [tilespmem:s30+$0x30];
	[tilespmem:s14+$0xFFFFFF70] =	vst v29  }
0x234: {  	v44 =	vmul.f32 v20, v19;
	v29 =	vmul.f32 $3.000000120e-01, v27;
	v37 =	vld [tilespmem:s18+$0x20];
	[tilespmem:s14+$0xFFFFFFC0] =	vst v32  }
0x235: {  	v19 =	vperm.xlane v18, v1;
	v17 =	vmax.f32 v31, v17;
	v31 =	vadd.f32 v42, v11;
	v32 =	vld [tilespmem:s18+$0x30];
	[tilespmem:s14+$0xFFFFFFD0] =	vst v39  }
.Ltmp0:
0x236: {  	v38 =	vmul.f32 v17, v4;
	v27 =	vmax.f32 v27, v29;
	v39 =	vadd.f32 v40, v13;
	v17 =	vld [tilespmem:s30+$0x60];
	[tilespmem:s14+$0x20] =	vst v26;
	(pc) =	sbr.rel @p0 .LBB2_3-.Ltmp0, $4  }
0x237: {  	v29 =	vadd.f32 v18, v19;
	v19 =	vmul.f32 v27, v5;
	v40 =	vmul.f32 $3.000000120e-01, v31;
	v18 =	vld [tilespmem:s30+$0x70];
	[tilespmem:s14+$0x30] =	vst v43  }
0x238: {  	v21 =	vmul.f32 $1.442695020e+00, v21;
	v42 =	vmul.f32 $3.000000120e-01, v39;
	v27 =	vld [tilespmem:s18+$0x60];
	[tilespmem:s14+$0x80] =	vst v30  }
0x239: {  	v26 =	vadd.f32 v19, v38;
	v19 =	vmax.f32 v31, v40;
	v31 =	vadd.f32 v37, v15;
	v30 =	vld [tilespmem:s18+$0x70];
	[tilespmem:s14+$0x90] =	vst v41  }
0x23a: {  	s30 =	sadd.s32 $0x200, s30;
	v37 =	vmul.f32 v19, v4;
	v38 =	vmax.f32 v39, v42;
	v32 =	vadd.f32 v32, v16;
	v19 =	vld [tilespmem:s17+$0xA0];
	[tilespmem:s14+$0xE0] =	vst v44  }
0x23b: {  	v40 =	vmul.f32 $3.000000120e-01, v31  }
0x23c: {  	v39 =	vld [tilespmem:s17+$0xB0];
	v38 =	vmul.f32 v38, v5;
	v42 =	vperm.xlane v26, v0  }
0x23d: {  	v41 =	vld [tilespmem:s19+$0xA0];
	(erf) = vpow2.f32 v21;
	v29 =	vmul.f32 $1.442695020e+00, v29  }
0x23e: {  	v43 =	vld [tilespmem:s19+$0xB0];
	v44 =	vmul.f32 $3.000000120e-01, v32;
	v27 =	vadd.f32 v27, v17;
	v37 =	vadd.f32 v38, v37  }
0x23f: {  	v31 =	vmax.f32 v31, v40;
	v26 =	vadd.f32 v26, v42;
	v30 =	vadd.f32 v30, v18  }
0x240: {  	v31 =	vmul.f32 v31, v4;
	v32 =	vmax.f32 v32, v44;
	v48 =	vmul.f32 $3.000000120e-01, v27  }
0x241: {  	v32 =	vmul.f32 v32, v5;
	v49 =	vmul.f32 $3.000000120e-01, v30  }
0x242: {  	v50 =	vperm.xlane v37, v0;
	v55 =	vperm.xlane v26, v1;
	v51 =	vadd.f32 v41, v19  }
0x243: {  	v52 =	vadd.f32 v43, v39;
	v27 =	vmax.f32 v27, v48;
	v30 =	vmax.f32 v30, v49  }
0x244: {  	v31 =	vadd.f32 v32, v31;
	v27 =	vmul.f32 v27, v4;
	v30 =	vmul.f32 v30, v5  }
0x245: {  	(erf) = vpow2.f32 v29;
	v37 =	vadd.f32 v37, v50;
	v26 =	vadd.f32 v26, v55  }
0x246: {  	v53 =	vmul.f32 $3.000000120e-01, v51;
	v54 =	vmul.f32 $3.000000120e-01, v52;
	v27 =	vadd.f32 v30, v27  }
0x247: {  	[tilespmem:s13+$0xF0] =	vst v22;
	v56 =	vperm.xlane v31, v0;
	v21 =	vperm.xlane v37, v1  }
0x248: {  	[tilespmem:s10+$0x140] =	vst v35;
	v26 =	vmul.f32 $1.442695020e+00, v26;
	v57 =	vmax.f32 v52, v54;
	v58 =	vperm.xlane v27, v0  }
0x249: {  	[tilespmem:s14+$0xFFFFFED0] =	vst v33;
	v30 =	vmax.f32 v51, v53;
	v32 =	vmul.f32 v57, v5;
	v31 =	vadd.f32 v31, v56  }
0x24a: {  	(erf) = vpow2.f32 v26;
	[tilespmem:s14+$0xFFFFFF30] =	vst v23;
	v30 =	vmul.f32 v30, v4;
	v27 =	vadd.f32 v27, v58  }
0x24b: {  	v21 =	vadd.f32 v37, v21;
	[tilespmem:s14+$0xFFFFFF90] =	vst v34  }
0x24c: {  	[tilespmem:s14+$0xFFFFFFF0] =	vst v36;
	v59 =	vperm.xlane v31, v1;
	v30 =	vadd.f32 v32, v30;
	v29 =	vperm.xlane v27, v1  }
0x24d: {  	[tilespmem:s14+$0x50] =	vst v25;
	v21 =	vmul.f32 $1.442695020e+00, v21  }
0x24e: {  	[tilespmem:s14+$0xB0] =	vst v24;
	v31 =	vadd.f32 v31, v59;
	v22 =	vperm.xlane v30, v0;
	v26 =	vadd.f32 v27, v29  }
0x24f: {  	v6 =	vmul.f32 v20, v6;
	[tilespmem:s14+$0x110] =	vst v20;
	(erf) = vpow2.f32 v21  }
0x250: {  	[tilespmem:s10+$0x170] =	vst v28;
	v25 =	vpop (erf);
	v23 =	vmul.f32 $1.442695020e+00, v31;
	v22 =	vadd.f32 v30, v22;
	v21 =	vmul.f32 $1.442695020e+00, v26  }
0x251: {  	[tilespmem:s14+$0xF0] =	vst v6;
	v7 =	vmul.f32 v25, v7;
	v8 =	vmul.f32 v25, v8  }
0x252: {  	[tilespmem:s10+$0xFFFFFED0] =	vst v25;
	(erf) = vpow2.f32 v23;
	v27 =	vperm.xlane v22, v1  }
0x253: {  	[tilespmem:s10+$0xFFFFFEA0] =	vst v7  }
0x254: {  	[tilespmem:s10+$0xFFFFFEB0] =	vst v8;
	v22 =	vadd.f32 v22, v27;
	(erf) = vpow2.f32 v21;
	v21 =	vpop (erf)  }
0x255: {  	v9 =	vmul.f32 v21, v9;
	v7 =	vpop (erf);
	[tilespmem:s10+$0xFFFFFF30] =	vst v21  }
0x256: {  	v22 =	vmul.f32 $1.442695020e+00, v22;
	v10 =	vmul.f32 v21, v10;
	[tilespmem:s10+$0xFFFFFF90] =	vst v7  }
0x257: {  	v8 =	vmul.f32 v7, v14;
	[tilespmem:s10+$0xFFFFFF00] =	vst v9  }
0x258: {  	(erf) = vpow2.f32 v22;
	v12 =	vmul.f32 v7, v12;
	[tilespmem:s10+$0xFFFFFF10] =	vst v10  }
0x259: {  	[tilespmem:s10+$0xFFFFFF60] =	vst v8  }
0x25a: {  	[tilespmem:s10+$0xFFFFFF70] =	vst v12;
	v9 =	vpop (erf)  }
0x25b: {  	v10 =	vmul.f32 v9, v11;
	v8 =	vpop (erf);
	[tilespmem:s10+$0xFFFFFFF0] =	vst v9  }
0x25c: {  	v11 =	vmul.f32 v9, v13;
	[tilespmem:s10+$0x50] =	vst v8  }
0x25d: {  	v12 =	vmul.f32 v8, v15;
	[tilespmem:s10+$0xFFFFFFC0] =	vst v10  }
0x25e: {  	v13 =	vmul.f32 v8, v16;
	[tilespmem:s10+$0xFFFFFFD0] =	vst v11  }
0x25f: {  	[tilespmem:s10+$0x20] =	vst v12  }
0x260: {  	[tilespmem:s10+$0x30] =	vst v13;
	v10 =	vpop (erf)  }
0x261: {  	v11 =	vmul.f32 v10, v17;
	v12 =	vpop (erf);
	[tilespmem:s10+$0xB0] =	vst v10  }
0x262: {  	v14 =	vmul.f32 v10, v18;
	[tilespmem:s10+$0x110] =	vst v12  }
0x263: {  	v13 =	vmul.f32 v12, v19;
	[tilespmem:s10+$0x80] =	vst v11  }
0x264: {  	v6 =	vmul.f32 v12, v39;
	[tilespmem:s10+$0x90] =	vst v14  }
0x265: {  	[tilespmem:s10+$0xE0] =	vst v13  }
0x266: {  	[tilespmem:s10+$0xF0] =	vst v6  }
0x267: {  	[spmem:s3] =	stream.indirect.scatter.add.f32 [tilespmem:s21], [sflag:$0x5], $0x60, s2, s23, $0xb8;
	[tilespmem:$0x19FC0] =	vst v63  }
0x268: {  	_ =	swait.ge [sflag:s20], $0x3000  }
0x269: {  	[sflag:s20] =	ssyncset.done $0x0  }
0x26a: {  	[sflag:s20] =	ssyncadd.s32 $0xFFFFD000  }
0x26b: {  	_ =	swait.ge [sflag:s25], $0x80  }
0x26c: {  	[sflag:s25] =	ssyncset.done $0x0  }
0x26d: {  	[sflag:s25] =	ssyncadd.s32 $0xFFFFFF80  }
0x26e: {  	_ =	swait.ge [sflag:s25], $0x80  }
0x26f: {  	[sflag:s25] =	ssyncset.done $0x0  }
0x270: {  	[sflag:s25] =	ssyncadd.s32 $0xFFFFFF80  }
0x271: {  	[tilespmem:s26], [sflag:$0x3] =	stream.indirect.gather [hbm4b:s1+s23], $0x40, s4, s23, $0xb8;
	[tilespmem:$0x19FC0] =	vst v63  }
0x272: {  	_ = 	snop  }
0x273: {  	[tilespmem:s28], [sflag:$0x3] =	stream.indirect.gather [hbm4b:s5+s23], $0x40, s22, s23, $0xb8;
	[tilespmem:$0x19FC0] =	vst v63  }
0x274: {  	_ =	swait.ge [sflag:s8], $0x2000  }
0x275: {  	[sflag:s8] =	ssyncset.done $0x0  }
0x276: {  	[sflag:s8] =	ssyncadd.s32 $0xFFFFE000  }
0x277: {  	_ =	swait.ge [sflag:s8], $0x2000  }
0x278: {  	[sflag:s8] =	ssyncset.done $0x0  }
0x279: {  	[sflag:s8] =	ssyncadd.s32 $0xFFFFE000  }
0x27a: {  	v6 =	vld [tilespmem:$0x180]  }
0x27b: {  	v7 =	vld [tilespmem:$0x190]  }
0x27c: {  	v8 =	vld [tilespmem:$0x1A0]  }
0x27d: {  	v9 =	vld [tilespmem:$0x1B0]  }
0x27e: {  	v10 =	vld [tilespmem:$0x1C0]  }
0x27f: {  	[tilespmem:$0xB200] =	vst v6;
	v6 =	vld [tilespmem:$0x1D0]  }
0x280: {  	[tilespmem:$0xB210] =	vst v7;
	v7 =	vld [tilespmem:$0x1E0]  }
0x281: {  	[tilespmem:$0xB220] =	vst v8;
	v8 =	vld [tilespmem:$0x1F0]  }
0x282: {  	[tilespmem:$0xB230] =	vst v9  }
0x283: {  	s9 =	smin.u32 s12, $0x4C;
	[tilespmem:$0xB240] =	vst v10  }
0x284: {  	s9 =	sadd.s32 s9, s16;
	[tilespmem:$0xB250] =	vst v6  }
0x285: {  	s9 =	sshll.u32 s9, $0x4;
	[tilespmem:$0xB260] =	vst v7  }
0x286: {  	s14 =	sadd.s32 s6, s9;
	[tilespmem:$0xB270] =	vst v8  }
0x287: {  	[tilespmem:s23], [sflag:$0x2] =	stream.linear.gather [hbm4b:s14+s4], $0x80, $0x38;
	[tilespmem:$0x19FC0] =	vst v63  }
0x288: {  	s17 =	simm.s32 $0x23F0;
	s9 =	sadd.s32 s7, s9  }
0x289: {  	[tilespmem:s24], [sflag:$0x2] =	stream.linear.gather [hbm4b:s9+s4], $0x80, $0x38;
	[tilespmem:$0x19FC0] =	vst v63  }
0x28a: {  	v6 =	vld [tilespmem:s17+$0xFFFFFFD0]  }
0x28b: {  	s19 =	simm.s32 $0x63F0;
	v7 =	vld [tilespmem:s17+$0xFFFFFFE0]  }
0x28c: {  	v9 =	vld [tilespmem:s19+$0xFFFFFFD0]  }
0x28d: {  	v10 =	vld [tilespmem:s19+$0xFFFFFFE0]  }
0x28e: {  	v12 =	vld [tilespmem:s17+$0xFFFFFE20]  }
0x28f: {  	v13 =	vld [tilespmem:s19+$0xFFFFFE10]  }
0x290: {  	v14 =	vld [tilespmem:s19+$0xFFFFFE20]  }
0x291: {  	v8 =	vld [tilespmem:s17+$0xFFFFFE50]  }
0x292: {  	v11 =	vld [tilespmem:s17+$0xFFFFFE60]  }
0x293: {  	v16 =	vld [tilespmem:s19+$0xFFFFFE50];
	v9 =	vadd.f32 v9, v6;
	v10 =	vadd.f32 v10, v7  }
0x294: {  	v18 =	vld [tilespmem:s19+$0xFFFFFE60]  }
0x295: {  	v15 =	vld [tilespmem:s17+$0xFFFFFE90];
	v19 =	vmul.f32 $3.000000120e-01, v9;
	v20 =	vmul.f32 $3.000000120e-01, v10  }
0x296: {  	v17 =	vld [tilespmem:s17+$0xFFFFFEA0]  }
0x297: {  	v21 =	vld [tilespmem:s19+$0xFFFFFE90];
	v9 =	vmax.f32 v9, v19;
	v10 =	vmax.f32 v10, v20  }
0x298: {  	v24 =	vld [tilespmem:s19+$0xFFFFFED0];
	v14 =	vadd.f32 v14, v12;
	v20 =	vmul.f32 v9, v2;
	v22 =	vmul.f32 v10, v3  }
0x299: {  	v19 =	vld [tilespmem:s19+$0xFFFFFEA0]  }
0x29a: {  	v28 =	vld [tilespmem:s19+$0xFFFFFEE0];
	v16 =	vadd.f32 v16, v8;
	v23 =	vmul.f32 $3.000000120e-01, v14;
	v20 =	vadd.f32 v22, v20  }
0x29b: {  	v18 =	vadd.f32 v18, v11;
	v10 =	vld [tilespmem:s17+$0xFFFFFED0]  }
0x29c: {  	v14 =	vmax.f32 v14, v23;
	v23 =	vmul.f32 $3.000000120e-01, v16;
	v22 =	vld [tilespmem:s17+$0xFFFFFE10];
	v26 =	vperm.xlane v20, v0  }
0x29d: {  	v27 =	vadd.f32 v21, v15;
	v21 =	vld [tilespmem:s17+$0xFFFFFF10];
	v25 =	vmul.f32 $3.000000120e-01, v18;
	v29 =	vmul.f32 v14, v3  }
0x29e: {  	v9 =	vld [tilespmem:s17+$0xFFFFFEE0];
	v14 =	vmax.f32 v16, v23;
	v16 =	vadd.f32 v19, v17;
	v19 =	vadd.f32 v20, v26  }
0x29f: {  	v18 =	vmax.f32 v18, v25;
	v23 =	vmul.f32 v14, v2;
	v14 =	vld [tilespmem:s17+$0xFFFFFF20];
	v20 =	vmul.f32 $3.000000120e-01, v27  }
0x2a0: {  	v18 =	vmul.f32 v18, v3;
	v24 =	vadd.f32 v24, v10;
	v26 =	vld [tilespmem:s19+$0xFFFFFF10];
	v30 =	vperm.xlane v19, v1  }
0x2a1: {  	v25 =	vmul.f32 $3.000000120e-01, v16;
	v13 =	vadd.f32 v13, v22;
	v20 =	vmax.f32 v27, v20;
	v27 =	vld [tilespmem:s19+$0xFFFFFF20]  }
0x2a2: {  	v23 =	vadd.f32 v18, v23;
	v19 =	vadd.f32 v19, v30  }
0x2a3: {  	v60 =	vmul.f32 $3.000000120e-01, v24;
	v25 =	vmax.f32 v16, v25;
	v31 =	vmul.f32 $3.000000120e-01, v13  }
0x2a4: {  	v28 =	vadd.f32 v28, v9;
	v16 =	vld [tilespmem:s17+$0xFFFFFF50];
	v25 =	vmul.f32 v25, v3;
	v18 =	vmul.f32 $1.442695020e+00, v19  }
0x2a5: {  	v30 =	vmul.f32 v20, v2;
	v13 =	vmax.f32 v13, v31;
	v31 =	vld [tilespmem:s19+$0xFFFFFF50];
	v26 =	vadd.f32 v26, v21  }
0x2a6: {  	v13 =	vmul.f32 v13, v2;
	v27 =	vadd.f32 v27, v14;
	(erf) = vpow2.f32 v18  }
0x2a7: {  	v61 =	vmul.f32 $3.000000120e-01, v28;
	v24 =	vmax.f32 v24, v60;
	v25 =	vadd.f32 v25, v30  }
0x2a8: {  	v13 =	vadd.f32 v29, v13;
	v29 =	vmul.f32 $3.000000120e-01, v26;
	v30 =	vmul.f32 $3.000000120e-01, v27  }
0x2a9: {  	v28 =	vmax.f32 v28, v61;
	v24 =	vmul.f32 v24, v2;
	v18 =	vld [tilespmem:s17+$0xFFFFFFA0]  }
0x2aa: {  	v26 =	vmax.f32 v26, v29;
	v29 =	vadd.f32 v31, v16;
	v31 =	vld [tilespmem:s19+$0xFFFFFFA0];
	v27 =	vmax.f32 v27, v30  }
0x2ab: {  	v62 =	vld [tilespmem:s19+$0xFFFFFF60];
	v28 =	vmul.f32 v28, v3;
	v27 =	vmul.f32 v27, v3  }
0x2ac: {  	v20 =	vld [tilespmem:s17+$0xFFFFFF60];
	v36 =	vperm.xlane v13, v0  }
0x2ad: {  	v24 =	vadd.f32 v28, v24;
	v26 =	vmul.f32 v26, v2;
	v28 =	vmul.f32 $3.000000120e-01, v29  }
0x2ae: {  	v37 =	vperm.xlane v23, v0;
	v13 =	vadd.f32 v13, v36  }
0x2af: {  	v28 =	vmax.f32 v29, v28;
	v26 =	vadd.f32 v27, v26;
	v29 =	vadd.f32 v31, v18;
	v27 =	vpop (erf)  }
0x2b0: {  	s12 =	simm.s32 $0x8380;
	v23 =	vadd.f32 v23, v37;
	v38 =	vperm.xlane v13, v1;
	v6 =	vmul.f32 v27, v6  }
0x2b1: {  	v30 =	vadd.f32 v62, v20;
	v42 =	vmul.f32 $3.000000120e-01, v29;
	v7 =	vmul.f32 v27, v7;
	[tilespmem:s12+$0x160] =	vst v27  }
0x2b2: {  	v13 =	vadd.f32 v13, v38;
	[tilespmem:s12+$0x120] =	vst v6  }
0x2b3: {  	v41 =	vperm.xlane v23, v1;
	v40 =	vmul.f32 $3.000000120e-01, v30;
	v6 =	vmax.f32 v29, v42;
	[tilespmem:s12+$0x130] =	vst v7  }
0x2b4: {  	v13 =	vmul.f32 $1.442695020e+00, v13;
	v29 =	vmul.f32 v6, v3;
	v6 =	vld [tilespmem:s17+$0xFFFFFFF0]  }
0x2b5: {  	v28 =	vmul.f32 v28, v2;
	v30 =	vmax.f32 v30, v40  }
0x2b6: {  	v63 =	vld [tilespmem:s19+$0xFFFFFF90];
	v23 =	vadd.f32 v23, v41;
	(erf) = vpow2.f32 v13;
	v13 =	vmul.f32 v30, v3  }
0x2b7: {  	v19 =	vld [tilespmem:s17+$0xFFFFFF90]  }
0x2b8: {  	v23 =	vmul.f32 $1.442695020e+00, v23;
	v13 =	vadd.f32 v13, v28;
	v28 =	vperm.xlane v24, v0  }
0x2b9: {  	[tilespmem:$0x1FD30] =	vst v6  }
0x2ba: {  	(erf) = vpow2.f32 v23;
	v23 =	vperm.xlane v26, v0;
	v24 =	vadd.f32 v24, v28;
	v7 =	vld [tilespmem:s17+$0x0];
	_ =	sdelay $0x1  }
0x2bb: {  	v33 =	vadd.f32 v63, v19;
	v23 =	vadd.f32 v26, v23;
	v26 =	vperm.xlane v24, v1;
	_ =	sdelay $0x1  }
0x2bc: {  	v31 =	vmul.f32 $3.000000120e-01, v33  }
0x2bd: {  	[tilespmem:$0x1FD20] =	vst v7  }
0x2be: {  	v39 =	vperm.xlane v25, v0;
	v27 =	vmax.f32 v33, v31;
	v24 =	vadd.f32 v24, v26;
	v26 =	vpop (erf);
	v31 =	vld [tilespmem:s19+$0xFFFFFFF0]  }
0x2bf: {  	v22 =	vmul.f32 v26, v22  }
0x2c0: {  	v25 =	vadd.f32 v25, v39;
	v27 =	vmul.f32 v27, v2;
	v12 =	vmul.f32 v26, v12;
	[tilespmem:s12+$0xFFFFFEC0] =	vst v26  }
0x2c1: {  	[tilespmem:s12+$0xFFFFFE80] =	vst v22  }
0x2c2: {  	v30 =	vperm.xlane v25, v1;
	v27 =	vadd.f32 v29, v27;
	v29 =	vld [tilespmem:s19+$0x0];
	[tilespmem:s12+$0xFFFFFE90] =	vst v12  }
0x2c3: {  	v31 =	vadd.f32 v31, v6;
	v6 =	vld [tilespmem:s17+$0xFFFFFE30]  }
0x2c4: {  	v25 =	vadd.f32 v25, v30;
	_ =	sdelay $0x1  }
0x2c5: {  	v25 =	vmul.f32 $1.442695020e+00, v25  }
0x2c6: {  	v24 =	vmul.f32 $1.442695020e+00, v24  }
0x2c7: {  	(erf) = vpow2.f32 v25;
	v25 =	vadd.f32 v29, v7;
	v29 =	vpop (erf);
	[tilespmem:$0x1FD40] =	vst v6  }
0x2c8: {  	(erf) = vpow2.f32 v24;
	v24 =	vmul.f32 v29, v8;
	v8 =	vld [tilespmem:s17+$0xFFFFFE40];
	_ =	sdelay $0x3  }
0x2c9: {  	[tilespmem:s12+$0xFFFFFF20] =	vst v29  }
0x2ca: {  	v11 =	vmul.f32 v29, v11;
	[tilespmem:$0x1FD50] =	vst v8  }
0x2cb: {  	[tilespmem:s12+$0xFFFFFEE0] =	vst v24  }
0x2cc: {  	v30 =	vperm.xlane v23, v1;
	[tilespmem:s12+$0xFFFFFEF0] =	vst v11  }
0x2cd: {  	v11 =	vld [tilespmem:s17+$0xFFFFFE70]  }
0x2ce: {  	v23 =	vadd.f32 v23, v30;
	_ =	sdelay $0x1  }
0x2cf: {  	v28 =	vperm.xlane v13, v0;
	v23 =	vmul.f32 $1.442695020e+00, v23  }
0x2d0: {  	v24 =	vld [tilespmem:s19+$0xFFFFFE30]  }
0x2d1: {  	v13 =	vadd.f32 v13, v28;
	v28 =	vperm.xlane v27, v0;
	(erf) = vpow2.f32 v23;
	v23 =	vld [tilespmem:s19+$0xFFFFFE40];
	[tilespmem:$0x1FD60] =	vst v11  }
0x2d2: {  	v26 =	vmul.f32 $3.000000120e-01, v31;
	v7 =	vld [tilespmem:s17+$0xFFFFFE80]  }
0x2d3: {  	v22 =	vmul.f32 $3.000000120e-01, v25  }
0x2d4: {  	v26 =	vmax.f32 v31, v26  }
0x2d5: {  	v22 =	vmax.f32 v25, v22;
	v25 =	vmul.f32 v26, v4;
	v26 =	vadd.f32 v27, v28;
	v28 =	vpop (erf)  }
0x2d6: {  	v15 =	vmul.f32 v28, v15  }
0x2d7: {  	v17 =	vmul.f32 v28, v17;
	[tilespmem:$0x1FD70] =	vst v7  }
0x2d8: {  	v22 =	vmul.f32 v22, v5;
	[tilespmem:s12+$0xFFFFFF40] =	vst v15  }
0x2d9: {  	[tilespmem:s12+$0xFFFFFF50] =	vst v17  }
0x2da: {  	v22 =	vadd.f32 v22, v25;
	v25 =	vperm.xlane v26, v1;
	[tilespmem:s12+$0xFFFFFF80] =	vst v28  }
0x2db: {  	v24 =	vadd.f32 v24, v6;
	v6 =	vld [tilespmem:s17+$0xFFFFFEB0]  }
0x2dc: {  	v25 =	vadd.f32 v26, v25;
	v26 =	vld [tilespmem:s19+$0xFFFFFE80];
	_ =	sdelay $0x1  }
0x2dd: {  	v43 =	vperm.xlane v13, v1;
	_ =	sdelay $0x1  }
0x2de: {  	v27 =	vadd.f32 v13, v43;
	v30 =	vld [tilespmem:s19+$0xFFFFFE70];
	[tilespmem:$0x1FD80] =	vst v6  }
0x2df: {  	v26 =	vadd.f32 v26, v7;
	v7 =	vld [tilespmem:s17+$0xFFFFFEC0]  }
0x2e0: {  	v27 =	vmul.f32 $1.442695020e+00, v27;
	v15 =	vmul.f32 $1.442695020e+00, v25;
	v25 =	vpop (erf)  }
0x2e1: {  	v10 =	vmul.f32 v25, v10  }
0x2e2: {  	(erf) = vpow2.f32 v27  }
0x2e3: {  	(erf) = vpow2.f32 v15;
	v15 =	vmul.f32 v25, v9;
	[tilespmem:s12+$0xFFFFFFA0] =	vst v10  }
0x2e4: {  	[tilespmem:$0x1FD90] =	vst v7  }
0x2e5: {  	[tilespmem:s12+$0xFFFFFFB0] =	vst v15  }
0x2e6: {  	[tilespmem:s12+$0xFFFFFFE0] =	vst v25  }
0x2e7: {  	v23 =	vadd.f32 v23, v8;
	v8 =	vld [tilespmem:s17+$0xFFFFFEF0];
	_ =	sdelay $0x1  }
0x2e8: {  	v29 =	vperm.xlane v22, v0;
	_ =	sdelay $0x1  }
0x2e9: {  	v22 =	vadd.f32 v22, v29;
	v29 =	vadd.f32 v30, v11;
	v30 =	vld [tilespmem:s19+$0xFFFFFEB0]  }
0x2ea: {  	v25 =	vld [tilespmem:s19+$0xFFFFFEC0];
	[tilespmem:$0x1FDA0] =	vst v8  }
0x2eb: {  	v9 =	vld [tilespmem:s17+$0xFFFFFF00]  }
0x2ec: {  	v27 =	vpop (erf)  }
0x2ed: {  	v21 =	vmul.f32 v27, v21;
	_ =	sdelay $0x1  }
0x2ee: {  	v44 =	vmul.f32 v27, v14;
	[tilespmem:s12+$0x0] =	vst v21  }
0x2ef: {  	[tilespmem:$0x1FDB0] =	vst v9  }
0x2f0: {  	[tilespmem:s12+$0x10] =	vst v44  }
0x2f1: {  	[tilespmem:s12+$0x40] =	vst v27  }
0x2f2: {  	v28 =	vmul.f32 $3.000000120e-01, v24;
	v11 =	vld [tilespmem:s17+$0xFFFFFF30];
	_ =	sdelay $0x1  }
0x2f3: {  	v24 =	vmax.f32 v24, v28;
	v28 =	vmul.f32 $3.000000120e-01, v29;
	v15 =	vmul.f32 $3.000000120e-01, v23;
	_ =	sdelay $0x1  }
0x2f4: {  	v15 =	vmax.f32 v23, v15;
	v23 =	vmax.f32 v29, v28;
	v29 =	vld [tilespmem:s19+$0xFFFFFEF0]  }
0x2f5: {  	v27 =	vld [tilespmem:s19+$0xFFFFFF00];
	[tilespmem:$0x1FDC0] =	vst v11  }
0x2f6: {  	v10 =	vld [tilespmem:s17+$0xFFFFFF40]  }
0x2f7: {  	v28 =	vpop (erf)  }
0x2f8: {  	v17 =	vperm.xlane v22, v1;
	v16 =	vmul.f32 v28, v16  }
0x2f9: {  	v24 =	vmul.f32 v24, v4  }
0x2fa: {  	v22 =	vadd.f32 v22, v17;
	v20 =	vmul.f32 v28, v20;
	v21 =	vmul.f32 v15, v5;
	[tilespmem:s12+$0x60] =	vst v16  }
0x2fb: {  	[tilespmem:$0x1FDD0] =	vst v10  }
0x2fc: {  	v21 =	vadd.f32 v21, v24;
	v24 =	vmul.f32 $1.442695020e+00, v22;
	[tilespmem:s12+$0x70] =	vst v20  }
0x2fd: {  	[tilespmem:s12+$0xA0] =	vst v28  }
0x2fe: {  	v31 =	vmul.f32 $3.000000120e-01, v26;
	(erf) = vpow2.f32 v24;
	v24 =	vadd.f32 v25, v7;
	v7 =	vld [tilespmem:s17+$0xFFFFFF70];
	_ =	sdelay $0x1  }
0x2ff: {  	v26 =	vmax.f32 v26, v31  }
0x300: {  	v26 =	vmul.f32 v26, v5;
	v23 =	vmul.f32 v23, v4  }
0x301: {  	v31 =	vld [tilespmem:s19+$0xFFFFFF30]  }
0x302: {  	v23 =	vadd.f32 v26, v23;
	v25 =	vld [tilespmem:s19+$0xFFFFFF40];
	[tilespmem:$0x1FDE0] =	vst v7  }
0x303: {  	v30 =	vadd.f32 v30, v6;
	v6 =	vld [tilespmem:s17+$0xFFFFFF80]  }
0x304: {  	v26 =	vperm.xlane v23, v0;
	v20 =	vperm.xlane v21, v0;
	_ =	sdelay $0x1  }
0x305: {  	v20 =	vadd.f32 v21, v20;
	v21 =	vadd.f32 v23, v26;
	v23 =	vmul.f32 $3.000000120e-01, v30  }
0x306: {  	v28 =	vadd.f32 v29, v8;
	v26 =	vmul.f32 $3.000000120e-01, v24  }
0x307: {  	v29 =	vperm.xlane v20, v1;
	v23 =	vmax.f32 v30, v23;
	[tilespmem:$0x1FDF0] =	vst v6  }
0x308: {  	v24 =	vmax.f32 v24, v26;
	v26 =	vadd.f32 v27, v9;
	v27 =	vmul.f32 $3.000000120e-01, v28;
	v30 =	vld [tilespmem:s19+$0xFFFFFF70]  }
0x309: {  	s30 =	simm.s32 $0x25F0;
	v45 =	vperm.xlane v21, v1;
	v23 =	vmul.f32 v23, v4;
	v20 =	vadd.f32 v20, v29;
	v46 =	vld [tilespmem:s19+$0xFFFFFF80]  }
0x30a: {  	s18 =	simm.s32 $0x65F0;
	v29 =	vmul.f32 v24, v5;
	v27 =	vmax.f32 v28, v27;
	v28 =	vadd.f32 v31, v11;
	v38 =	vld [tilespmem:s30+$0xFFFFFFD0]  }
0x30b: {  	v47 =	vmul.f32 $3.000000120e-01, v26;
	v24 =	vmul.f32 $1.442695020e+00, v20;
	v48 =	vld [tilespmem:s30+$0xFFFFFFE0]  }
0x30c: {  	v20 =	vadd.f32 v29, v23;
	v23 =	vmul.f32 v27, v4;
	v29 =	vmul.f32 $3.000000120e-01, v28;
	v27 =	vld [tilespmem:s18+$0xFFFFFFD0]  }
0x30d: {  	v25 =	vadd.f32 v25, v10;
	v32 =	vadd.f32 v21, v45;
	v26 =	vmax.f32 v26, v47;
	v31 =	vld [tilespmem:s18+$0xFFFFFFE0]  }
0x30e: {  	v21 =	vmul.f32 v26, v5;
	v26 =	vperm.xlane v20, v0;
	v29 =	vmax.f32 v28, v29;
	v28 =	vld [tilespmem:s30+$0xFFFFFE20]  }
0x30f: {  	v50 =	vmul.f32 $3.000000120e-01, v25;
	v36 =	vld [tilespmem:s18+$0xFFFFFE10]  }
0x310: {  	v21 =	vadd.f32 v21, v23;
	v40 =	vadd.f32 v20, v26;
	v26 =	vld [tilespmem:s18+$0xFFFFFE20]  }
0x311: {  	v23 =	vmax.f32 v25, v50;
	v20 =	vld [tilespmem:s30+$0xFFFFFE50];
	v30 =	vadd.f32 v30, v7;
	v34 =	vadd.f32 v46, v6  }
0x312: {  	v29 =	vmul.f32 v29, v4;
	v52 =	vmul.f32 v23, v5;
	v54 =	vld [tilespmem:s18+$0xFFFFFE50];
	v27 =	vadd.f32 v27, v38  }
0x313: {  	v23 =	vld [tilespmem:s30+$0xFFFFFE60];
	v31 =	vadd.f32 v31, v48;
	v25 =	vmul.f32 $3.000000120e-01, v30;
	v51 =	vmul.f32 $3.000000120e-01, v34  }
0x314: {  	v53 =	vperm.xlane v21, v0;
	v45 =	vld [tilespmem:s18+$0xFFFFFE60];
	v55 =	vmul.f32 $3.000000120e-01, v27  }
0x315: {  	v49 =	vld [tilespmem:s18+$0xFFFFFE90];
	v56 =	vmul.f32 $3.000000120e-01, v31;
	v25 =	vmax.f32 v30, v25;
	v30 =	vmax.f32 v34, v51  }
0x316: {  	v50 =	vld [tilespmem:s18+$0xFFFFFEA0];
	v29 =	vadd.f32 v52, v29;
	v57 =	vmul.f32 v25, v4;
	v30 =	vmul.f32 v30, v5  }
0x317: {  	v35 =	vld [tilespmem:s18+$0xFFFFFED0];
	v60 =	vadd.f32 v54, v20;
	v27 =	vmax.f32 v27, v55;
	v31 =	vmax.f32 v31, v56  }
0x318: {  	v52 =	vld [tilespmem:s18+$0xFFFFFEE0];
	v27 =	vmul.f32 v27, v2;
	v58 =	vadd.f32 v30, v57;
	v30 =	vmul.f32 v31, v3  }
0x319: {  	v39 =	vadd.f32 v21, v53;
	v21 =	vld [tilespmem:s30+$0xFFFFFEA0];
	v61 =	vadd.f32 v45, v23;
	v62 =	vmul.f32 $3.000000120e-01, v60  }
0x31a: {  	v59 =	vadd.f32 v26, v28;
	v25 =	vld [tilespmem:s30+$0xFFFFFE90];
	v31 =	vperm.xlane v29, v0;
	v51 =	vadd.f32 v30, v27  }
0x31b: {  	v26 =	vmul.f32 $1.442695020e+00, v32;
	v32 =	vld [tilespmem:s30+$0xFFFFFF20];
	v53 =	vmul.f32 $3.000000120e-01, v61;
	v41 =	vmax.f32 v60, v62  }
0x31c: {  	v44 =	vadd.f32 v29, v31;
	v29 =	vmul.f32 $3.000000120e-01, v59;
	v27 =	vld [tilespmem:s30+$0xFFFFFEE0];
	v31 =	vperm.xlane v51, v0  }
0x31d: {  	v34 =	vmax.f32 v61, v53;
	v60 =	vmul.f32 v41, v2;
	v30 =	vld [tilespmem:s30+$0xFFFFFED0]  }
0x31e: {  	v34 =	vmul.f32 v34, v3;
	v57 =	vld [tilespmem:s18+$0xFFFFFF20];
	v29 =	vmax.f32 v59, v29;
	v51 =	vadd.f32 v51, v31  }
0x31f: {  	v55 =	vld [tilespmem:s18+$0xFFFFFF10];
	v43 =	vperm.xlane v58, v0;
	v54 =	vmul.f32 v29, v3;
	v29 =	vadd.f32 v49, v25  }
0x320: {  	v53 =	vadd.f32 v34, v60;
	v49 =	vadd.f32 v50, v21;
	v31 =	vld [tilespmem:s30+$0xFFFFFF10];
	v63 =	vperm.xlane v51, v1  }
0x321: {  	v41 =	vld [tilespmem:s30+$0xFFFFFF50];
	v43 =	vadd.f32 v58, v43;
	v61 =	vmul.f32 $3.000000120e-01, v29;
	v62 =	vadd.f32 v52, v27  }
0x322: {  	v56 =	vmul.f32 $3.000000120e-01, v49;
	v35 =	vadd.f32 v35, v30;
	v52 =	vld [tilespmem:s30+$0xFFFFFE10];
	v50 =	vadd.f32 v51, v63  }
0x323: {  	v59 =	vld [tilespmem:s18+$0xFFFFFF50];
	v57 =	vadd.f32 v57, v32;
	v29 =	vmax.f32 v29, v61;
	v58 =	vmul.f32 $3.000000120e-01, v62  }
0x324: {  	v49 =	vmax.f32 v49, v56;
	v63 =	vmul.f32 $3.000000120e-01, v35;
	v50 =	vmul.f32 $1.442695020e+00, v50  }
0x325: {  	v56 =	vmul.f32 v29, v2;
	v49 =	vmul.f32 v49, v3;
	v55 =	vadd.f32 v55, v31  }
0x326: {  	v29 =	vld [tilespmem:s30+$0xFFFFFF60];
	v51 =	vmax.f32 v62, v58;
	v34 =	vmax.f32 v35, v63;
	(erf) = vpow2.f32 v50  }
0x327: {  	v60 =	vadd.f32 v36, v52;
	v58 =	vmul.f32 v34, v2;
	v34 =	vmul.f32 $3.000000120e-01, v55;
	v50 =	vld [tilespmem:s18+$0xFFFFFF60]  }
0x328: {  	v59 =	vadd.f32 v59, v41;
	v49 =	vadd.f32 v49, v56  }
0x329: {  	v56 =	vmul.f32 $3.000000120e-01, v57;
	v34 =	vmax.f32 v55, v34;
	v55 =	vmul.f32 $3.000000120e-01, v60  }
0x32a: {  	v51 =	vmul.f32 v51, v3;
	v63 =	vmul.f32 v34, v2  }
0x32b: {  	v34 =	vmax.f32 v57, v56;
	v55 =	vmax.f32 v60, v55;
	v60 =	vmul.f32 $3.000000120e-01, v59  }
0x32c: {  	v55 =	vmul.f32 v55, v2;
	v50 =	vadd.f32 v50, v29  }
0x32d: {  	v22 =	vpop (erf);
	v61 =	vld [tilespmem:s18+$0xFFFFFF90];
	v51 =	vadd.f32 v51, v58  }
0x32e: {  	v35 =	vld [tilespmem:s30+$0xFFFFFF90];
	v57 =	vmul.f32 v34, v3;
	v34 =	vpop (erf);
	v54 =	vadd.f32 v54, v55;
	v58 =	vmul.f32 $3.000000120e-01, v50  }
0x32f: {  	v33 =	vmul.f32 v22, v19;
	v37 =	vmul.f32 v22, v18;
	[tilespmem:s12+$0x100] =	vst v22;
	v36 =	vld [tilespmem:s30+$0xFFFFFFA0];
	v22 =	vmax.f32 v59, v60;
	v60 =	vpop (erf)  }
0x330: {  	v56 =	vld [tilespmem:s18+$0xFFFFFFA0];
	v50 =	vmax.f32 v50, v58;
	v58 =	vperm.xlane v54, v0;
	v48 =	vmul.f32 v60, v48  }
0x331: {  	s13 =	simm.s32 $0x8680  }
0x332: {  	[tilespmem:s13+$0x130] =	vst v48;
	v48 =	vadd.f32 v54, v58  }
0x333: {  	[tilespmem:s12+$0xD0] =	vst v37;
	v37 =	vperm.xlane v49, v0;
	v59 =	vadd.f32 v61, v35;
	v38 =	vmul.f32 v60, v38  }
0x334: {  	[tilespmem:s13+$0x160] =	vst v60;
	v58 =	vperm.xlane v48, v1  }
0x335: {  	v49 =	vadd.f32 v49, v37;
	v56 =	vadd.f32 v56, v36;
	v60 =	vmul.f32 $3.000000120e-01, v59;
	[tilespmem:s13+$0x120] =	vst v38  }
0x336: {  	v62 =	vperm.xlane v53, v0;
	v57 =	vadd.f32 v57, v63;
	v37 =	vld [tilespmem:s30+$0xFFFFFFF0];
	v48 =	vadd.f32 v48, v58  }
0x337: {  	v22 =	vmul.f32 v22, v2;
	v63 =	vmul.f32 $3.000000120e-01, v56;
	v60 =	vmax.f32 v59, v60;
	v59 =	vld [tilespmem:s18+$0xFFFFFFF0]  }
0x338: {  	v50 =	vmul.f32 v50, v3;
	v48 =	vmul.f32 $1.442695020e+00, v48  }
0x339: {  	v61 =	vmax.f32 v56, v63;
	v56 =	vperm.xlane v51, v0;
	v54 =	vmul.f32 v60, v2  }
0x33a: {  	v53 =	vadd.f32 v53, v62;
	v60 =	vperm.xlane v57, v0;
	(erf) = vpow2.f32 v48  }
0x33b: {  	v22 =	vadd.f32 v50, v22;
	v50 =	vmul.f32 v61, v3;
	v51 =	vadd.f32 v51, v56  }
0x33c: {  	[tilespmem:s12+$0xC0] =	vst v33;
	v57 =	vadd.f32 v57, v60;
	v60 =	vperm.xlane v49, v1;
	v59 =	vadd.f32 v59, v37  }
0x33d: {  	v6 =	vld [tilespmem:s17+$0xFFFFFFC0];
	v50 =	vadd.f32 v50, v54;
	v54 =	vperm.xlane v53, v1  }
0x33e: {  	v38 =	vld [tilespmem:s30+$0x0];
	v62 =	vperm.xlane v51, v1;
	v49 =	vadd.f32 v49, v60;
	v60 =	vmul.f32 $3.000000120e-01, v59  }
0x33f: {  	v56 =	vld [tilespmem:s18+$0x0];
	v53 =	vadd.f32 v53, v54  }
0x340: {  	v51 =	vadd.f32 v51, v62;
	v62 =	vmax.f32 v59, v60  }
0x341: {  	v53 =	vmul.f32 $1.442695020e+00, v53;
	_ =	sdelay $0x1  }
0x342: {  	v33 =	vld [tilespmem:s17+$0xFFFFFFB0];
	(erf) = vpow2.f32 v53;
	v53 =	vmul.f32 v62, v4;
	v62 =	vpop (erf)  }
0x343: {  	v55 =	vld [tilespmem:s19+$0xFFFFFFB0];
	[tilespmem:$0x1FE00] =	vst v6;
	v61 =	vperm.xlane v50, v0;
	v56 =	vadd.f32 v56, v38;
	v52 =	vmul.f32 v62, v52  }
0x344: {  	[tilespmem:s13+$0xFFFFFEC0] =	vst v62;
	v28 =	vmul.f32 v62, v28  }
0x345: {  	v50 =	vadd.f32 v50, v61;
	v61 =	vmul.f32 $3.000000120e-01, v56;
	[tilespmem:s13+$0xFFFFFE80] =	vst v52  }
0x346: {  	v63 =	vld [tilespmem:s19+$0xFFFFFFC0];
	v58 =	vperm.xlane v22, v0;
	[tilespmem:s13+$0xFFFFFE90] =	vst v28  }
0x347: {  	v56 =	vmax.f32 v56, v61;
	v9 =	vld [tilespmem:s30+$0xFFFFFE30]  }
0x348: {  	v58 =	vadd.f32 v22, v58;
	v56 =	vmul.f32 v56, v5;
	_ =	sdelay $0x1  }
0x349: {  	v48 =	vperm.xlane v58, v1;
	v53 =	vadd.f32 v56, v53  }
0x34a: {  	v55 =	vadd.f32 v55, v33  }
0x34b: {  	v48 =	vadd.f32 v58, v48;
	v58 =	vadd.f32 v63, v6;
	v63 =	vperm.xlane v53, v0;
	[tilespmem:$0x1FE10] =	vst v9  }
0x34c: {  	v47 =	vperm.xlane v40, v1;
	v8 =	vld [tilespmem:s30+$0xFFFFFE40]  }
0x34d: {  	v60 =	vmul.f32 $3.000000120e-01, v55;
	v61 =	vmul.f32 $3.000000120e-01, v58  }
0x34e: {  	v40 =	vadd.f32 v40, v47  }
0x34f: {  	v47 =	vmax.f32 v55, v60;
	v60 =	vmax.f32 v58, v61;
	v61 =	vadd.f32 v53, v63;
	v63 =	vpop (erf)  }
0x350: {  	v49 =	vmul.f32 $1.442695020e+00, v49;
	v20 =	vmul.f32 v63, v20;
	[tilespmem:s13+$0xFFFFFF20] =	vst v63  }
0x351: {  	v55 =	vmul.f32 v63, v23;
	[tilespmem:$0x1FE20] =	vst v8  }
0x352: {  	(erf) = vpow2.f32 v49;
	[tilespmem:s13+$0xFFFFFEE0] =	vst v20  }
0x353: {  	[tilespmem:s13+$0xFFFFFEF0] =	vst v55  }
0x354: {  	v54 =	vperm.xlane v57, v1;
	v7 =	vld [tilespmem:s30+$0xFFFFFE70];
	_ =	sdelay $0x1  }
0x355: {  	v54 =	vadd.f32 v57, v54;
	v57 =	vperm.xlane v50, v1;
	_ =	sdelay $0x1  }
0x356: {  	v50 =	vadd.f32 v50, v57;
	v57 =	vld [tilespmem:s18+$0xFFFFFE30]  }
0x357: {  	v58 =	vld [tilespmem:s18+$0xFFFFFE40];
	[tilespmem:$0x1FE30] =	vst v7  }
0x358: {  	v6 =	vld [tilespmem:s30+$0xFFFFFE80]  }
0x359: {  	v51 =	vmul.f32 $1.442695020e+00, v51;
	v56 =	vpop (erf)  }
0x35a: {  	v25 =	vmul.f32 v56, v25  }
0x35b: {  	(erf) = vpow2.f32 v51  }
0x35c: {  	v59 =	vmul.f32 v56, v21;
	[tilespmem:s13+$0xFFFFFF40] =	vst v25  }
0x35d: {  	v49 =	vmul.f32 $1.442695020e+00, v54;
	[tilespmem:$0x1FE40] =	vst v6  }
0x35e: {  	v48 =	vmul.f32 $1.442695020e+00, v48;
	[tilespmem:s13+$0xFFFFFF50] =	vst v59  }
0x35f: {  	(erf) = vpow2.f32 v49;
	[tilespmem:s13+$0xFFFFFF80] =	vst v56  }
0x360: {  	(erf) = vpow2.f32 v48;
	v62 =	vmul.f32 v60, v5;
	v48 =	vadd.f32 v57, v9;
	v9 =	vld [tilespmem:s30+$0xFFFFFEB0]  }
0x361: {  	v46 =	vperm.xlane v44, v1  }
0x362: {  	v50 =	vmul.f32 $1.442695020e+00, v50;
	v47 =	vmul.f32 v47, v4;
	_ =	sdelay $0x1  }
0x363: {  	v53 =	vadd.f32 v44, v46;
	(erf) = vpow2.f32 v50;
	v46 =	vadd.f32 v62, v47;
	v62 =	vpop (erf);
	v63 =	vld [tilespmem:s18+$0xFFFFFE70]  }
0x364: {  	(erf) = vpow2.f32 v24;
	v24 =	vmul.f32 v62, v30;
	v30 =	vld [tilespmem:s18+$0xFFFFFE80];
	[tilespmem:$0x1FE50] =	vst v9  }
0x365: {  	v44 =	vadd.f32 v58, v8;
	v8 =	vld [tilespmem:s30+$0xFFFFFEC0];
	_ =	sdelay $0x3  }
0x366: {  	v27 =	vmul.f32 v62, v27;
	[tilespmem:s13+$0xFFFFFFA0] =	vst v24  }
0x367: {  	[tilespmem:$0x1FE60] =	vst v8  }
0x368: {  	[tilespmem:s13+$0xFFFFFFB0] =	vst v27  }
0x369: {  	[tilespmem:s13+$0xFFFFFFE0] =	vst v62  }
0x36a: {  	v42 =	vperm.xlane v39, v1;
	v54 =	vperm.xlane v61, v1;
	v47 =	vadd.f32 v63, v7;
	v7 =	vld [tilespmem:s30+$0xFFFFFEF0]  }
0x36b: {  	v45 =	vperm.xlane v43, v1  }
0x36c: {  	v39 =	vadd.f32 v39, v42;
	v20 =	vadd.f32 v61, v54  }
0x36d: {  	v40 =	vmul.f32 $1.442695020e+00, v40;
	v43 =	vadd.f32 v43, v45  }
0x36e: {  	v39 =	vmul.f32 $1.442695020e+00, v39;
	v60 =	vmul.f32 $1.442695020e+00, v20;
	v58 =	vld [tilespmem:s18+$0xFFFFFEB0]  }
0x36f: {  	v43 =	vmul.f32 $1.442695020e+00, v43;
	v61 =	vperm.xlane v46, v0;
	v59 =	vld [tilespmem:s18+$0xFFFFFEC0];
	[tilespmem:$0x1FE70] =	vst v7  }
0x370: {  	v42 =	vmul.f32 $1.442695020e+00, v53;
	(erf) = vpow2.f32 v60;
	v30 =	vadd.f32 v30, v6;
	v6 =	vld [tilespmem:s30+$0xFFFFFF00]  }
0x371: {  	v46 =	vadd.f32 v46, v61;
	(erf) = vpow2.f32 v26;
	v57 =	vmul.f32 $3.000000120e-01, v44;
	v56 =	vpop (erf)  }
0x372: {  	v31 =	vmul.f32 v56, v31;
	v27 =	vmul.f32 $3.000000120e-01, v48  }
0x373: {  	v60 =	vperm.xlane v46, v1;
	(erf) = vpow2.f32 v40  }
0x374: {  	v44 =	vmax.f32 v44, v57;
	v32 =	vmul.f32 v56, v32;
	v27 =	vmax.f32 v48, v27;
	[tilespmem:s13+$0x0] =	vst v31  }
0x375: {  	v44 =	vmul.f32 v44, v5;
	v49 =	vpop (erf);
	v31 =	vmul.f32 v27, v4;
	[tilespmem:$0x1FE80] =	vst v6  }
0x376: {  	v41 =	vmul.f32 v49, v41;
	v62 =	vmul.f32 $3.000000120e-01, v30;
	[tilespmem:s13+$0x10] =	vst v32;
	v40 =	vld [tilespmem:s18+$0xFFFFFEF0]  }
0x377: {  	v52 =	vmul.f32 v49, v29;
	v61 =	vmul.f32 $3.000000120e-01, v47;
	v31 =	vadd.f32 v44, v31;
	[tilespmem:s13+$0x40] =	vst v56;
	v63 =	vld [tilespmem:s18+$0xFFFFFF00]  }
0x378: {  	v46 =	vadd.f32 v46, v60;
	(erf) = vpow2.f32 v39;
	v54 =	vmax.f32 v30, v62;
	[tilespmem:s13+$0x60] =	vst v41;
	v29 =	vld [tilespmem:s30+$0xFFFFFF30]  }
0x379: {  	v57 =	vadd.f32 v59, v8;
	v55 =	vperm.xlane v31, v0;
	v32 =	vmax.f32 v47, v61;
	[tilespmem:s13+$0x70] =	vst v52;
	v30 =	vld [tilespmem:s30+$0xFFFFFF40]  }
0x37a: {  	v39 =	vmul.f32 v54, v5;
	v56 =	vadd.f32 v58, v9;
	[tilespmem:s13+$0xA0] =	vst v49;
	v32 =	vmul.f32 v32, v4;
	v47 =	vld [tilespmem:s18+$0xFFFFFF30]  }
0x37b: {  	v46 =	vmul.f32 $1.442695020e+00, v46;
	v59 =	vmul.f32 $3.000000120e-01, v57;
	v41 =	vadd.f32 v31, v55;
	v31 =	vld [tilespmem:s30+$0xFFFFFF70]  }
0x37c: {  	(erf) = vpow2.f32 v42;
	v61 =	vld [tilespmem:s18+$0xFFFFFF70];
	v58 =	vmul.f32 $3.000000120e-01, v56;
	v39 =	vadd.f32 v39, v32  }
0x37d: {  	(erf) = vpow2.f32 v43;
	v42 =	vmax.f32 v57, v59;
	v48 =	vld [tilespmem:s18+$0xFFFFFF40];
	v50 =	vperm.xlane v41, v1  }
0x37e: {  	v51 =	vld [tilespmem:s18+$0xFFFFFF80];
	v45 =	vmax.f32 v56, v58;
	v60 =	vperm.xlane v39, v0;
	v40 =	vadd.f32 v40, v7  }
0x37f: {  	s14 =	simm.s32 $0x27F0;
	v62 =	vmul.f32 v42, v5;
	v32 =	vld [tilespmem:s30+$0xFFFFFF80];
	v45 =	vmul.f32 v45, v4;
	v44 =	vadd.f32 v63, v6  }
0x380: {  	s17 =	simm.s32 $0x67F0;
	v59 =	vld [tilespmem:s14+$0xFFFFFFD0];
	v55 =	vadd.f32 v41, v50;
	v52 =	vadd.f32 v39, v60;
	v63 =	vmul.f32 $3.000000120e-01, v40  }
0x381: {  	v42 =	vld [tilespmem:s17+$0xFFFFFFD0];
	v49 =	vadd.f32 v61, v31;
	v54 =	vmul.f32 $3.000000120e-01, v44;
	v45 =	vadd.f32 v62, v45  }
0x382: {  	v9 =	vld [tilespmem:s17+$0xFFFFFF20];
	v43 =	vperm.xlane v52, v1;
	v57 =	vmax.f32 v40, v63;
	v40 =	vadd.f32 v47, v29  }
0x383: {  	v58 =	vld [tilespmem:s14+$0xFFFFFFE0];
	v41 =	vmax.f32 v44, v54;
	v44 =	vadd.f32 v48, v30;
	v56 =	vperm.xlane v45, v0  }
0x384: {  	v51 =	vadd.f32 v51, v32;
	v47 =	vld [tilespmem:s17+$0xFFFFFFE0];
	v63 =	vmul.f32 $3.000000120e-01, v49;
	v60 =	vmul.f32 v57, v4  }
0x385: {  	v11 =	vld [tilespmem:s17+$0xFFFFFF50];
	v61 =	vmul.f32 $3.000000120e-01, v40;
	v62 =	vmul.f32 $3.000000120e-01, v44  }
0x386: {  	v39 =	vld [tilespmem:s14+$0xFFFFFE20];
	v41 =	vmul.f32 v41, v5;
	v53 =	vmul.f32 $3.000000120e-01, v51  }
0x387: {  	v54 =	vld [tilespmem:s17+$0xFFFFFE20];
	v49 =	vmax.f32 v49, v63;
	v50 =	vmax.f32 v40, v61;
	v44 =	vmax.f32 v44, v62  }
0x388: {  	v63 =	vld [tilespmem:s17+$0xFFFFFE90];
	v48 =	vadd.f32 v41, v60;
	v50 =	vmul.f32 v50, v4;
	v44 =	vmul.f32 v44, v5  }
0x389: {  	v41 =	vld [tilespmem:s14+$0xFFFFFE50];
	v51 =	vmax.f32 v51, v53;
	v53 =	vadd.f32 v42, v59;
	v47 =	vadd.f32 v47, v58  }
0x38a: {  	v60 =	vld [tilespmem:s17+$0xFFFFFE50];
	v62 =	vadd.f32 v44, v50;
	v44 =	vmul.f32 v49, v4;
	v49 =	vmul.f32 v51, v5  }
0x38b: {  	v42 =	vld [tilespmem:s14+$0xFFFFFE90];
	v50 =	vmul.f32 $3.000000120e-01, v53;
	v51 =	vmul.f32 $3.000000120e-01, v47  }
0x38c: {  	v57 =	vadd.f32 v52, v43;
	v52 =	vadd.f32 v45, v56;
	v40 =	vld [tilespmem:s14+$0xFFFFFE60];
	v45 =	vperm.xlane v48, v0  }
0x38d: {  	v61 =	vld [tilespmem:s17+$0xFFFFFE60];
	v49 =	vadd.f32 v49, v44;
	v53 =	vmax.f32 v53, v50;
	v47 =	vmax.f32 v47, v51  }
0x38e: {  	v7 =	vld [tilespmem:s17+$0xFFFFFEA0];
	v50 =	vadd.f32 v48, v45;
	v48 =	vmul.f32 v53, v2;
	v47 =	vmul.f32 v47, v3  }
0x38f: {  	(erf) = vpow2.f32 v46;
	v43 =	vld [tilespmem:s14+$0xFFFFFEA0];
	v54 =	vadd.f32 v54, v39;
	v56 =	vperm.xlane v62, v0  }
0x390: {  	v6 =	vadd.f32 v63, v42;
	v63 =	vld [tilespmem:s14+$0xFFFFFF10];
	v53 =	vperm.xlane v49, v0;
	v48 =	vadd.f32 v47, v48  }
0x391: {  	v44 =	vld [tilespmem:s14+$0xFFFFFED0];
	v51 =	vadd.f32 v62, v56;
	v56 =	vadd.f32 v60, v41;
	v47 =	vmul.f32 $3.000000120e-01, v54  }
0x392: {  	v45 =	vld [tilespmem:s14+$0xFFFFFEE0];
	v53 =	vadd.f32 v49, v53;
	v49 =	vadd.f32 v61, v40;
	v46 =	vperm.xlane v48, v0  }
0x393: {  	v60 =	vld [tilespmem:s17+$0xFFFFFED0];
	v62 =	vmul.f32 $3.000000120e-01, v56;
	v25 =	vmax.f32 v54, v47  }
0x394: {  	v61 =	vld [tilespmem:s17+$0xFFFFFEE0];
	v54 =	vmul.f32 $3.000000120e-01, v49;
	v46 =	vadd.f32 v48, v46;
	v48 =	vmul.f32 $3.000000120e-01, v6  }
0x395: {  	v7 =	vadd.f32 v7, v43;
	v47 =	vld [tilespmem:s14+$0xFFFFFF20];
	v56 =	vmax.f32 v56, v62  }
0x396: {  	v49 =	vmax.f32 v49, v54;
	v54 =	vmul.f32 v56, v2;
	v6 =	vmax.f32 v6, v48;
	v48 =	vld [tilespmem:s14+$0xFFFFFF50]  }
0x397: {  	v62 =	vld [tilespmem:s17+$0xFFFFFF10];
	v56 =	vmul.f32 $3.000000120e-01, v7;
	v8 =	vperm.xlane v46, v1  }
0x398: {  	v60 =	vadd.f32 v60, v44  }
0x399: {  	v49 =	vmul.f32 v49, v3;
	v7 =	vmax.f32 v7, v56;
	v8 =	vadd.f32 v46, v8  }
0x39a: {  	v56 =	vadd.f32 v61, v45;
	v6 =	vmul.f32 v6, v2;
	v9 =	vadd.f32 v9, v47  }
0x39b: {  	v7 =	vmul.f32 v7, v3;
	v8 =	vmul.f32 $1.442695020e+00, v8;
	v11 =	vadd.f32 v11, v48  }
0x39c: {  	v46 =	vadd.f32 v49, v54;
	v54 =	vmul.f32 $3.000000120e-01, v60;
	v62 =	vadd.f32 v62, v63  }
0x39d: {  	(erf) = vpow2.f32 v8;
	v8 =	vadd.f32 v7, v6;
	v6 =	vmul.f32 $3.000000120e-01, v11  }
0x39e: {  	v54 =	vmax.f32 v60, v54;
	v60 =	vmul.f32 $3.000000120e-01, v62;
	v7 =	vmul.f32 $3.000000120e-01, v9  }
0x39f: {  	v11 =	vmax.f32 v11, v6;
	v6 =	vld [tilespmem:$0x1FD30]  }
0x3a0: {  	v61 =	vmul.f32 $3.000000120e-01, v56;
	v60 =	vmax.f32 v62, v60;
	v7 =	vmax.f32 v9, v7  }
0x3a1: {  	v10 =	vld [tilespmem:s17+$0xFFFFFF60];
	v60 =	vmul.f32 v60, v2;
	v7 =	vmul.f32 v7, v3  }
0x3a2: {  	v49 =	vld [tilespmem:s14+$0xFFFFFF60]  }
0x3a3: {  	v56 =	vmax.f32 v56, v61;
	v61 =	vmul.f32 v54, v2;
	v12 =	vadd.f32 v7, v60;
	v7 =	vld [tilespmem:$0x1FD20]  }
0x3a4: {  	v14 =	vmul.f32 v34, v6;
	v6 =	vld [tilespmem:$0x1FD40]  }
0x3a5: {  	v56 =	vmul.f32 v56, v3;
	_ =	sdelay $0x1  }
0x3a6: {  	v54 =	vld [tilespmem:s14+$0xFFFFFF90];
	v10 =	vadd.f32 v10, v49;
	v56 =	vadd.f32 v56, v61;
	v61 =	vpop (erf)  }
0x3a7: {  	v62 =	vld [tilespmem:s17+$0xFFFFFF90];
	v9 =	vperm.xlane v46, v0;
	v60 =	vpop (erf);
	v13 =	vmul.f32 v34, v7  }
0x3a8: {  	v7 =	vmul.f32 $3.000000120e-01, v10;
	v22 =	vmul.f32 v60, v6;
	v6 =	vld [tilespmem:$0x1FD50];
	_ =	sdelay $0x1  }
0x3a9: {  	v46 =	vadd.f32 v46, v9;
	v9 =	vmax.f32 v10, v7;
	v7 =	vld [tilespmem:$0x1FD60];
	_ =	sdelay $0x2  }
0x3aa: {  	v15 =	vld [tilespmem:s17+$0xFFFFFE10];
	v18 =	vmul.f32 v61, v35;
	v35 =	vpop (erf);
	v24 =	vmul.f32 v60, v6;
	v6 =	vadd.f32 v62, v54  }
0x3ab: {  	v28 =	vld [tilespmem:s14+$0xFFFFFFA0];
	v19 =	vmul.f32 v61, v36;
	v36 =	vpop (erf)  }
0x3ac: {  	v16 =	vld [tilespmem:s17+$0xFFFFFFA0];
	v23 =	vmul.f32 v36, v7;
	v7 =	vmul.f32 $3.000000120e-01, v6  }
0x3ad: {  	v26 =	vld [tilespmem:s14+$0xFFFFFE10]  }
0x3ae: {  	v7 =	vmax.f32 v6, v7;
	v6 =	vld [tilespmem:$0x1FD70]  }
0x3af: {  	v10 =	vperm.xlane v8, v0  }
0x3b0: {  	v27 =	vmul.f32 v35, v37;
	v62 =	vpop (erf)  }
0x3b1: {  	v17 =	vadd.f32 v8, v10;
	v10 =	vmul.f32 v35, v38;
	v38 =	vadd.f32 v16, v28;
	v37 =	vpop (erf)  }
0x3b2: {  	v11 =	vmul.f32 v11, v2;
	v8 =	vmul.f32 v9, v3;
	v16 =	vpop (erf)  }
0x3b3: {  	v15 =	vadd.f32 v15, v26;
	v9 =	vpop (erf);
	[tilespmem:s12+$0x150] =	vst v13;
	v20 =	vmul.f32 v36, v6;
	v6 =	vmul.f32 $3.000000120e-01, v38  }
0x3b4: {  	v8 =	vadd.f32 v8, v11;
	v11 =	vmul.f32 v25, v3;
	v21 =	vpop (erf);
	[tilespmem:s12+$0x140] =	vst v14  }
0x3b5: {  	v25 =	vmul.f32 $3.000000120e-01, v15;
	[tilespmem:s12+$0x170] =	vst v34;
	v13 =	vpop (erf);
	v7 =	vmul.f32 v7, v2;
	v6 =	vmax.f32 v38, v6  }
0x3b6: {  	s10 =	simm.s32 $0x8980;
	[tilespmem:s13+$0x150] =	vst v10;
	v14 =	vmul.f32 v13, v59;
	v6 =	vmul.f32 v6, v3  }
0x3b7: {  	v15 =	vmax.f32 v15, v25;
	v25 =	vmul.f32 v13, v58;
	[tilespmem:s10+$0x160] =	vst v13  }
0x3b8: {  	v13 =	vperm.xlane v12, v0;
	v6 =	vadd.f32 v6, v7;
	v7 =	vld [tilespmem:$0x1FD80];
	[tilespmem:s10+$0x120] =	vst v14  }
0x3b9: {  	v14 =	vld [tilespmem:$0x1FD90];
	[tilespmem:s10+$0x130] =	vst v25  }
0x3ba: {  	v13 =	vadd.f32 v12, v13;
	v12 =	vld [tilespmem:$0x1FDA0];
	_ =	sdelay $0x1  }
0x3bb: {  	v15 =	vmul.f32 v15, v2;
	_ =	sdelay $0x1  }
0x3bc: {  	v11 =	vadd.f32 v11, v15;
	v15 =	vperm.xlane v8, v0  }
0x3bd: {  	[tilespmem:s13+$0xC0] =	vst v18;
	v25 =	vmul.f32 v37, v12;
	v12 =	vperm.xlane v46, v1  }
0x3be: {  	v8 =	vadd.f32 v8, v15;
	v59 =	vperm.xlane v56, v0;
	v18 =	vperm.xlane v6, v0;
	v15 =	vld [tilespmem:$0x1FDB0];
	[tilespmem:s13+$0xD0] =	vst v19  }
0x3bf: {  	v19 =	vadd.f32 v46, v12;
	v12 =	vld [tilespmem:$0x1FDC0];
	[tilespmem:s13+$0x100] =	vst v61  }
0x3c0: {  	v10 =	vadd.f32 v56, v59;
	v18 =	vadd.f32 v6, v18;
	v6 =	vld [tilespmem:$0x1FDD0];
	_ =	sdelay $0x1  }
0x3c1: {  	v59 =	vperm.xlane v10, v1  }
0x3c2: {  	v34 =	vld [tilespmem:s14+$0xFFFFFFF0]  }
0x3c3: {  	v10 =	vadd.f32 v10, v59;
	v58 =	vld [tilespmem:s17+$0xFFFFFFF0];
	v46 =	vperm.xlane v11, v0;
	[tilespmem:s12+$0xFFFFFEA0] =	vst v22  }
0x3c4: {  	v22 =	vld [tilespmem:$0x1FDE0];
	v56 =	vmul.f32 v16, v6;
	v6 =	vperm.xlane v17, v1  }
0x3c5: {  	v10 =	vmul.f32 $1.442695020e+00, v10;
	v11 =	vadd.f32 v11, v46;
	v46 =	vld [tilespmem:s17+$0x0];
	[tilespmem:s12+$0xFFFFFEB0] =	vst v24  }
0x3c6: {  	v7 =	vmul.f32 v62, v7;
	v14 =	vmul.f32 v62, v14;
	v24 =	vadd.f32 v17, v6;
	v6 =	vld [tilespmem:$0x1FDF0]  }
0x3c7: {  	v15 =	vmul.f32 v37, v15;
	v38 =	vmul.f32 v16, v12;
	v12 =	vld [tilespmem:s14+$0x0]  }
0x3c8: {  	[tilespmem:s12+$0xFFFFFF00] =	vst v23;
	v23 =	vmul.f32 v21, v33;
	v33 =	vmul.f32 $1.442695020e+00, v55  }
0x3c9: {  	v55 =	vmul.f32 $1.442695020e+00, v57;
	[tilespmem:s12+$0xFFFFFF60] =	vst v7;
	v7 =	vmul.f32 $1.442695020e+00, v19  }
0x3ca: {  	[tilespmem:s12+$0xFFFFFF10] =	vst v20;
	v17 =	vld [tilespmem:s30+$0xFFFFFFB0];
	v19 =	vadd.f32 v58, v34;
	v57 =	vperm.xlane v8, v1;
	v58 =	vperm.xlane v11, v1  }
0x3cb: {  	[tilespmem:s12+$0xFFFFFFC0] =	vst v25;
	v25 =	vld [tilespmem:s18+$0xFFFFFFC0];
	v61 =	vmul.f32 v9, v6;
	v6 =	vperm.xlane v13, v1  }
0x3cc: {  	v22 =	vmul.f32 v9, v22;
	[tilespmem:s12+$0xFFFFFF70] =	vst v14;
	v14 =	vadd.f32 v46, v12;
	v46 =	vld [tilespmem:s18+$0xFFFFFFB0];
	v8 =	vadd.f32 v8, v57  }
0x3cd: {  	[tilespmem:s12+$0xFFFFFFD0] =	vst v15;
	v57 =	vmul.f32 $3.000000120e-01, v19;
	v11 =	vadd.f32 v11, v58;
	v13 =	vadd.f32 v13, v6;
	v6 =	vld [tilespmem:s30+$0xFFFFFFC0]  }
0x3ce: {  	v20 =	vperm.xlane v52, v1;
	[tilespmem:s12+$0x20] =	vst v38;
	v58 =	vmul.f32 $3.000000120e-01, v14  }
0x3cf: {  	[tilespmem:s12+$0x30] =	vst v56;
	v56 =	vperm.xlane v18, v1;
	v19 =	vmax.f32 v19, v57;
	v11 =	vmul.f32 $1.442695020e+00, v11  }
0x3d0: {  	[tilespmem:s13+$0x140] =	vst v27;
	v24 =	vmul.f32 $1.442695020e+00, v24;
	v19 =	vmul.f32 v19, v4;
	v14 =	vmax.f32 v14, v58  }
0x3d1: {  	[tilespmem:s12+$0xFFFFFED0] =	vst v60;
	(erf) = vpow2.f32 v11;
	v14 =	vmul.f32 v14, v5  }
0x3d2: {  	[tilespmem:s12+$0x80] =	vst v22;
	v22 =	vadd.f32 v46, v17;
	(erf) = vpow2.f32 v7;
	v25 =	vadd.f32 v25, v6  }
0x3d3: {  	[tilespmem:s12+$0xFFFFFF30] =	vst v36;
	v8 =	vmul.f32 $1.442695020e+00, v8;
	(erf) = vpow2.f32 v24;
	v14 =	vadd.f32 v14, v19  }
0x3d4: {  	[tilespmem:s12+$0xFFFFFF90] =	vst v62;
	v11 =	vmul.f32 $3.000000120e-01, v22;
	v7 =	vmul.f32 $3.000000120e-01, v25  }
0x3d5: {  	[tilespmem:s12+$0xFFFFFFF0] =	vst v37;
	v13 =	vmul.f32 $1.442695020e+00, v13;
	v19 =	vadd.f32 v52, v20;
	v20 =	vperm.xlane v14, v0  }
0x3d6: {  	[tilespmem:s12+$0x50] =	vst v16;
	(erf) = vpow2.f32 v10;
	v11 =	vmax.f32 v22, v11;
	v7 =	vmax.f32 v25, v7  }
0x3d7: {  	[tilespmem:s12+$0xB0] =	vst v9;
	v10 =	vmul.f32 v11, v4;
	v11 =	vadd.f32 v14, v20;
	v7 =	vmul.f32 v7, v5  }
0x3d8: {  	[tilespmem:s12+$0x110] =	vst v21;
	v57 =	vperm.xlane v53, v1;
	(erf) = vpow2.f32 v13  }
0x3d9: {  	[tilespmem:s13+$0x170] =	vst v35;
	v18 =	vadd.f32 v18, v56;
	(erf) = vpow2.f32 v8;
	v8 =	vperm.xlane v11, v1  }
0x3da: {  	[tilespmem:s12+$0xE0] =	vst v23;
	v9 =	vadd.f32 v53, v57  }
0x3db: {  	v18 =	vmul.f32 $1.442695020e+00, v18;
	[tilespmem:s12+$0x90] =	vst v61;
	v8 =	vadd.f32 v11, v8;
	v10 =	vadd.f32 v7, v10;
	v7 =	vpop (erf)  }
0x3dc: {  	v11 =	vmul.f32 $1.442695020e+00, v9;
	v9 =	vmul.f32 v7, v26;
	[tilespmem:s10+$0xFFFFFEC0] =	vst v7;
	v16 =	vpop (erf)  }
0x3dd: {  	(erf) = vpow2.f32 v18;
	v8 =	vmul.f32 $1.442695020e+00, v8;
	[tilespmem:s10+$0xFFFFFF20] =	vst v16  }
0x3de: {  	(erf) = vpow2.f32 v33;
	[tilespmem:s10+$0xFFFFFE80] =	vst v9  }
0x3df: {  	v15 =	vperm.xlane v50, v1;
	(erf) = vpow2.f32 v8;
	v8 =	vld [tilespmem:$0x1FE00]  }
0x3e0: {  	v7 =	vmul.f32 v7, v39  }
0x3e1: {  	v14 =	vadd.f32 v50, v15;
	v15 =	vmul.f32 $1.442695020e+00, v19;
	v19 =	vmul.f32 v16, v41;
	v20 =	vpop (erf)  }
0x3e2: {  	v38 =	vperm.xlane v51, v1;
	v9 =	vmul.f32 v16, v40;
	v16 =	vpop (erf);
	[tilespmem:s10+$0xFFFFFE90] =	vst v7  }
0x3e3: {  	v23 =	vmul.f32 v20, v43;
	[tilespmem:s10+$0xFFFFFEE0] =	vst v19;
	v24 =	vmul.f32 v16, v44  }
0x3e4: {  	[tilespmem:s10+$0xFFFFFEF0] =	vst v9;
	v22 =	vmul.f32 v21, v8;
	v21 =	vmul.f32 v20, v42  }
0x3e5: {  	v18 =	vperm.xlane v10, v0;
	v25 =	vmul.f32 v16, v45;
	[tilespmem:s10+$0xFFFFFF50] =	vst v23;
	v19 =	vpop (erf)  }
0x3e6: {  	v13 =	vadd.f32 v51, v38;
	v7 =	vld [tilespmem:s14+$0xFFFFFE30];
	[tilespmem:s10+$0xFFFFFFA0] =	vst v24;
	v26 =	vpop (erf);
	v27 =	vmul.f32 v19, v63;
	v45 =	vmul.f32 v19, v47  }
0x3e7: {  	[tilespmem:s10+$0xFFFFFFB0] =	vst v25;
	v47 =	vmul.f32 v26, v48;
	v48 =	vmul.f32 v26, v49;
	v49 =	vld [tilespmem:s17+$0xFFFFFE40]  }
0x3e8: {  	v13 =	vmul.f32 $1.442695020e+00, v13;
	v18 =	vadd.f32 v10, v18;
	v8 =	vld [tilespmem:s14+$0xFFFFFE40];
	[tilespmem:s10+$0xFFFFFF40] =	vst v21;
	v21 =	vpop (erf)  }
0x3e9: {  	v14 =	vmul.f32 $1.442695020e+00, v14;
	(erf) = vpow2.f32 v55;
	v25 =	vld [tilespmem:$0x1FE10];
	[tilespmem:s10+$0x0] =	vst v27;
	v33 =	vpop (erf)  }
0x3ea: {  	v46 =	vld [tilespmem:s17+$0xFFFFFE30];
	v24 =	vperm.xlane v18, v1;
	[tilespmem:s10+$0x10] =	vst v45;
	v50 =	vmul.f32 v21, v28;
	v28 =	vpop (erf)  }
0x3eb: {  	(erf) = vpow2.f32 v15;
	v10 =	vld [tilespmem:s14+$0xFFFFFE80];
	[tilespmem:s10+$0x60] =	vst v47;
	v12 =	vmul.f32 v28, v12  }
0x3ec: {  	(erf) = vpow2.f32 v14;
	v18 =	vadd.f32 v18, v24;
	v24 =	vld [tilespmem:s17+$0xFFFFFE80];
	[tilespmem:s10+$0x70] =	vst v48;
	v23 =	vmul.f32 v21, v54  }
0x3ed: {  	v9 =	vld [tilespmem:s14+$0xFFFFFE70];
	(erf) = vpow2.f32 v13;
	v13 =	vadd.f32 v49, v8;
	[tilespmem:s10+$0x150] =	vst v12  }
0x3ee: {  	v12 =	vld [tilespmem:$0x1FE20];
	[tilespmem:s10+$0xC0] =	vst v23  }
0x3ef: {  	v15 =	vld [tilespmem:s17+$0xFFFFFE70];
	(erf) = vpow2.f32 v11;
	v11 =	vmul.f32 $3.000000120e-01, v13;
	[tilespmem:s10+$0xD0] =	vst v50  }
0x3f0: {  	v14 =	vadd.f32 v46, v7;
	[tilespmem:s10+$0xFFFFFF80] =	vst v20  }
0x3f1: {  	v11 =	vmax.f32 v13, v11;
	v13 =	vadd.f32 v24, v10;
	[tilespmem:s10+$0xFFFFFFE0] =	vst v16  }
0x3f2: {  	v27 =	vmul.f32 $3.000000120e-01, v14;
	v16 =	vld [tilespmem:$0x1FE30]  }
0x3f3: {  	v18 =	vmul.f32 $1.442695020e+00, v18;
	v53 =	vld [tilespmem:s17+$0xFFFFFEF0];
	v20 =	vmul.f32 $3.000000120e-01, v13  }
0x3f4: {  	v15 =	vadd.f32 v15, v9;
	v54 =	vld [tilespmem:s17+$0xFFFFFF00];
	v51 =	vmul.f32 v33, v12;
	v12 =	vmax.f32 v14, v27  }
0x3f5: {  	v11 =	vmul.f32 v11, v5;
	v13 =	vmax.f32 v13, v20;
	v20 =	vld [tilespmem:s17+$0xFFFFFEC0];
	v12 =	vmul.f32 v12, v4  }
0x3f6: {  	(erf) = vpow2.f32 v18;
	v18 =	vmul.f32 $3.000000120e-01, v15;
	v14 =	vld [tilespmem:s14+$0xFFFFFEB0]  }
0x3f7: {  	[tilespmem:s10+$0x40] =	vst v19;
	v24 =	vadd.f32 v11, v12;
	v12 =	vld [tilespmem:s14+$0xFFFFFEC0]  }
0x3f8: {  	v25 =	vmul.f32 v33, v25;
	v11 =	vmax.f32 v15, v18;
	v15 =	vld [tilespmem:$0x1FE40];
	[tilespmem:s10+$0xA0] =	vst v26  }
0x3f9: {  	v23 =	vpop (erf);
	v18 =	vld [tilespmem:s17+$0xFFFFFEB0];
	[tilespmem:s10+$0x100] =	vst v21  }
0x3fa: {  	v35 =	vmul.f32 v28, v34;
	v34 =	vpop (erf);
	v19 =	vmul.f32 v11, v4;
	v11 =	vld [tilespmem:$0x1FE50];
	[tilespmem:s13+$0xFFFFFEA0] =	vst v25  }
0x3fb: {  	v36 =	vpop (erf);
	v13 =	vmul.f32 v13, v5;
	v26 =	vperm.xlane v24, v0;
	v27 =	vld [tilespmem:$0x1FE60]  }
0x3fc: {  	v16 =	vmul.f32 v23, v16;
	v25 =	vpop (erf);
	v38 =	vld [tilespmem:$0x1FE70];
	[tilespmem:s13+$0xFFFFFEB0] =	vst v51  }
0x3fd: {  	v29 =	vmul.f32 v25, v29;
	v19 =	vadd.f32 v13, v19;
	v26 =	vadd.f32 v24, v26;
	v24 =	vld [tilespmem:$0x1FE80]  }
0x3fe: {  	v30 =	vmul.f32 v25, v30;
	v13 =	vld [tilespmem:s14+$0xFFFFFF00];
	v15 =	vmul.f32 v23, v15  }
0x3ff: {  	[tilespmem:s13+$0xFFFFFF00] =	vst v16;
	v16 =	vperm.xlane v19, v0;
	v18 =	vadd.f32 v18, v14;
	v21 =	vmul.f32 v34, v11;
	v11 =	vld [tilespmem:s14+$0xFFFFFEF0]  }
0x400: {  	v57 =	vld [tilespmem:s17+$0xFFFFFF30];
	v56 =	vadd.f32 v20, v12;
	v55 =	vperm.xlane v26, v1;
	v27 =	vmul.f32 v34, v27;
	[tilespmem:s13+$0xFFFFFF10] =	vst v15  }
0x401: {  	v60 =	vld [tilespmem:s17+$0xFFFFFF40];
	v38 =	vmul.f32 v36, v38;
	v19 =	vadd.f32 v19, v16;
	[tilespmem:s13+$0xFFFFFF60] =	vst v21;
	v21 =	vmul.f32 $3.000000120e-01, v18  }
0x402: {  	v15 =	vld [tilespmem:s14+$0xFFFFFF30];
	v26 =	vadd.f32 v26, v55;
	v52 =	vmul.f32 v36, v24;
	v24 =	vpop (erf);
	[tilespmem:s13+$0xFFFFFF70] =	vst v27;
	v27 =	vmul.f32 $3.000000120e-01, v56  }
0x403: {  	[tilespmem:s13+$0x20] =	vst v29;
	v16 =	vld [tilespmem:s14+$0xFFFFFF40];
	v40 =	vadd.f32 v54, v13;
	v59 =	vperm.xlane v19, v1;
	v31 =	vmul.f32 v24, v31;
	v20 =	vpop (erf)  }
0x404: {  	[tilespmem:s13+$0x30] =	vst v30;
	v32 =	vmul.f32 v24, v32;
	v58 =	vmul.f32 v20, v17;
	v39 =	vadd.f32 v53, v11  }
0x405: {  	[tilespmem:s13+$0xFFFFFFC0] =	vst v38;
	v17 =	vmax.f32 v18, v21;
	v18 =	vmax.f32 v56, v27;
	v21 =	vmul.f32 $1.442695020e+00, v26;
	v27 =	vld [tilespmem:s17+$0xFFFFFF70]  }
0x406: {  	[tilespmem:s13+$0xFFFFFFD0] =	vst v52;
	v61 =	vmul.f32 v17, v4;
	v17 =	vld [tilespmem:s14+$0xFFFFFF70];
	v62 =	vmul.f32 $3.000000120e-01, v39  }
0x407: {  	v29 =	vadd.f32 v19, v59;
	v19 =	vmul.f32 $3.000000120e-01, v40;
	v42 =	vmul.f32 v18, v5;
	v18 =	vld [tilespmem:s14+$0xFFFFFF80];
	[tilespmem:s13+$0x80] =	vst v31  }
0x408: {  	v30 =	vadd.f32 v57, v15;
	v31 =	vld [tilespmem:s17+$0xFFFFFF80];
	[tilespmem:s13+$0x90] =	vst v32;
	v32 =	vadd.f32 v60, v16;
	v63 =	vmax.f32 v39, v62  }
0x409: {  	s9 =	simm.s32 $0x10;
	s19 =	simm.s32 $0x29F0;
	s18 =	simm.s32 $0x67F0;
	v38 =	vmax.f32 v40, v19;
	v19 =	vld [tilespmem:s14+$0xFFFFFFB0];
	[tilespmem:s13+$0xE0] =	vst v58;
	v26 =	vadd.f32 v42, v61;
	v37 =	vmul.f32 v63, v4  }
.LBB2_5:
0x40a: {  	v39 =	vld [tilespmem:s19+$0xFFFFFFD0];
	v38 =	vmul.f32 v38, v5;
	v41 =	vmul.f32 $3.000000120e-01, v30;
	[tilespmem:s12+$0xF0] =	vst v22;
	s12 =	smov.u32 s13;
	s13 =	smov.u32 s10  }
0x40b: {  	v22 =	vperm.xlane v26, v0;
	s17 =	sadd.s32 $0x200, s17;
	v40 =	vld [tilespmem:s19+$0xFFFFFFE0];
	v42 =	vmul.f32 $3.000000120e-01, v32;
	[tilespmem:s10+$0x140] =	vst v35  }
0x40c: {  	v35 =	vld [tilespmem:s17+$0xFFFFFFD0];
	v37 =	vadd.f32 v38, v37;
	v30 =	vmax.f32 v30, v41;
	v27 =	vadd.f32 v27, v17;
	[tilespmem:s12+$0xFFFFFED0] =	vst v33  }
0x40d: {  	v33 =	vld [tilespmem:s17+$0xFFFFFFE0];
	v30 =	vmul.f32 v30, v4;
	v32 =	vmax.f32 v32, v42;
	v31 =	vadd.f32 v31, v18;
	[tilespmem:s12+$0xFFFFFF30] =	vst v23  }
0x40e: {  	v22 =	vadd.f32 v26, v22;
	v23 =	vld [tilespmem:s19+$0xFFFFFE20];
	v26 =	vmul.f32 v32, v5;
	v32 =	vmul.f32 $3.000000120e-01, v27;
	[tilespmem:s12+$0xFFFFFF90] =	vst v34  }
0x40f: {  	v34 =	vperm.xlane v37, v0;
	v42 =	vld [tilespmem:s17+$0xFFFFFE10];
	v38 =	vmul.f32 $3.000000120e-01, v31;
	[tilespmem:s12+$0xFFFFFFF0] =	vst v36  }
0x410: {  	v41 =	vperm.xlane v22, v1;
	v36 =	vld [tilespmem:s17+$0xFFFFFE20];
	v30 =	vadd.f32 v26, v30;
	v26 =	vmax.f32 v27, v32;
	[tilespmem:s12+$0x50] =	vst v25  }
0x411: {  	s9 =	sadd.s32 $0x8, s9;
	v32 =	vadd.f32 v37, v34;
	v25 =	vld [tilespmem:s19+$0xFFFFFE50];
	v27 =	vmul.f32 v26, v4;
	v31 =	vmax.f32 v31, v38;
	[tilespmem:s12+$0xB0] =	vst v24  }
0x412: {  	p0 =	slt.u32 s9, $0x78;
	v34 =	vadd.f32 v35, v39;
	v26 =	vld [tilespmem:s19+$0xFFFFFE60];
	v33 =	vadd.f32 v33, v40;
	v24 =	vmul.f32 v31, v5;
	[tilespmem:s12+$0x110] =	vst v20  }
0x413: {  	v22 =	vadd.f32 v22, v41;
	v35 =	vperm.xlane v32, v1;
	v37 =	vperm.xlane v30, v0;
	v31 =	vld [tilespmem:s17+$0xFFFFFE50];
	[tilespmem:s10+$0x170] =	vst v28  }
0x414: {  	v41 =	vmul.f32 $3.000000120e-01, v34;
	v38 =	vld [tilespmem:s17+$0xFFFFFE60];
	v43 =	vmul.f32 $3.000000120e-01, v33;
	v44 =	vadd.f32 v24, v27  }
0x415: {  	v24 =	vmul.f32 $1.442695020e+00, v29;
	v37 =	vadd.f32 v30, v37;
	v36 =	vadd.f32 v36, v23;
	v27 =	vld [tilespmem:s19+$0xFFFFFE90]  }
0x416: {  	v29 =	vmax.f32 v34, v41;
	v28 =	vld [tilespmem:s19+$0xFFFFFEA0];
	v30 =	vmax.f32 v33, v43;
	v34 =	vperm.xlane v44, v0  }
0x417: {  	v43 =	vmul.f32 v29, v2;
	v33 =	vadd.f32 v32, v35;
	v41 =	vld [tilespmem:s17+$0xFFFFFE90];
	v30 =	vmul.f32 v30, v3  }
0x418: {  	v32 =	vmul.f32 $3.000000120e-01, v36;
	v31 =	vadd.f32 v31, v25;
	v35 =	vld [tilespmem:s17+$0xFFFFFEA0];
	v34 =	vadd.f32 v44, v34  }
0x419: {  	v44 =	vperm.xlane v37, v1;
	v38 =	vadd.f32 v38, v26;
	v29 =	vld [tilespmem:s19+$0xFFFFFED0];
	v43 =	vadd.f32 v30, v43  }
0x41a: {  	v32 =	vmax.f32 v36, v32;
	v36 =	vmul.f32 $3.000000120e-01, v31;
	v30 =	vld [tilespmem:s19+$0xFFFFFEE0];
	v45 =	vperm.xlane v34, v1  }
0x41b: {  	v37 =	vadd.f32 v37, v44;
	v46 =	vmul.f32 $3.000000120e-01, v38;
	v47 =	vld [tilespmem:s17+$0xFFFFFED0];
	v48 =	vperm.xlane v43, v0  }
0x41c: {  	v49 =	vmul.f32 v32, v3;
	v32 =	vmax.f32 v31, v36;
	v36 =	vadd.f32 v41, v27;
	v44 =	vld [tilespmem:s17+$0xFFFFFEE0]  }
0x41d: {  	v38 =	vmax.f32 v38, v46;
	v35 =	vadd.f32 v35, v28;
	v31 =	vld [tilespmem:s19+$0xFFFFFF10];
	v43 =	vadd.f32 v43, v48  }
0x41e: {  	v41 =	vadd.f32 v34, v45;
	v46 =	vmul.f32 v32, v2;
	v48 =	vmul.f32 $3.000000120e-01, v36;
	v32 =	vld [tilespmem:s19+$0xFFFFFF20]  }
0x41f: {  	v34 =	vmul.f32 $3.000000120e-01, v35;
	v45 =	vld [tilespmem:s17+$0xFFFFFF10];
	v50 =	vperm.xlane v43, v1  }
0x420: {  	v38 =	vmul.f32 v38, v3;
	v36 =	vmax.f32 v36, v48;
	v47 =	vadd.f32 v47, v29;
	v48 =	vld [tilespmem:s17+$0xFFFFFF20]  }
0x421: {  	v51 =	vmax.f32 v35, v34;
	v44 =	vadd.f32 v44, v30;
	v34 =	vld [tilespmem:s19+$0xFFFFFF50];
	v43 =	vadd.f32 v43, v50  }
0x422: {  	v46 =	vadd.f32 v38, v46;
	v38 =	vmul.f32 v36, v2;
	v36 =	vmul.f32 $3.000000120e-01, v47;
	v35 =	vld [tilespmem:s19+$0xFFFFFF60]  }
0x423: {  	v50 =	vmul.f32 $3.000000120e-01, v44;
	v52 =	vld [tilespmem:s17+$0xFFFFFF50];
	v43 =	vmul.f32 $1.442695020e+00, v43  }
0x424: {  	v51 =	vmul.f32 v51, v3;
	v47 =	vmax.f32 v47, v36;
	v45 =	vadd.f32 v45, v31;
	v53 =	vld [tilespmem:s17+$0xFFFFFF60]  }
0x425: {  	v44 =	vmax.f32 v44, v50;
	v48 =	vadd.f32 v48, v32;
	v36 =	vld [tilespmem:s19+$0xFFFFFF90];
	(erf) = vpow2.f32 v43  }
0x426: {  	v50 =	vadd.f32 v51, v38;
	v47 =	vmul.f32 v47, v2;
	v43 =	vmul.f32 $3.000000120e-01, v45;
	v38 =	vld [tilespmem:s19+$0xFFFFFFA0]  }
0x427: {  	v44 =	vmul.f32 v44, v3;
	v51 =	vmul.f32 $3.000000120e-01, v48;
	v54 =	vld [tilespmem:s17+$0xFFFFFF90]  }
0x428: {  	v55 =	vperm.xlane v46, v0;
	v45 =	vmax.f32 v45, v43;
	v52 =	vadd.f32 v52, v34;
	v56 =	vld [tilespmem:s17+$0xFFFFFFA0]  }
0x429: {  	v43 =	vld [tilespmem:s19+$0xFFFFFE10];
	v45 =	vmul.f32 v45, v2;
	v48 =	vmax.f32 v48, v51;
	v51 =	vadd.f32 v53, v35  }
0x42a: {  	v47 =	vadd.f32 v44, v47;
	v48 =	vmul.f32 v48, v3;
	v53 =	vmul.f32 $3.000000120e-01, v52;
	v44 =	vld [tilespmem:s14+$0xFFFFFFC0];
	s14 =	smov.u32 s19  }
0x42b: {  	v46 =	vadd.f32 v46, v55;
	v55 =	vperm.xlane v50, v0;
	v59 =	vmul.f32 $3.000000120e-01, v51;
	v58 =	vld [tilespmem:s18+$0xFFFFFFB0]  }
0x42c: {  	v45 =	vadd.f32 v48, v45;
	v48 =	vmax.f32 v52, v53;
	v52 =	vadd.f32 v54, v36;
	v53 =	vld [tilespmem:s18+$0xFFFFFFC0];
	s18 =	smov.u32 s17  }
0x42d: {  	v48 =	vmul.f32 v48, v2;
	v51 =	vmax.f32 v51, v59;
	v54 =	vadd.f32 v56, v38  }
0x42e: {  	v42 =	vadd.f32 v42, v43;
	v51 =	vmul.f32 v51, v3;
	v56 =	vmul.f32 $3.000000120e-01, v52;
	v57 =	vpop (erf)  }
0x42f: {  	s10 =	sadd.s32 $0x300, s10;
	v50 =	vadd.f32 v50, v55;
	v55 =	vmul.f32 $3.000000120e-01, v54;
	v39 =	vmul.f32 v57, v39  }
0x430: {  	v40 =	vmul.f32 v57, v40;
	v59 =	vmul.f32 $3.000000120e-01, v42;
	v52 =	vmax.f32 v52, v56;
	[tilespmem:s10+$0x160] =	vst v57  }
0x431: {  	v48 =	vadd.f32 v51, v48;
	v51 =	vmul.f32 v52, v2;
	v52 =	vmax.f32 v54, v55;
	[tilespmem:s10+$0x120] =	vst v39  }
0x432: {  	v39 =	vmax.f32 v42, v59;
	v42 =	vperm.xlane v47, v0;
	v52 =	vmul.f32 v52, v3;
	[tilespmem:s10+$0x130] =	vst v40  }
0x433: {  	v56 =	vadd.f32 v58, v19;
	v55 =	vperm.xlane v45, v0;
	v54 =	vmul.f32 v39, v2;
	v39 =	vld [tilespmem:s19+$0xFFFFFFF0]  }
0x434: {  	v42 =	vadd.f32 v47, v42;
	v47 =	vperm.xlane v48, v0;
	v51 =	vadd.f32 v52, v51;
	v40 =	vld [tilespmem:s19+$0x0]  }
0x435: {  	v45 =	vadd.f32 v45, v55;
	v52 =	vperm.xlane v46, v1;
	v49 =	vadd.f32 v49, v54;
	v54 =	vld [tilespmem:s17+$0xFFFFFFF0]  }
0x436: {  	v55 =	vperm.xlane v50, v1;
	v47 =	vadd.f32 v48, v47;
	v48 =	vperm.xlane v51, v0;
	v57 =	vld [tilespmem:s17+$0x0]  }
0x437: {  	v46 =	vadd.f32 v46, v52;
	v52 =	vperm.xlane v42, v1;
	v58 =	vperm.xlane v49, v0  }
0x438: {  	v59 =	vperm.xlane v45, v1;
	v60 =	vperm.xlane v47, v1;
	v48 =	vadd.f32 v51, v48  }
0x439: {  	v50 =	vadd.f32 v50, v55;
	v46 =	vmul.f32 $1.442695020e+00, v46;
	v49 =	vadd.f32 v49, v58  }
0x43a: {  	v45 =	vadd.f32 v45, v59;
	v42 =	vadd.f32 v42, v52;
	v51 =	vperm.xlane v48, v1  }
0x43b: {  	v54 =	vadd.f32 v54, v39;
	v52 =	vperm.xlane v49, v1;
	v55 =	vadd.f32 v57, v40  }
0x43c: {  	v50 =	vmul.f32 $1.442695020e+00, v50;
	v47 =	vadd.f32 v47, v60;
	v48 =	vadd.f32 v48, v51  }
0x43d: {  	v51 =	vmul.f32 $3.000000120e-01, v54;
	v49 =	vadd.f32 v49, v52;
	v52 =	vmul.f32 $3.000000120e-01, v55  }
0x43e: {  	v53 =	vadd.f32 v53, v44;
	v45 =	vmul.f32 $1.442695020e+00, v45;
	v42 =	vmul.f32 $1.442695020e+00, v42  }
0x43f: {  	v51 =	vmax.f32 v54, v51;
	v49 =	vmul.f32 $1.442695020e+00, v49;
	v52 =	vmax.f32 v55, v52  }
0x440: {  	v51 =	vmul.f32 v51, v4;
	v52 =	vmul.f32 v52, v5  }
0x441: {  	v47 =	vmul.f32 $1.442695020e+00, v47;
	v48 =	vmul.f32 $1.442695020e+00, v48  }
0x442: {  	v51 =	vadd.f32 v52, v51;
	(erf) = vpow2.f32 v49;
	v49 =	vmul.f32 $3.000000120e-01, v56  }
0x443: {  	(erf) = vpow2.f32 v46;
	v46 =	vmul.f32 $3.000000120e-01, v53  }
0x444: {  	v52 =	vperm.xlane v51, v0;
	(erf) = vpow2.f32 v50;
	v49 =	vmax.f32 v56, v49  }
0x445: {  	(erf) = vpow2.f32 v42;
	v42 =	vmul.f32 v49, v4;
	v46 =	vmax.f32 v53, v46  }
0x446: {  	v49 =	vadd.f32 v51, v52;
	(erf) = vpow2.f32 v45;
	v45 =	vmul.f32 v46, v5  }
0x447: {  	v46 =	vmul.f32 $1.442695020e+00, v22;
	(erf) = vpow2.f32 v47  }
0x448: {  	v22 =	vperm.xlane v49, v1;
	(erf) = vpow2.f32 v48;
	v42 =	vadd.f32 v45, v42  }
0x449: {  	v37 =	vmul.f32 $1.442695020e+00, v37;
	v45 =	vmul.f32 $1.442695020e+00, v33  }
0x44a: {  	v41 =	vmul.f32 $1.442695020e+00, v41;
	v49 =	vadd.f32 v49, v22;
	v47 =	vperm.xlane v42, v0  }
0x44b: {  	v22 =	vmul.f32 v20, v6;
	v6 =	vmov v44;
	v48 =	vpop (erf);
	(erf) = vpow2.f32 v21  }
0x44c: {  	v20 =	vmul.f32 v48, v43;
	[tilespmem:s10+$0xFFFFFEC0] =	vst v48;
	v21 =	vmul.f32 $1.442695020e+00, v49;
	v33 =	vpop (erf);
	v42 =	vadd.f32 v42, v47  }
0x44d: {  	v23 =	vmul.f32 v48, v23;
	v25 =	vmul.f32 v33, v25;
	[tilespmem:s10+$0xFFFFFF20] =	vst v33;
	v43 =	vpop (erf)  }
0x44e: {  	[tilespmem:s10+$0xFFFFFE80] =	vst v20;
	v20 =	vmul.f32 v33, v26;
	v26 =	vpop (erf);
	(erf) = vpow2.f32 v21  }
0x44f: {  	v21 =	vmul.f32 v43, v27;
	[tilespmem:s10+$0xFFFFFE90] =	vst v23;
	v23 =	vmul.f32 v43, v28;
	v27 =	vpop (erf)  }
0x450: {  	v28 =	vld [tilespmem:s19+$0xFFFFFE30];
	[tilespmem:s10+$0xFFFFFEE0] =	vst v25;
	v25 =	vmul.f32 v26, v29;
	v29 =	vmul.f32 v26, v30;
	v30 =	vpop (erf)  }
0x451: {  	v44 =	vld [tilespmem:s19+$0xFFFFFE40];
	[tilespmem:s10+$0xFFFFFEF0] =	vst v20;
	v20 =	vmul.f32 v27, v31;
	v31 =	vmul.f32 v27, v32;
	v32 =	vpop (erf)  }
0x452: {  	v47 =	vld [tilespmem:s17+$0xFFFFFE30];
	[tilespmem:s10+$0xFFFFFF40] =	vst v21;
	v21 =	vmul.f32 v30, v34;
	v34 =	vmul.f32 v30, v35  }
0x453: {  	v35 =	vld [tilespmem:s17+$0xFFFFFE40];
	[tilespmem:s10+$0xFFFFFF50] =	vst v23;
	v23 =	vmul.f32 v32, v36;
	v36 =	vmul.f32 v32, v38  }
0x454: {  	v38 =	vld [tilespmem:s19+$0xFFFFFE70];
	[tilespmem:s10+$0xFFFFFFA0] =	vst v25;
	v25 =	vperm.xlane v42, v1;
	v33 =	vpop (erf);
	(erf) = vpow2.f32 v24  }
0x455: {  	v24 =	vld [tilespmem:s19+$0xFFFFFE80];
	[tilespmem:s10+$0xFFFFFFB0] =	vst v29;
	v29 =	vmul.f32 v33, v7;
	(erf) = vpow2.f32 v46;
	v7 =	vmov v28  }
0x456: {  	v46 =	vld [tilespmem:s17+$0xFFFFFE70];
	[tilespmem:s10+$0x0] =	vst v20;
	v20 =	vmul.f32 v33, v8;
	v25 =	vadd.f32 v42, v25;
	(erf) = vpow2.f32 v45;
	v8 =	vmovc v44  }
0x457: {  	v42 =	vadd.f32 v47, v7;
	v44 =	vld [tilespmem:s17+$0xFFFFFE80];
	[tilespmem:s10+$0x10] =	vst v31;
	v28 =	vpop (erf);
	(erf) = vpow2.f32 v37  }
0x458: {  	v31 =	vadd.f32 v35, v8;
	[tilespmem:s10+$0x60] =	vst v21;
	v21 =	vmul.f32 v28, v40;
	v25 =	vmul.f32 $1.442695020e+00, v25  }
0x459: {  	v35 =	vmul.f32 $3.000000120e-01, v42;
	[tilespmem:s10+$0x70] =	vst v34;
	(erf) = vpow2.f32 v41  }
0x45a: {  	v34 =	vmul.f32 $3.000000120e-01, v31;
	[tilespmem:s10+$0x150] =	vst v21;
	(erf) = vpow2.f32 v25  }
0x45b: {  	v21 =	vmax.f32 v42, v35;
	v25 =	vadd.f32 v46, v38;
	[tilespmem:s10+$0xC0] =	vst v23;
	v35 =	vmul.f32 v28, v39  }
0x45c: {  	v21 =	vmul.f32 v21, v4;
	v42 =	vmax.f32 v31, v34;
	v31 =	vadd.f32 v44, v24;
	[tilespmem:s10+$0xD0] =	vst v36  }
0x45d: {  	v41 =	vmul.f32 v42, v5;
	v37 =	vmul.f32 $3.000000120e-01, v25;
	[tilespmem:s10+$0xFFFFFF80] =	vst v43;
	v23 =	vpop (erf)  }
0x45e: {  	v39 =	vmul.f32 $3.000000120e-01, v31;
	v40 =	vld [tilespmem:s19+$0xFFFFFEB0];
	[tilespmem:s10+$0xFFFFFFE0] =	vst v26;
	v26 =	vmul.f32 v23, v9;
	v34 =	vpop (erf);
	v9 =	vmov v38  }
0x45f: {  	v21 =	vadd.f32 v41, v21;
	v41 =	vmax.f32 v25, v37;
	v37 =	vld [tilespmem:s19+$0xFFFFFEC0];
	[tilespmem:s10+$0x40] =	vst v27;
	v27 =	vmul.f32 v23, v10;
	v36 =	vpop (erf)  }
0x460: {  	v38 =	vmul.f32 v41, v4;
	v42 =	vmax.f32 v31, v39;
	v31 =	vld [tilespmem:s17+$0xFFFFFEB0];
	[tilespmem:s10+$0xA0] =	vst v30;
	v30 =	vmul.f32 v34, v14;
	v25 =	vpop (erf)  }
0x461: {  	v10 =	vmov v24;
	v44 =	vperm.xlane v21, v0;
	v39 =	vmul.f32 v42, v5;
	v41 =	vld [tilespmem:s17+$0xFFFFFEC0];
	[tilespmem:s10+$0x100] =	vst v32  }
0x462: {  	v32 =	vmul.f32 v36, v11;
	[tilespmem:s13+$0xFFFFFEA0] =	vst v29;
	v29 =	vmul.f32 v34, v12;
	v11 =	vld [tilespmem:s19+$0xFFFFFEF0];
	v24 =	vpop (erf)  }
0x463: {  	v21 =	vadd.f32 v21, v44;
	v38 =	vadd.f32 v39, v38;
	[tilespmem:s13+$0xFFFFFEB0] =	vst v20;
	v39 =	vmul.f32 v36, v13;
	v13 =	vld [tilespmem:s19+$0xFFFFFF00];
	v20 =	vpop (erf)  }
0x464: {  	v43 =	vmul.f32 v25, v16;
	v14 =	vmovc v40;
	v42 =	vld [tilespmem:s17+$0xFFFFFEF0];
	[tilespmem:s13+$0xFFFFFF00] =	vst v26;
	v26 =	vmul.f32 v25, v15;
	v12 =	vmov v37  }
0x465: {  	v16 =	vperm.xlane v21, v1;
	v37 =	vperm.xlane v38, v0;
	v31 =	vadd.f32 v31, v14;
	v40 =	vld [tilespmem:s17+$0xFFFFFF00];
	[tilespmem:s13+$0xFFFFFF10] =	vst v27  }
0x466: {  	v27 =	vadd.f32 v41, v12;
	v15 =	vld [tilespmem:s19+$0xFFFFFF30];
	[tilespmem:s13+$0xFFFFFF60] =	vst v30;
	v30 =	vmul.f32 v24, v17;
	v41 =	vmul.f32 v24, v18  }
0x467: {  	v21 =	vadd.f32 v21, v16;
	v18 =	vadd.f32 v38, v37;
	v17 =	vmul.f32 $3.000000120e-01, v31;
	v16 =	vld [tilespmem:s19+$0xFFFFFF40];
	[tilespmem:s13+$0xFFFFFF70] =	vst v29  }
0x468: {  	v44 =	vmul.f32 v20, v19;
	v29 =	vmul.f32 $3.000000120e-01, v27;
	v37 =	vld [tilespmem:s17+$0xFFFFFF30];
	[tilespmem:s13+$0xFFFFFFC0] =	vst v32  }
0x469: {  	v19 =	vperm.xlane v18, v1;
	v17 =	vmax.f32 v31, v17;
	v31 =	vadd.f32 v42, v11;
	v32 =	vld [tilespmem:s17+$0xFFFFFF40];
	[tilespmem:s13+$0xFFFFFFD0] =	vst v39  }
.Ltmp1:
0x46a: {  	v38 =	vmul.f32 v17, v4;
	v27 =	vmax.f32 v27, v29;
	v39 =	vadd.f32 v40, v13;
	v17 =	vld [tilespmem:s19+$0xFFFFFF70];
	[tilespmem:s13+$0x20] =	vst v26;
	(pc) =	sbr.rel @p0 .LBB2_5-.Ltmp1, $4  }
0x46b: {  	v29 =	vadd.f32 v18, v19;
	v19 =	vmul.f32 v27, v5;
	v40 =	vmul.f32 $3.000000120e-01, v31;
	v18 =	vld [tilespmem:s19+$0xFFFFFF80];
	[tilespmem:s13+$0x30] =	vst v43  }
0x46c: {  	v21 =	vmul.f32 $1.442695020e+00, v21;
	v42 =	vmul.f32 $3.000000120e-01, v39;
	v27 =	vld [tilespmem:s17+$0xFFFFFF70];
	[tilespmem:s13+$0x80] =	vst v30  }
0x46d: {  	v26 =	vadd.f32 v19, v38;
	v19 =	vmax.f32 v31, v40;
	v30 =	vadd.f32 v37, v15;
	v31 =	vld [tilespmem:s17+$0xFFFFFF80];
	[tilespmem:s13+$0x90] =	vst v41  }
0x46e: {  	s19 =	sadd.s32 $0x200, s19;
	v37 =	vmul.f32 v19, v4;
	v38 =	vmax.f32 v39, v42;
	v32 =	vadd.f32 v32, v16;
	v19 =	vld [tilespmem:s14+$0xFFFFFFB0];
	[tilespmem:s13+$0xE0] =	vst v44  }
0x46f: {  	v39 =	vld [tilespmem:s14+$0xFFFFFFC0];
	v38 =	vmul.f32 v38, v5;
	v41 =	vmul.f32 $3.000000120e-01, v30  }
0x470: {  	v40 =	vld [tilespmem:s18+$0xFFFFFFB0];
	v55 =	vperm.xlane v26, v0;
	(erf) = vpow2.f32 v21  }
0x471: {  	v42 =	vld [tilespmem:s18+$0xFFFFFFC0];
	v29 =	vmul.f32 $1.442695020e+00, v29;
	v43 =	vmul.f32 $3.000000120e-01, v32;
	v27 =	vadd.f32 v27, v17  }
0x472: {  	v37 =	vadd.f32 v38, v37;
	v30 =	vmax.f32 v30, v41;
	v26 =	vadd.f32 v26, v55  }
0x473: {  	(erf) = vpow2.f32 v29;
	v32 =	vmax.f32 v32, v43;
	v30 =	vmul.f32 v30, v4  }
0x474: {  	v31 =	vadd.f32 v31, v18;
	v44 =	vmul.f32 $3.000000120e-01, v27;
	v32 =	vmul.f32 v32, v5  }
0x475: {  	v56 =	vperm.xlane v37, v0;
	v59 =	vperm.xlane v26, v1  }
0x476: {  	v54 =	vmul.f32 $3.000000120e-01, v31;
	v40 =	vadd.f32 v40, v19;
	v42 =	vadd.f32 v42, v39  }
0x477: {  	v27 =	vmax.f32 v27, v44;
	v30 =	vadd.f32 v32, v30;
	v26 =	vadd.f32 v26, v59  }
0x478: {  	[tilespmem:s12+$0xF0] =	vst v22;
	v31 =	vmax.f32 v31, v54;
	v27 =	vmul.f32 v27, v4;
	v57 =	vmul.f32 $3.000000120e-01, v40  }
0x479: {  	[tilespmem:s10+$0x140] =	vst v35;
	v37 =	vadd.f32 v37, v56;
	v58 =	vmul.f32 $3.000000120e-01, v42;
	v31 =	vmul.f32 v31, v5  }
0x47a: {  	[tilespmem:s13+$0xFFFFFED0] =	vst v33;
	v61 =	vperm.xlane v30, v0;
	v26 =	vmul.f32 $1.442695020e+00, v26;
	v32 =	vmax.f32 v40, v57  }
0x47b: {  	[tilespmem:s13+$0xFFFFFF30] =	vst v23;
	v60 =	vmax.f32 v42, v58;
	v42 =	vperm.xlane v37, v1;
	v27 =	vadd.f32 v31, v27  }
0x47c: {  	[tilespmem:s13+$0xFFFFFF90] =	vst v34;
	v62 =	vmul.f32 v32, v4;
	v63 =	vmul.f32 v60, v5;
	v30 =	vadd.f32 v30, v61  }
0x47d: {  	[tilespmem:s13+$0xFFFFFFF0] =	vst v36;
	v21 =	vadd.f32 v37, v42;
	v41 =	vperm.xlane v27, v0  }
0x47e: {  	[tilespmem:s13+$0x50] =	vst v25;
	(erf) = vpow2.f32 v26;
	v31 =	vadd.f32 v63, v62;
	v43 =	vperm.xlane v30, v1  }
0x47f: {  	[tilespmem:s13+$0xB0] =	vst v24;
	v21 =	vmul.f32 $1.442695020e+00, v21;
	v27 =	vadd.f32 v27, v41  }
0x480: {  	[tilespmem:s13+$0x110] =	vst v20;
	v6 =	vmul.f32 v20, v6;
	v44 =	vperm.xlane v31, v0;
	v30 =	vadd.f32 v30, v43  }
0x481: {  	[tilespmem:s10+$0x170] =	vst v28;
	v50 =	vpop (erf);
	(erf) = vpow2.f32 v21;
	v45 =	vperm.xlane v27, v1  }
0x482: {  	[tilespmem:s13+$0xF0] =	vst v6;
	v7 =	vmul.f32 v50, v7;
	v22 =	vadd.f32 v31, v44;
	v46 =	vmul.f32 $1.442695020e+00, v30  }
0x483: {  	v8 =	vmul.f32 v50, v8;
	[tilespmem:s10+$0xFFFFFED0] =	vst v50;
	v47 =	vadd.f32 v27, v45  }
0x484: {  	v51 =	vpop (erf);
	[tilespmem:s10+$0xFFFFFEA0] =	vst v7;
	v48 =	vperm.xlane v22, v1;
	(erf) = vpow2.f32 v46  }
0x485: {  	v9 =	vmul.f32 v51, v9;
	[tilespmem:s10+$0xFFFFFEB0] =	vst v8;
	v49 =	vmul.f32 $1.442695020e+00, v47  }
0x486: {  	v10 =	vmul.f32 v51, v10;
	[tilespmem:s10+$0xFFFFFF30] =	vst v51;
	v22 =	vadd.f32 v22, v48  }
0x487: {  	[tilespmem:s10+$0xFFFFFF00] =	vst v9;
	v7 =	vpop (erf);
	(erf) = vpow2.f32 v49  }
0x488: {  	[tilespmem:s10+$0xFFFFFF10] =	vst v10;
	v52 =	vmul.f32 v7, v14;
	v22 =	vmul.f32 $1.442695020e+00, v22  }
0x489: {  	v12 =	vmul.f32 v7, v12;
	[tilespmem:s10+$0xFFFFFF90] =	vst v7  }
0x48a: {  	[tilespmem:s10+$0xFFFFFF60] =	vst v52;
	(erf) = vpow2.f32 v22;
	v53 =	vpop (erf)  }
0x48b: {  	[tilespmem:s10+$0xFFFFFF70] =	vst v12;
	v54 =	vmul.f32 v53, v11  }
0x48c: {  	v56 =	vmul.f32 v53, v13;
	[tilespmem:s10+$0xFFFFFFF0] =	vst v53  }
0x48d: {  	v55 =	vpop (erf);
	[tilespmem:s10+$0xFFFFFFC0] =	vst v54  }
0x48e: {  	[tilespmem:s10+$0xFFFFFFD0] =	vst v56;
	v57 =	vmul.f32 v55, v15  }
0x48f: {  	v59 =	vmul.f32 v55, v16;
	[tilespmem:s10+$0x50] =	vst v55  }
0x490: {  	[tilespmem:s10+$0x20] =	vst v57;
	v58 =	vpop (erf)  }
0x491: {  	[tilespmem:s10+$0x30] =	vst v59;
	v60 =	vmul.f32 v58, v17  }
0x492: {  	v62 =	vmul.f32 v58, v18;
	[tilespmem:s10+$0xB0] =	vst v58  }
0x493: {  	v61 =	vpop (erf);
	[tilespmem:s10+$0x80] =	vst v60  }
0x494: {  	v63 =	vmul.f32 v61, v19;
	[tilespmem:s10+$0x90] =	vst v62  }
0x495: {  	s11 =	sadd.s32 $0x1, s11;
	v6 =	vmul.f32 v61, v39;
	[tilespmem:s10+$0x110] =	vst v61  }
0x496: {  	p0 =	sne.s32 s11, $0x28;
	[tilespmem:s10+$0xE0] =	vst v63  }
.Ltmp2:
0x497: {  	[tilespmem:s10+$0xF0] =	vst v6;
	(pc) =	sbr.rel @p0 .LBB2_2-.Ltmp2, $4  }
0x498: {  	[spmem:s3] =	stream.indirect.scatter.add.f32 [tilespmem:s21], [sflag:$0x5], $0x60, s2, s23, $0xb8;
	[tilespmem:$0x19FC0] =	vst v63  }
0x499: {  	_ =	swait.ge [sflag:s20], $0x3000  }
0x49a: {  	[sflag:s20] =	ssyncset.done $0x0  }
0x49b: {  	[sflag:s20] =	ssyncadd.s32 $0xFFFFD000  }
0x49c: {  	_ =	swait.ge [sflag:s29], $0x80  }
0x49d: {  	[sflag:s29] =	ssyncset.done $0x0  }
0x49e: {  	[sflag:s29] =	ssyncadd.s32 $0xFFFFFF80  }
0x49f: {  	_ =	swait.ge [sflag:s29], $0x80  }
0x4a0: {  	[sflag:s29] =	ssyncset.done $0x0  }
0x4a1: {  	[sflag:s29] =	ssyncadd.s32 $0xFFFFFF80  }
0x4a2: {  	_ =	swait.ge [sflag:s0], $0x2000  }
0x4a3: {  	[sflag:s0] =	ssyncset.done $0x0  }
0x4a4: {  	[sflag:s0] =	ssyncadd.s32 $0xFFFFE000  }
0x4a5: {  	_ =	swait.ge [sflag:s0], $0x2000  }
0x4a6: {  	[sflag:s0] =	ssyncset.done $0x0  }
0x4a7: {  	[sflag:s0] =	ssyncadd.s32 $0xFFFFE000  }
0x4a8: {  	[bflag:$0x0] =	sbarrier.arrive $0xFFFF  }
0x4a9: {  	s11 =	rddreg [dreg:$0x6]  }
0x4aa: {  	s9 =	rddreg [dreg:$0xb]  }
0x4ab: {  	s10 =	rddreg [dreg:$0xd]  }
0x4ac: {  	[hbm:s9], [sflag:s11] =	dma.local [spmem:s10], $0x1DA0  }
0x4ad: {  	_ =	swait.ge [sflag:s20], $0x1DA0  }
0x4ae: {  	s12 =	rddreg [dreg:$0xe]  }
0x4af: {  	s30 =	rddreg [dreg:$0xc];
	s12 =	sadd.s32 $0x1, s12  }
0x4b0: {  	p0 =	sne.s32 s12, s30  }
.Ltmp3:
0x4b1: {  	_ = 	snop;
	(pc) =	sbr.rel @p0 .LBB2_1-.Ltmp3, $3  }
0x4b2: {  	_ =	sdelay $0x1  }
0x4b3: {  	[sflag:s20] =	ssyncset.done $0x0  }
0x4b4: {  	[sflag:s20] =	ssyncadd.s32 $0xFFFFE260  }
0x4b5: {  	_ =	sfence.sel $0x180000  }
0x4b6: {  	[bflag:$0x0] =	sbarrier.arrive $0xFFFF  }
0x4b7: {  	_ =	strace $0x90000047  }
0x4b8: {  	s0 =	stileid.u32;
	[bflag:$0x2] =	sbarrier.arrive $0xFFFF  }
0x4b9: {  	p0 =	sne.s32 s0, $0x0;
	s0 =	rddreg [dreg:$0x3]  }
0x4ba: {  	s0 =	sadd.s32 @!p0 $0x100000, s0  }
0x4bb: {  	[sflag:s0] =	ssyncadd.tile.s32 @!p0 $0x1;
	_ =	shalt  }
.Lfunc_end2:
_tile_overlayer_lowered:
.L_overlay_start_2:
0x4bc: {  	(tag) =	ssettag $0x2  }
0x4bd: {  	s0 =	rddreg [dreg:$0x0];
	s2 =	stileid.u32  }
0x4be: {  	s1 =	rddreg [dreg:$0x1];
	p0 =	sne.s32 s2, $0x0  }
0x4bf: {  	s3 =	rddreg [dreg:$0x2];
	[bflag:$0x3] =	sbarrier.arrive $0xFFFF;
	s2 =	simm.s32 @!p0 $0x1C05  }
0x4c0: {  	[timem:s3], [sflag:s2] =	dma.local @!p0 [hbm:s0], s1  }
0x4c1: {  	s0 =	simm.s32 @!p0 $0x5  }
0x4c2: {  	_ =	swait.ge @!p0 [sflag:s0], s1  }
0x4c3: {  	s1 =	ssub.s32 @!p0 $0x0, s1;
	[sflag:s0] =	ssyncset.done @!p0 $0x0  }
0x4c4: {  	[sflag:s0] =	ssyncadd.s32 @!p0 s1  }
0x4c5: {  	[bflag:$0x3] =	sbarrier.arrive $0xFFFF  }
0x4c6: {  	_ =	shalt  }

</sc_bundles>
